<compile_context>
chip_gen: v7x
topology: tpu7x:2x2x1
jax: 0.10.2.dev20260603
libtpu: 0.0.44.dev20260713+nightly
codegen_flags: <defaults>
</compile_context>

<pallas_src>
import functools

import jax
import jax.numpy as jnp
from jax import lax
from jax.experimental import pallas as pl
from jax.experimental.pallas import tpu as pltpu
from jax.experimental.pallas import tpu_sc as plsc

N = 10000
E = 320000
D = 128

NC = 2
NS = 16
NW = NC * NS
EPW = E // NW
B = 128
NB = 80
EPAD = NW * NB * B
PADW = (EPAD - E) // NW
NTRASH = N + 128
CH = 8
SUP = 16
NSUP = NB // SUP

ROWS_A = 624
TAIL0 = NS * ROWS_A
TAIL = N - TAIL0


def _sc_mesh():
    return plsc.VectorSubcoreMesh(core_axis_name="c", subcore_axis_name="s")


def _tilewise_copy(src, dst, sid):
    r0 = sid * ROWS_A
    pltpu.sync_copy(src.at[pl.ds(r0, ROWS_A)], dst.at[pl.ds(r0, ROWS_A)])

    @pl.when(sid == NS - 1)
    def _():
        pltpu.sync_copy(src.at[pl.ds(TAIL0, TAIL)], dst.at[pl.ds(TAIL0, TAIL)])


@functools.partial(
    pl.kernel,
    out_type=jax.ShapeDtypeStruct((NC * N,), jnp.float32),
    mesh=_sc_mesh(),
    scratch_types=[
        pltpu.VMEM((NB, B), jnp.int32),
        pltpu.VMEM((B,), jnp.float32),
        pltpu.VMEM((ROWS_A,), jnp.float32),
        pltpu.VMEM_SHARED((NTRASH,), jnp.float32),
    ],
)
def _deg_kernel(ei3_hbm, ones_hbm, zeros_hbm, out_hbm, didx_v, ones_v, vbuf,
                acc_sh):
    cid = lax.axis_index("c")
    sid = lax.axis_index("s")
    wid = cid * NS + sid
    r0 = sid * ROWS_A
    pltpu.sync_copy(zeros_hbm, vbuf)
    pltpu.sync_copy(vbuf, acc_sh.at[pl.ds(r0, ROWS_A)])

    @pl.when(sid == NS - 1)
    def _():
        pltpu.sync_copy(vbuf.at[pl.ds(0, TAIL + NTRASH - N)],
                        acc_sh.at[pl.ds(TAIL0, TAIL + NTRASH - N)])

    pltpu.sync_copy(ones_hbm, ones_v)
    pltpu.sync_copy(ei3_hbm.at[1, wid], didx_v)
    plsc.subcore_barrier()

    def body(j, carry):
        pltpu.sync_copy(ones_v, acc_sh.at[didx_v.at[j]], add=True)
        return carry

    lax.fori_loop(0, NB, body, 0)
    plsc.subcore_barrier()
    o0 = cid * N + r0
    pltpu.sync_copy(acc_sh.at[pl.ds(r0, ROWS_A)], vbuf)
    pltpu.sync_copy(vbuf, out_hbm.at[pl.ds(o0, ROWS_A)])

    @pl.when(sid == NS - 1)
    def _():
        pltpu.sync_copy(acc_sh.at[pl.ds(TAIL0, TAIL)], vbuf.at[pl.ds(0, TAIL)])
        pltpu.sync_copy(vbuf.at[pl.ds(0, TAIL)],
                        out_hbm.at[pl.ds(cid * N + TAIL0, TAIL)])


@functools.partial(
    pl.kernel,
    out_type=jax.ShapeDtypeStruct((NC, N, D), jnp.float32),
    mesh=_sc_mesh(),
    scratch_types=[
        pltpu.VMEM((NB, B), jnp.int32),
        pltpu.VMEM((CH, B), jnp.int32),
        pltpu.VMEM((CH, B), jnp.int32),
        pltpu.VMEM((B, D), jnp.float32),
        pltpu.VMEM((B, D), jnp.float32),
        pltpu.VMEM_SHARED((NTRASH, D), jnp.float32),
        pltpu.SemaphoreType.DMA,
        pltpu.SemaphoreType.DMA,
        pltpu.SemaphoreType.DMA,
        pltpu.SemaphoreType.DMA,
        pltpu.SemaphoreType.DMA,
    ],
)
def _agg_kernel(g_hbm, ei3_hbm, zeros_hbm, out_hbm,
                sidx_v, dc0, dc1, rows0, rows1, acc_sh,
                g_sem0, g_sem1, s_sem0, s_sem1, i_sem):
    cid = lax.axis_index("c")
    sid = lax.axis_index("s")
    wid = cid * NS + sid
    r0_ = sid * ROWS_A
    pltpu.async_copy(zeros_hbm, acc_sh.at[pl.ds(r0_, ROWS_A)], s_sem0)
    pltpu.async_copy(ei3_hbm.at[0, wid], sidx_v, g_sem0)
    pltpu.async_copy(ei3_hbm.at[1, wid, pl.ds(0, CH)], dc0, g_sem1)

    @pl.when(sid == NS - 1)
    def _():
        pltpu.async_copy(zeros_hbm.at[pl.ds(0, TAIL + NTRASH - N)],
                         acc_sh.at[pl.ds(TAIL0, TAIL + NTRASH - N)], s_sem1)
        pltpu.make_async_copy(
            zeros_hbm.at[pl.ds(0, TAIL + NTRASH - N)],
            acc_sh.at[pl.ds(TAIL0, TAIL + NTRASH - N)], s_sem1).wait()

    pltpu.make_async_copy(zeros_hbm, acc_sh.at[pl.ds(r0_, ROWS_A)],
                          s_sem0).wait()
    pltpu.make_async_copy(ei3_hbm.at[0, wid], sidx_v, g_sem0).wait()
    pltpu.make_async_copy(ei3_hbm.at[1, wid, pl.ds(0, CH)], dc0,
                          g_sem1).wait()
    plsc.subcore_barrier()

    rows = (rows0, rows1)
    dcs = (dc0, dc1)
    g_sems = (g_sem0, g_sem1)
    s_sems = (s_sem0, s_sem1)

    def wait_g(p, j):
        pltpu.make_async_copy(g_hbm.at[sidx_v.at[j]], rows[p], g_sems[p]).wait()

    def wait_s(p):
        pltpu.make_async_copy(rows[p], acc_sh.at[dc0.at[0]], s_sems[p]).wait()

    def wait_i(dc):
        pltpu.make_async_copy(ei3_hbm.at[1, wid, pl.ds(0, CH)], dc,
                              i_sem).wait()

    pltpu.async_copy(g_hbm.at[sidx_v.at[0]], rows0, g_sem0)

    def body(s, carry):
        for q in range(SUP // 2):
            k = 2 * q
            j = SUP * s + k
            pc = (k // CH) % 2
            r = k % CH
            if q == 0:
                @pl.when(s > 0)
                def _():
                    wait_i(dc0)
            if k == CH:
                wait_i(dc1)
            wait_g(0, j)
            pltpu.async_copy(rows0, acc_sh.at[dcs[pc].at[r]], s_sems[0],
                             add=True)
            if q == 0:
                @pl.when(s > 0)
                def _():
                    wait_s(1)
            else:
                wait_s(1)
            if q == 0:
                pltpu.async_copy(
                    ei3_hbm.at[1, wid, pl.ds((2 * s + 1) * CH, CH)], dc1,
                    i_sem)
            if q == CH // 2:
                @pl.when(s < NSUP - 1)
                def _():
                    pltpu.async_copy(
                        ei3_hbm.at[1, wid, pl.ds((2 * s + 2) * CH, CH)], dc0,
                        i_sem)
            pltpu.async_copy(g_hbm.at[sidx_v.at[j + 1]], rows1, g_sems[1])
            wait_g(1, j + 1)
            pltpu.async_copy(rows1, acc_sh.at[dcs[pc].at[r + 1]], s_sems[1],
                             add=True)
            wait_s(0)
            @pl.when(j + 2 < NB)
            def _():
                pltpu.async_copy(g_hbm.at[sidx_v.at[j + 2]], rows0, g_sems[0])

        return carry

    lax.fori_loop(0, NSUP, body, 0)
    wait_s(1)
    plsc.subcore_barrier()
    _tilewise_copy(acc_sh, out_hbm.at[cid], sid)


_RB = 5000


def _dis_block(d_ref):
    deg = d_ref[...] + 1.0
    return lax.rsqrt(deg)


def _tc_mm_body(x_ref, w_ref, p_ref):
    p_ref[...] = jnp.dot(x_ref[...], w_ref[...],
                         preferred_element_type=jnp.float32)


def _tc_scale_body(p_ref, d_ref, g0_ref):
    g0_ref[...] = p_ref[...] * _dis_block(d_ref)


def _tc_mid_body(s0_ref, s1_ref, g_ref, d_ref, b_ref, w_ref, out_ref):
    dis = _dis_block(d_ref)
    t = dis * (s0_ref[0] + s1_ref[0] + g_ref[...]) + b_ref[...]
    h = jnp.where(t >= 0.0, t, 0.01 * t)
    out_ref[...] = jnp.dot(h, w_ref[...], preferred_element_type=jnp.float32) * dis


def _tc_last_body(s0_ref, s1_ref, g_ref, d_ref, b_ref, out_ref):
    dis = _dis_block(d_ref)
    t = dis * (s0_ref[0] + s1_ref[0] + g_ref[...]) + b_ref[...]
    out_ref[...] = jnp.where(t >= 0.0, t, 0.01 * t)


_row_spec = pl.BlockSpec((_RB, D), lambda i: (i, 0))
_deg_spec = pl.BlockSpec((_RB, 1), lambda i: (i, 0))
_w_spec = pl.BlockSpec((D, D), lambda i: (0, 0))
_b_spec = pl.BlockSpec((1, D), lambda i: (0, 0))
_s0_spec = pl.BlockSpec((1, _RB, D), lambda i: (0, i, 0))
_s1_spec = pl.BlockSpec((1, _RB, D), lambda i: (1, i, 0))
_out_struct = jax.ShapeDtypeStruct((N, D), jnp.float32)

_tc_mm = pl.pallas_call(
    _tc_mm_body, grid=(N // _RB,),
    in_specs=[_row_spec, _w_spec],
    out_specs=_row_spec, out_shape=_out_struct)

_tc_scale = pl.pallas_call(
    _tc_scale_body, grid=(N // _RB,),
    in_specs=[_row_spec, _deg_spec],
    out_specs=_row_spec, out_shape=_out_struct)

_tc_mid = pl.pallas_call(
    _tc_mid_body, grid=(N // _RB,),
    in_specs=[_s0_spec, _s1_spec, _row_spec, _deg_spec, _b_spec, _w_spec],
    out_specs=_row_spec, out_shape=_out_struct)

_tc_last = pl.pallas_call(
    _tc_last_body, grid=(N // _RB,),
    in_specs=[_s0_spec, _s1_spec, _row_spec, _deg_spec, _b_spec],
    out_specs=_row_spec, out_shape=_out_struct)


def kernel(x, edge_index, W0, b0, W1, b1):
    ei = edge_index.astype(jnp.int32).reshape(2, NW, EPW)
    padw = jnp.arange(PADW, dtype=jnp.int32)
    pads = jnp.stack([
        jnp.broadcast_to((padw * 37) % N, (NW, PADW)),
        jnp.broadcast_to(N + padw % (NTRASH - N), (NW, PADW)),
    ])
    ei3 = jnp.concatenate([ei, pads], axis=2).reshape(2, NW, NB, B)
    ones1 = jnp.ones((B,), jnp.float32)
    zeros1 = jnp.zeros((ROWS_A,), jnp.float32)
    zeros_sm = jnp.zeros((ROWS_A, D), jnp.float32)

    p0 = _tc_mm(x, W0)
    degp = _deg_kernel(ei3, ones1, zeros1)
    dd = (degp[:N] + degp[N:]).reshape(N, 1)

    g0 = _tc_scale(p0, dd)
    s0 = _agg_kernel(g0, ei3, zeros_sm)
    g1 = _tc_mid(s0, s0, g0, dd, b0.reshape(1, D), W1)
    s1 = _agg_kernel(g1, ei3, zeros_sm)
    return _tc_last(s1, s1, g1, dd, b1.reshape(1, D))

# --- scband reference (transcript-rebuilt; emitter-appended) ---
"""Pipeline reference for scband-gnn-1288490189481 (READ-ONLY COPY).

The authoritative reference and input builder live on the scoring server;
editing this copy changes nothing except your own understanding.
"""

import jax, jax.numpy as jnp
import numpy as np

N_NODES = 10000
N_EDGES = 320000
D_IN = 128
D_HID = 128


def setup_inputs(seed: int = 0) -> dict:
    key = jax.random.key(seed)
    k1, k2, k3, k4 = jax.random.split(key, 4)
    x = jax.random.normal(k1, (N_NODES, D_IN), dtype=jnp.float32)
    edge_index = jax.random.randint(k2, (2, N_EDGES), 0, N_NODES, dtype=jnp.int64)
    # xavier uniform init for the two GCN linear layers
    lim0 = float(np.sqrt(6.0 / (D_IN + D_HID)))
    lim1 = float(np.sqrt(6.0 / (D_HID + D_HID)))
    W0 = jax.random.uniform(k3, (D_IN, D_HID), minval=-lim0, maxval=lim0, dtype=jnp.float32)
    W1 = jax.random.uniform(k4, (D_HID, D_HID), minval=-lim1, maxval=lim1, dtype=jnp.float32)
    b0 = jnp.zeros((D_HID,), dtype=jnp.float32)
    b1 = jnp.zeros((D_HID,), dtype=jnp.float32)
    return {"x": x, "edge_index": edge_index, "W0": W0, "b0": b0, "W1": W1, "b1": b1}


def _gcn_conv(h, edge_index, W, b, num_nodes):
    # h' = D^{-1/2} (A + I) D^{-1/2} (h W) + b   (PyG GCNConv semantics)
    h = h @ W
    src = edge_index[0]
    dst = edge_index[1]
    loop = jnp.arange(num_nodes, dtype=src.dtype)
    src = jnp.concatenate([src, loop])
    dst = jnp.concatenate([dst, loop])
    ones = jnp.ones(src.shape[0], dtype=h.dtype)
    deg = jnp.zeros((num_nodes,), dtype=h.dtype).at[dst].add(ones)
    deg_inv_sqrt = jnp.where(deg > 0, jax.lax.rsqrt(jnp.maximum(deg, 1e-12)), 0.0)
    norm = deg_inv_sqrt[src] * deg_inv_sqrt[dst]
    msgs = h[src] * norm[:, None]
    out = jax.ops.segment_sum(msgs, dst, num_segments=num_nodes)
    return out + b


def reference(x, edge_index, W0, b0, W1, b1):
    h = _gcn_conv(x, edge_index, W0, b0, N_NODES)
    h = jnp.where(h >= 0, h, 0.01 * h)  # LeakyReLU(0.01)
    h = _gcn_conv(h, edge_index, W1, b1, N_NODES)
    h = jnp.where(h >= 0, h, 0.01 * h)
    return h

if __name__ == "__main__":
    import jax
    _d = setup_inputs()
    print(jax.jit(kernel)(*tuple(_d.values())))

</pallas_src>

<mosaic_0001>
#map = affine_map<(d0, d1) -> (0, 0)>
#map1 = affine_map<(d0, d1) -> (0, 0, 0, 0)>
#map2 = affine_map<(d0, d1) -> (0, 0, 0)>
module attributes {stable_mosaic.version = 14 : i64} {
  func.func @_agg_kernel(%arg0: i32, %arg1: i32, %arg2: memref<10000x128xf32, #tpu.memory_space<hbm>>, %arg3: memref<2x32x80x128xi32, #tpu.memory_space<hbm>>, %arg4: memref<624x128xf32, #tpu.memory_space<hbm>>, %arg5: memref<2x10000x128xf32, #tpu.memory_space<hbm>>, %arg6: memref<80x128xi32, #tpu.memory_space<vmem>>, %arg7: memref<8x128xi32, #tpu.memory_space<vmem>>, %arg8: memref<8x128xi32, #tpu.memory_space<vmem>>, %arg9: memref<128x128xf32, #tpu.memory_space<vmem>>, %arg10: memref<128x128xf32, #tpu.memory_space<vmem>>, %arg11: memref<10128x128xf32, #tpu.memory_space<vmem_shared>>, %arg12: memref<!tpu.dma_semaphore, #tpu.memory_space<semaphore_mem>>, %arg13: memref<!tpu.dma_semaphore, #tpu.memory_space<semaphore_mem>>, %arg14: memref<!tpu.dma_semaphore, #tpu.memory_space<semaphore_mem>>, %arg15: memref<!tpu.dma_semaphore, #tpu.memory_space<semaphore_mem>>, %arg16: memref<!tpu.dma_semaphore, #tpu.memory_space<semaphore_mem>>) attributes {dimension_semantics = [#tpu.dimension_semantics<core_parallel>, #tpu.dimension_semantics<subcore_parallel>], iteration_bounds = array<i64: 2, 16>, scalar_prefetch = 0 : i64, scratch_operands = 11 : i64, tpu.core_type = #tpu.core_type<sc_vector_subcore>, window_params = [{transform_indices = #map}, {transform_indices = #map1}, {transform_indices = #map}, {transform_indices = #map2}]} {
    %mul3A = arith.constant 16 : i32
    %mul3A_0 = arith.muli %arg0, %mul3A : i32
    %add3A = arith.addi %mul3A_0, %arg1 : i32
    %mul3A_1 = arith.constant 624 : i32
    %mul3A_2 = arith.muli %arg1, %mul3A_1 : i32
    %dma_start3A = arith.constant 0 : i32
    %dma_start3A_3 = tpu.memref_slice %arg11[%mul3A_2, %dma_start3A] : memref<10128x128xf32, #tpu.memory_space<vmem_shared>> -> memref<624x128xf32, #tpu.memory_space<vmem_shared>>
    tpu.enqueue_dma source(%arg4 : memref<624x128xf32, #tpu.memory_space<hbm>>) target(%dma_start3A_3 : memref<624x128xf32, #tpu.memory_space<vmem_shared>>) target_semaphore(%arg14 : memref<!tpu.dma_semaphore, #tpu.memory_space<semaphore_mem>>)
    %dma_start3A_4 = arith.constant 0 : i32
    %dma_start3A_5 = arith.constant 0 : i32
    %dma_start3A_6 = arith.constant 0 : i32
    %dma_start3A_7 = tpu.memref_slice %arg3[%dma_start3A_4, %add3A, %dma_start3A_5, %dma_start3A_6] : memref<2x32x80x128xi32, #tpu.memory_space<hbm>> -> memref<1x1x80x128xi32, #tpu.memory_space<hbm>>
    %dma_start3A_8 = tpu.memref_squeeze %dma_start3A_7 : memref<1x1x80x128xi32, #tpu.memory_space<hbm>> -> memref<80x128xi32, #tpu.memory_space<hbm>>
    %dma_start3A_9 = arith.constant 0 : i32
    %dma_start3A_10 = arith.constant 0 : i32
    %dma_start3A_11 = tpu.memref_slice %arg3[%dma_start3A_4, %add3A, %dma_start3A_9, %dma_start3A_10] : memref<2x32x80x128xi32, #tpu.memory_space<hbm>> -> memref<1x1x80x128xi32, #tpu.memory_space<hbm>>
    %dma_start3A_12 = tpu.memref_squeeze %dma_start3A_11 : memref<1x1x80x128xi32, #tpu.memory_space<hbm>> -> memref<80x128xi32, #tpu.memory_space<hbm>>
    tpu.enqueue_dma source(%dma_start3A_12 : memref<80x128xi32, #tpu.memory_space<hbm>>) target(%arg6 : memref<80x128xi32, #tpu.memory_space<vmem>>) target_semaphore(%arg12 : memref<!tpu.dma_semaphore, #tpu.memory_space<semaphore_mem>>)
    %dma_start3A_13 = arith.constant 1 : i32
    %dma_start3A_14 = arith.constant 0 : i32
    %dma_start3A_15 = arith.constant 0 : i32
    %dma_start3A_16 = tpu.memref_slice %arg3[%dma_start3A_13, %add3A, %dma_start3A_14, %dma_start3A_15] : memref<2x32x80x128xi32, #tpu.memory_space<hbm>> -> memref<1x1x8x128xi32, #tpu.memory_space<hbm>>
    %dma_start3A_17 = tpu.memref_squeeze %dma_start3A_16 : memref<1x1x8x128xi32, #tpu.memory_space<hbm>> -> memref<8x128xi32, #tpu.memory_space<hbm>>
    %dma_start3A_18 = arith.constant 0 : i32
    %dma_start3A_19 = arith.constant 0 : i32
    %dma_start3A_20 = tpu.memref_slice %arg3[%dma_start3A_13, %add3A, %dma_start3A_18, %dma_start3A_19] : memref<2x32x80x128xi32, #tpu.memory_space<hbm>> -> memref<1x1x8x128xi32, #tpu.memory_space<hbm>>
    %dma_start3A_21 = tpu.memref_squeeze %dma_start3A_20 : memref<1x1x8x128xi32, #tpu.memory_space<hbm>> -> memref<8x128xi32, #tpu.memory_space<hbm>>
    tpu.enqueue_dma source(%dma_start3A_21 : memref<8x128xi32, #tpu.memory_space<hbm>>) target(%arg7 : memref<8x128xi32, #tpu.memory_space<vmem>>) target_semaphore(%arg13 : memref<!tpu.dma_semaphore, #tpu.memory_space<semaphore_mem>>)
    %eq3A = arith.constant 15 : i32
    %eq3A_22 = arith.cmpi eq, %arg1, %eq3A : i32
    %convert_element_type3A = arith.extui %eq3A_22 : i1 to i32
    %cond3A = arith.constant 0 : i32
    %cond3A_23 = arith.cmpi ne, %convert_element_type3A, %cond3A : i32
    scf.if %cond3A_23 {
      %dma_start3A_70 = arith.constant 9984 : i32
      %dma_start3A_71 = arith.constant 0 : i32
      %dma_start3A_72 = tpu.memref_slice %arg11[%dma_start3A_70, %dma_start3A_71] : memref<10128x128xf32, #tpu.memory_space<vmem_shared>> -> memref<144x128xf32, #tpu.memory_space<vmem_shared>>
      %dma_start3A_73 = arith.constant 0 : i32
      %dma_start3A_74 = arith.constant 0 : i32
      %dma_start3A_75 = tpu.memref_slice %arg4[%dma_start3A_73, %dma_start3A_74] : memref<624x128xf32, #tpu.memory_space<hbm>> -> memref<144x128xf32, #tpu.memory_space<hbm>>
      tpu.enqueue_dma source(%dma_start3A_75 : memref<144x128xf32, #tpu.memory_space<hbm>>) target(%dma_start3A_72 : memref<144x128xf32, #tpu.memory_space<vmem_shared>>) target_semaphore(%arg15 : memref<!tpu.dma_semaphore, #tpu.memory_space<semaphore_mem>>)
      %dma_wait3A_76 = arith.constant 9984 : i32
      %dma_wait3A_77 = arith.constant 0 : i32
      %dma_wait3A_78 = tpu.memref_slice %arg11[%dma_wait3A_76, %dma_wait3A_77] : memref<10128x128xf32, #tpu.memory_space<vmem_shared>> -> memref<144x128xf32, #tpu.memory_space<vmem_shared>>
      %dma_wait3A_79 = arith.constant 0 : i32
      %dma_wait3A_80 = arith.constant 0 : i32
      %dma_wait3A_81 = tpu.memref_slice %arg4[%dma_wait3A_79, %dma_wait3A_80] : memref<624x128xf32, #tpu.memory_space<hbm>> -> memref<144x128xf32, #tpu.memory_space<hbm>>
      tpu.wait_dma2 semaphore(%arg15 : memref<!tpu.dma_semaphore, #tpu.memory_space<semaphore_mem>>) src(%dma_wait3A_81 : memref<144x128xf32, #tpu.memory_space<hbm>>) dst(%dma_wait3A_78 : memref<144x128xf32, #tpu.memory_space<vmem_shared>>)
    } else {
    }
    %dma_wait3A = arith.constant 0 : i32
    %dma_wait3A_24 = tpu.memref_slice %arg11[%mul3A_2, %dma_wait3A] : memref<10128x128xf32, #tpu.memory_space<vmem_shared>> -> memref<624x128xf32, #tpu.memory_space<vmem_shared>>
    tpu.wait_dma2 semaphore(%arg14 : memref<!tpu.dma_semaphore, #tpu.memory_space<semaphore_mem>>) src(%arg4 : memref<624x128xf32, #tpu.memory_space<hbm>>) dst(%dma_wait3A_24 : memref<624x128xf32, #tpu.memory_space<vmem_shared>>)
    %dma_wait3A_25 = arith.constant 0 : i32
    %dma_wait3A_26 = arith.constant 0 : i32
    %dma_wait3A_27 = arith.constant 0 : i32
    %dma_wait3A_28 = tpu.memref_slice %arg3[%dma_wait3A_25, %add3A, %dma_wait3A_26, %dma_wait3A_27] : memref<2x32x80x128xi32, #tpu.memory_space<hbm>> -> memref<1x1x80x128xi32, #tpu.memory_space<hbm>>
    %dma_wait3A_29 = tpu.memref_squeeze %dma_wait3A_28 : memref<1x1x80x128xi32, #tpu.memory_space<hbm>> -> memref<80x128xi32, #tpu.memory_space<hbm>>
    %dma_wait3A_30 = arith.constant 0 : i32
    %dma_wait3A_31 = arith.constant 0 : i32
    %dma_wait3A_32 = tpu.memref_slice %arg3[%dma_wait3A_25, %add3A, %dma_wait3A_30, %dma_wait3A_31] : memref<2x32x80x128xi32, #tpu.memory_space<hbm>> -> memref<1x1x80x128xi32, #tpu.memory_space<hbm>>
    %dma_wait3A_33 = tpu.memref_squeeze %dma_wait3A_32 : memref<1x1x80x128xi32, #tpu.memory_space<hbm>> -> memref<80x128xi32, #tpu.memory_space<hbm>>
    tpu.wait_dma2 semaphore(%arg12 : memref<!tpu.dma_semaphore, #tpu.memory_space<semaphore_mem>>) src(%dma_wait3A_33 : memref<80x128xi32, #tpu.memory_space<hbm>>) dst(%arg6 : memref<80x128xi32, #tpu.memory_space<vmem>>)
    %dma_wait3A_34 = arith.constant 1 : i32
    %dma_wait3A_35 = arith.constant 0 : i32
    %dma_wait3A_36 = arith.constant 0 : i32
    %dma_wait3A_37 = tpu.memref_slice %arg3[%dma_wait3A_34, %add3A, %dma_wait3A_35, %dma_wait3A_36] : memref<2x32x80x128xi32, #tpu.memory_space<hbm>> -> memref<1x1x8x128xi32, #tpu.memory_space<hbm>>
    %dma_wait3A_38 = tpu.memref_squeeze %dma_wait3A_37 : memref<1x1x8x128xi32, #tpu.memory_space<hbm>> -> memref<8x128xi32, #tpu.memory_space<hbm>>
    %dma_wait3A_39 = arith.constant 0 : i32
    %dma_wait3A_40 = arith.constant 0 : i32
    %dma_wait3A_41 = tpu.memref_slice %arg3[%dma_wait3A_34, %add3A, %dma_wait3A_39, %dma_wait3A_40] : memref<2x32x80x128xi32, #tpu.memory_space<hbm>> -> memref<1x1x8x128xi32, #tpu.memory_space<hbm>>
    %dma_wait3A_42 = tpu.memref_squeeze %dma_wait3A_41 : memref<1x1x8x128xi32, #tpu.memory_space<hbm>> -> memref<8x128xi32, #tpu.memory_space<hbm>>
    tpu.wait_dma2 semaphore(%arg13 : memref<!tpu.dma_semaphore, #tpu.memory_space<semaphore_mem>>) src(%dma_wait3A_42 : memref<8x128xi32, #tpu.memory_space<hbm>>) dst(%arg7 : memref<8x128xi32, #tpu.memory_space<vmem>>)
    %barrier3A = arith.constant 0 : index
    tpu.barrier barrier_id(%barrier3A)
    %dma_start3A_43 = arith.constant 0 : i32
    %dma_start3A_44 = arith.constant 0 : i32
    %dma_start3A_45 = tpu.memref_slice %arg6[%dma_start3A_43, %dma_start3A_44] : memref<80x128xi32, #tpu.memory_space<vmem>> -> memref<1x128xi32, #tpu.memory_space<vmem>>
    %dma_start3A_46 = tpu.memref_squeeze %dma_start3A_45 : memref<1x128xi32, #tpu.memory_space<vmem>> -> memref<128xi32, #tpu.memory_space<vmem>>
    %dma_start3A_47 = arith.constant 0 : i32
    %dma_start3A_48 = arith.constant 0 : i32
    %dma_start3A_49 = tpu.memref_slice %arg2[%dma_start3A_47, %dma_start3A_48] : memref<10000x128xf32, #tpu.memory_space<hbm>> -> memref<10000x128xf32, #tpu.memory_space<hbm>>
    tpu.enqueue_indirect_dma source(%dma_start3A_49 : memref<10000x128xf32, #tpu.memory_space<hbm>>) target(%arg9 : memref<128x128xf32, #tpu.memory_space<vmem>>) offsets(%dma_start3A_46 : memref<128xi32, #tpu.memory_space<vmem>>) semaphore(%arg12 : memref<!tpu.dma_semaphore, #tpu.memory_space<semaphore_mem>>)
    %scan3A = arith.constant 0 : i32
    %scan3A_50 = arith.constant 0 : i32
    %scan3A_51 = arith.constant 5 : i32
    %scan3A_52 = arith.addi %scan3A_50, %scan3A_51 : i32
    %scan3A_53 = arith.constant 1 : i32
    scf.for %scan3A_70 = %scan3A_50 to %scan3A_52 step %scan3A_53  : i32 {
      %mul3A_71 = arith.constant 16 : i32
      %mul3A_72 = arith.muli %mul3A_71, %scan3A_70 : i32
      %add3A_73 = arith.constant 0 : i32
      %add3A_74 = arith.addi %mul3A_72, %add3A_73 : i32
      %gt3A = arith.constant 0 : i32
      %gt3A_75 = arith.cmpi sgt, %scan3A_70, %gt3A : i32
      %convert_element_type3A_76 = arith.extui %gt3A_75 : i1 to i32
      %cond3A_77 = arith.constant 0 : i32
      %cond3A_78 = arith.cmpi ne, %convert_element_type3A_76, %cond3A_77 : i32
      scf.if %cond3A_78 {
        %dma_wait3A_587 = arith.constant 1 : i32
        %dma_wait3A_588 = arith.constant 0 : i32
        %dma_wait3A_589 = arith.constant 0 : i32
        %dma_wait3A_590 = tpu.memref_slice %arg3[%dma_wait3A_587, %add3A, %dma_wait3A_588, %dma_wait3A_589] : memref<2x32x80x128xi32, #tpu.memory_space<hbm>> -> memref<1x1x8x128xi32, #tpu.memory_space<hbm>>
        %dma_wait3A_591 = tpu.memref_squeeze %dma_wait3A_590 : memref<1x1x8x128xi32, #tpu.memory_space<hbm>> -> memref<8x128xi32, #tpu.memory_space<hbm>>
        %dma_wait3A_592 = arith.constant 0 : i32
        %dma_wait3A_593 = arith.constant 0 : i32
        %dma_wait3A_594 = tpu.memref_slice %arg3[%dma_wait3A_587, %add3A, %dma_wait3A_592, %dma_wait3A_593] : memref<2x32x80x128xi32, #tpu.memory_space<hbm>> -> memref<1x1x8x128xi32, #tpu.memory_space<hbm>>
        %dma_wait3A_595 = tpu.memref_squeeze %dma_wait3A_594 : memref<1x1x8x128xi32, #tpu.memory_space<hbm>> -> memref<8x128xi32, #tpu.memory_space<hbm>>
        tpu.wait_dma2 semaphore(%arg16 : memref<!tpu.dma_semaphore, #tpu.memory_space<semaphore_mem>>) src(%dma_wait3A_595 : memref<8x128xi32, #tpu.memory_space<hbm>>) dst(%arg7 : memref<8x128xi32, #tpu.memory_space<vmem>>)
      } else {
      }
      %dma_wait3A_79 = arith.constant 0 : i32
      %dma_wait3A_80 = tpu.memref_slice %arg6[%add3A_74, %dma_wait3A_79] : memref<80x128xi32, #tpu.memory_space<vmem>> -> memref<1x128xi32, #tpu.memory_space<vmem>>
      %dma_wait3A_81 = tpu.memref_squeeze %dma_wait3A_80 : memref<1x128xi32, #tpu.memory_space<vmem>> -> memref<128xi32, #tpu.memory_space<vmem>>
      %dma_wait3A_82 = arith.constant 0 : i32
      %dma_wait3A_83 = arith.constant 0 : i32
      %dma_wait3A_84 = tpu.memref_slice %arg2[%dma_wait3A_82, %dma_wait3A_83] : memref<10000x128xf32, #tpu.memory_space<hbm>> -> memref<10000x128xf32, #tpu.memory_space<hbm>>
      tpu.wait_indirect_dma semaphore(%arg12 : memref<!tpu.dma_semaphore, #tpu.memory_space<semaphore_mem>>) src(%dma_wait3A_84 : memref<10000x128xf32, #tpu.memory_space<hbm>>) dst(%arg9 : memref<128x128xf32, #tpu.memory_space<vmem>>)
      %dma_start3A_85 = arith.constant 0 : i32
      %dma_start3A_86 = arith.constant 0 : i32
      %dma_start3A_87 = tpu.memref_slice %arg7[%dma_start3A_85, %dma_start3A_86] : memref<8x128xi32, #tpu.memory_space<vmem>> -> memref<1x128xi32, #tpu.memory_space<vmem>>
      %dma_start3A_88 = tpu.memref_squeeze %dma_start3A_87 : memref<1x128xi32, #tpu.memory_space<vmem>> -> memref<128xi32, #tpu.memory_space<vmem>>
      %dma_start3A_89 = arith.constant 0 : i32
      %dma_start3A_90 = arith.constant 0 : i32
      %dma_start3A_91 = tpu.memref_slice %arg11[%dma_start3A_89, %dma_start3A_90] : memref<10128x128xf32, #tpu.memory_space<vmem_shared>> -> memref<10128x128xf32, #tpu.memory_space<vmem_shared>>
      tpu.enqueue_indirect_dma source(%arg9 : memref<128x128xf32, #tpu.memory_space<vmem>>) target(%dma_start3A_91 : memref<10128x128xf32, #tpu.memory_space<vmem_shared>>) offsets(%dma_start3A_88 : memref<128xi32, #tpu.memory_space<vmem>>) semaphore(%arg14 : memref<!tpu.dma_semaphore, #tpu.memory_space<semaphore_mem>>) {add = true}
      %gt3A_92 = arith.constant 0 : i32
      %gt3A_93 = arith.cmpi sgt, %scan3A_70, %gt3A_92 : i32
      %convert_element_type3A_94 = arith.extui %gt3A_93 : i1 to i32
      %cond3A_95 = arith.constant 0 : i32
      %cond3A_96 = arith.cmpi ne, %convert_element_type3A_94, %cond3A_95 : i32
      scf.if %cond3A_96 {
        %dma_wait3A_587 = arith.constant 0 : i32
        %dma_wait3A_588 = arith.constant 0 : i32
        %dma_wait3A_589 = tpu.memref_slice %arg7[%dma_wait3A_587, %dma_wait3A_588] : memref<8x128xi32, #tpu.memory_space<vmem>> -> memref<1x128xi32, #tpu.memory_space<vmem>>
        %dma_wait3A_590 = tpu.memref_squeeze %dma_wait3A_589 : memref<1x128xi32, #tpu.memory_space<vmem>> -> memref<128xi32, #tpu.memory_space<vmem>>
        %dma_wait3A_591 = arith.constant 0 : i32
        %dma_wait3A_592 = arith.constant 0 : i32
        %dma_wait3A_593 = tpu.memref_slice %arg11[%dma_wait3A_591, %dma_wait3A_592] : memref<10128x128xf32, #tpu.memory_space<vmem_shared>> -> memref<10128x128xf32, #tpu.memory_space<vmem_shared>>
        tpu.wait_indirect_dma semaphore(%arg15 : memref<!tpu.dma_semaphore, #tpu.memory_space<semaphore_mem>>) src(%arg10 : memref<128x128xf32, #tpu.memory_space<vmem>>) dst(%dma_wait3A_593 : memref<10128x128xf32, #tpu.memory_space<vmem_shared>>)
      } else {
      }
      %mul3A_97 = arith.constant 2 : i32
      %mul3A_98 = arith.muli %mul3A_97, %scan3A_70 : i32
      %add3A_99 = arith.constant 1 : i32
      %add3A_100 = arith.addi %mul3A_98, %add3A_99 : i32
      %mul3A_101 = arith.constant 8 : i32
      %mul3A_102 = arith.muli %add3A_100, %mul3A_101 : i32
      %dma_start3A_103 = arith.constant 1 : i32
      %dma_start3A_104 = arith.constant 0 : i32
      %dma_start3A_105 = tpu.memref_slice %arg3[%dma_start3A_103, %add3A, %mul3A_102, %dma_start3A_104] : memref<2x32x80x128xi32, #tpu.memory_space<hbm>> -> memref<1x1x8x128xi32, #tpu.memory_space<hbm>>
      %dma_start3A_106 = tpu.memref_squeeze %dma_start3A_105 : memref<1x1x8x128xi32, #tpu.memory_space<hbm>> -> memref<8x128xi32, #tpu.memory_space<hbm>>
      %dma_start3A_107 = arith.constant 0 : i32
      %dma_start3A_108 = tpu.memref_slice %arg3[%dma_start3A_103, %add3A, %mul3A_102, %dma_start3A_107] : memref<2x32x80x128xi32, #tpu.memory_space<hbm>> -> memref<1x1x8x128xi32, #tpu.memory_space<hbm>>
      %dma_start3A_109 = tpu.memref_squeeze %dma_start3A_108 : memref<1x1x8x128xi32, #tpu.memory_space<hbm>> -> memref<8x128xi32, #tpu.memory_space<hbm>>
      tpu.enqueue_dma source(%dma_start3A_109 : memref<8x128xi32, #tpu.memory_space<hbm>>) target(%arg8 : memref<8x128xi32, #tpu.memory_space<vmem>>) target_semaphore(%arg16 : memref<!tpu.dma_semaphore, #tpu.memory_space<semaphore_mem>>)
      %add3A_110 = arith.constant 1 : i32
      %add3A_111 = arith.addi %add3A_74, %add3A_110 : i32
      %dma_start3A_112 = arith.constant 0 : i32
      %dma_start3A_113 = tpu.memref_slice %arg6[%add3A_111, %dma_start3A_112] : memref<80x128xi32, #tpu.memory_space<vmem>> -> memref<1x128xi32, #tpu.memory_space<vmem>>
      %dma_start3A_114 = tpu.memref_squeeze %dma_start3A_113 : memref<1x128xi32, #tpu.memory_space<vmem>> -> memref<128xi32, #tpu.memory_space<vmem>>
      %dma_start3A_115 = arith.constant 0 : i32
      %dma_start3A_116 = arith.constant 0 : i32
      %dma_start3A_117 = tpu.memref_slice %arg2[%dma_start3A_115, %dma_start3A_116] : memref<10000x128xf32, #tpu.memory_space<hbm>> -> memref<10000x128xf32, #tpu.memory_space<hbm>>
      tpu.enqueue_indirect_dma source(%dma_start3A_117 : memref<10000x128xf32, #tpu.memory_space<hbm>>) target(%arg10 : memref<128x128xf32, #tpu.memory_space<vmem>>) offsets(%dma_start3A_114 : memref<128xi32, #tpu.memory_space<vmem>>) semaphore(%arg13 : memref<!tpu.dma_semaphore, #tpu.memory_space<semaphore_mem>>)
      %add3A_118 = arith.constant 1 : i32
      %add3A_119 = arith.addi %add3A_74, %add3A_118 : i32
      %dma_wait3A_120 = arith.constant 0 : i32
      %dma_wait3A_121 = tpu.memref_slice %arg6[%add3A_119, %dma_wait3A_120] : memref<80x128xi32, #tpu.memory_space<vmem>> -> memref<1x128xi32, #tpu.memory_space<vmem>>
      %dma_wait3A_122 = tpu.memref_squeeze %dma_wait3A_121 : memref<1x128xi32, #tpu.memory_space<vmem>> -> memref<128xi32, #tpu.memory_space<vmem>>
      %dma_wait3A_123 = arith.constant 0 : i32
      %dma_wait3A_124 = arith.constant 0 : i32
      %dma_wait3A_125 = tpu.memref_slice %arg2[%dma_wait3A_123, %dma_wait3A_124] : memref<10000x128xf32, #tpu.memory_space<hbm>> -> memref<10000x128xf32, #tpu.memory_space<hbm>>
      tpu.wait_indirect_dma semaphore(%arg13 : memref<!tpu.dma_semaphore, #tpu.memory_space<semaphore_mem>>) src(%dma_wait3A_125 : memref<10000x128xf32, #tpu.memory_space<hbm>>) dst(%arg10 : memref<128x128xf32, #tpu.memory_space<vmem>>)
      %dma_start3A_126 = arith.constant 1 : i32
      %dma_start3A_127 = arith.constant 0 : i32
      %dma_start3A_128 = tpu.memref_slice %arg7[%dma_start3A_126, %dma_start3A_127] : memref<8x128xi32, #tpu.memory_space<vmem>> -> memref<1x128xi32, #tpu.memory_space<vmem>>
      %dma_start3A_129 = tpu.memref_squeeze %dma_start3A_128 : memref<1x128xi32, #tpu.memory_space<vmem>> -> memref<128xi32, #tpu.memory_space<vmem>>
      %dma_start3A_130 = arith.constant 0 : i32
      %dma_start3A_131 = arith.constant 0 : i32
      %dma_start3A_132 = tpu.memref_slice %arg11[%dma_start3A_130, %dma_start3A_131] : memref<10128x128xf32, #tpu.memory_space<vmem_shared>> -> memref<10128x128xf32, #tpu.memory_space<vmem_shared>>
      tpu.enqueue_indirect_dma source(%arg10 : memref<128x128xf32, #tpu.memory_space<vmem>>) target(%dma_start3A_132 : memref<10128x128xf32, #tpu.memory_space<vmem_shared>>) offsets(%dma_start3A_129 : memref<128xi32, #tpu.memory_space<vmem>>) semaphore(%arg15 : memref<!tpu.dma_semaphore, #tpu.memory_space<semaphore_mem>>) {add = true}
      %dma_wait3A_133 = arith.constant 0 : i32
      %dma_wait3A_134 = arith.constant 0 : i32
      %dma_wait3A_135 = tpu.memref_slice %arg7[%dma_wait3A_133, %dma_wait3A_134] : memref<8x128xi32, #tpu.memory_space<vmem>> -> memref<1x128xi32, #tpu.memory_space<vmem>>
      %dma_wait3A_136 = tpu.memref_squeeze %dma_wait3A_135 : memref<1x128xi32, #tpu.memory_space<vmem>> -> memref<128xi32, #tpu.memory_space<vmem>>
      %dma_wait3A_137 = arith.constant 0 : i32
      %dma_wait3A_138 = arith.constant 0 : i32
      %dma_wait3A_139 = tpu.memref_slice %arg11[%dma_wait3A_137, %dma_wait3A_138] : memref<10128x128xf32, #tpu.memory_space<vmem_shared>> -> memref<10128x128xf32, #tpu.memory_space<vmem_shared>>
      tpu.wait_indirect_dma semaphore(%arg14 : memref<!tpu.dma_semaphore, #tpu.memory_space<semaphore_mem>>) src(%arg9 : memref<128x128xf32, #tpu.memory_space<vmem>>) dst(%dma_wait3A_139 : memref<10128x128xf32, #tpu.memory_space<vmem_shared>>)
      %add3A_140 = arith.constant 2 : i32
      %add3A_141 = arith.addi %add3A_74, %add3A_140 : i32
      %lt3A = arith.constant 80 : i32
      %lt3A_142 = arith.cmpi slt, %add3A_141, %lt3A : i32
      %convert_element_type3A_143 = arith.extui %lt3A_142 : i1 to i32
      %cond3A_144 = arith.constant 0 : i32
      %cond3A_145 = arith.cmpi ne, %convert_element_type3A_143, %cond3A_144 : i32
      scf.if %cond3A_145 {
        %add3A_587 = arith.constant 2 : i32
        %add3A_588 = arith.addi %add3A_74, %add3A_587 : i32
        %dma_start3A_589 = arith.constant 0 : i32
        %dma_start3A_590 = tpu.memref_slice %arg6[%add3A_588, %dma_start3A_589] : memref<80x128xi32, #tpu.memory_space<vmem>> -> memref<1x128xi32, #tpu.memory_space<vmem>>
        %dma_start3A_591 = tpu.memref_squeeze %dma_start3A_590 : memref<1x128xi32, #tpu.memory_space<vmem>> -> memref<128xi32, #tpu.memory_space<vmem>>
        %dma_start3A_592 = arith.constant 0 : i32
        %dma_start3A_593 = arith.constant 0 : i32
        %dma_start3A_594 = tpu.memref_slice %arg2[%dma_start3A_592, %dma_start3A_593] : memref<10000x128xf32, #tpu.memory_space<hbm>> -> memref<10000x128xf32, #tpu.memory_space<hbm>>
        tpu.enqueue_indirect_dma source(%dma_start3A_594 : memref<10000x128xf32, #tpu.memory_space<hbm>>) target(%arg9 : memref<128x128xf32, #tpu.memory_space<vmem>>) offsets(%dma_start3A_591 : memref<128xi32, #tpu.memory_space<vmem>>) semaphore(%arg12 : memref<!tpu.dma_semaphore, #tpu.memory_space<semaphore_mem>>)
      } else {
      }
      %mul3A_146 = arith.constant 16 : i32
      %mul3A_147 = arith.muli %mul3A_146, %scan3A_70 : i32
      %add3A_148 = arith.constant 2 : i32
      %add3A_149 = arith.addi %mul3A_147, %add3A_148 : i32
      %dma_wait3A_150 = arith.constant 0 : i32
      %dma_wait3A_151 = tpu.memref_slice %arg6[%add3A_149, %dma_wait3A_150] : memref<80x128xi32, #tpu.memory_space<vmem>> -> memref<1x128xi32, #tpu.memory_space<vmem>>
      %dma_wait3A_152 = tpu.memref_squeeze %dma_wait3A_151 : memref<1x128xi32, #tpu.memory_space<vmem>> -> memref<128xi32, #tpu.memory_space<vmem>>
      %dma_wait3A_153 = arith.constant 0 : i32
      %dma_wait3A_154 = arith.constant 0 : i32
      %dma_wait3A_155 = tpu.memref_slice %arg2[%dma_wait3A_153, %dma_wait3A_154] : memref<10000x128xf32, #tpu.memory_space<hbm>> -> memref<10000x128xf32, #tpu.memory_space<hbm>>
      tpu.wait_indirect_dma semaphore(%arg12 : memref<!tpu.dma_semaphore, #tpu.memory_space<semaphore_mem>>) src(%dma_wait3A_155 : memref<10000x128xf32, #tpu.memory_space<hbm>>) dst(%arg9 : memref<128x128xf32, #tpu.memory_space<vmem>>)
      %dma_start3A_156 = arith.constant 2 : i32
      %dma_start3A_157 = arith.constant 0 : i32
      %dma_start3A_158 = tpu.memref_slice %arg7[%dma_start3A_156, %dma_start3A_157] : memref<8x128xi32, #tpu.memory_space<vmem>> -> memref<1x128xi32, #tpu.memory_space<vmem>>
      %dma_start3A_159 = tpu.memref_squeeze %dma_start3A_158 : memref<1x128xi32, #tpu.memory_space<vmem>> -> memref<128xi32, #tpu.memory_space<vmem>>
      %dma_start3A_160 = arith.constant 0 : i32
      %dma_start3A_161 = arith.constant 0 : i32
      %dma_start3A_162 = tpu.memref_slice %arg11[%dma_start3A_160, %dma_start3A_161] : memref<10128x128xf32, #tpu.memory_space<vmem_shared>> -> memref<10128x128xf32, #tpu.memory_space<vmem_shared>>
      tpu.enqueue_indirect_dma source(%arg9 : memref<128x128xf32, #tpu.memory_space<vmem>>) target(%dma_start3A_162 : memref<10128x128xf32, #tpu.memory_space<vmem_shared>>) offsets(%dma_start3A_159 : memref<128xi32, #tpu.memory_space<vmem>>) semaphore(%arg14 : memref<!tpu.dma_semaphore, #tpu.memory_space<semaphore_mem>>) {add = true}
      %dma_wait3A_163 = arith.constant 0 : i32
      %dma_wait3A_164 = arith.constant 0 : i32
      %dma_wait3A_165 = tpu.memref_slice %arg7[%dma_wait3A_163, %dma_wait3A_164] : memref<8x128xi32, #tpu.memory_space<vmem>> -> memref<1x128xi32, #tpu.memory_space<vmem>>
      %dma_wait3A_166 = tpu.memref_squeeze %dma_wait3A_165 : memref<1x128xi32, #tpu.memory_space<vmem>> -> memref<128xi32, #tpu.memory_space<vmem>>
      %dma_wait3A_167 = arith.constant 0 : i32
      %dma_wait3A_168 = arith.constant 0 : i32
      %dma_wait3A_169 = tpu.memref_slice %arg11[%dma_wait3A_167, %dma_wait3A_168] : memref<10128x128xf32, #tpu.memory_space<vmem_shared>> -> memref<10128x128xf32, #tpu.memory_space<vmem_shared>>
      tpu.wait_indirect_dma semaphore(%arg15 : memref<!tpu.dma_semaphore, #tpu.memory_space<semaphore_mem>>) src(%arg10 : memref<128x128xf32, #tpu.memory_space<vmem>>) dst(%dma_wait3A_169 : memref<10128x128xf32, #tpu.memory_space<vmem_shared>>)
      %add3A_170 = arith.constant 1 : i32
      %add3A_171 = arith.addi %add3A_149, %add3A_170 : i32
      %dma_start3A_172 = arith.constant 0 : i32
      %dma_start3A_173 = tpu.memref_slice %arg6[%add3A_171, %dma_start3A_172] : memref<80x128xi32, #tpu.memory_space<vmem>> -> memref<1x128xi32, #tpu.memory_space<vmem>>
      %dma_start3A_174 = tpu.memref_squeeze %dma_start3A_173 : memref<1x128xi32, #tpu.memory_space<vmem>> -> memref<128xi32, #tpu.memory_space<vmem>>
      %dma_start3A_175 = arith.constant 0 : i32
      %dma_start3A_176 = arith.constant 0 : i32
      %dma_start3A_177 = tpu.memref_slice %arg2[%dma_start3A_175, %dma_start3A_176] : memref<10000x128xf32, #tpu.memory_space<hbm>> -> memref<10000x128xf32, #tpu.memory_space<hbm>>
      tpu.enqueue_indirect_dma source(%dma_start3A_177 : memref<10000x128xf32, #tpu.memory_space<hbm>>) target(%arg10 : memref<128x128xf32, #tpu.memory_space<vmem>>) offsets(%dma_start3A_174 : memref<128xi32, #tpu.memory_space<vmem>>) semaphore(%arg13 : memref<!tpu.dma_semaphore, #tpu.memory_space<semaphore_mem>>)
      %add3A_178 = arith.constant 1 : i32
      %add3A_179 = arith.addi %add3A_149, %add3A_178 : i32
      %dma_wait3A_180 = arith.constant 0 : i32
      %dma_wait3A_181 = tpu.memref_slice %arg6[%add3A_179, %dma_wait3A_180] : memref<80x128xi32, #tpu.memory_space<vmem>> -> memref<1x128xi32, #tpu.memory_space<vmem>>
      %dma_wait3A_182 = tpu.memref_squeeze %dma_wait3A_181 : memref<1x128xi32, #tpu.memory_space<vmem>> -> memref<128xi32, #tpu.memory_space<vmem>>
      %dma_wait3A_183 = arith.constant 0 : i32
      %dma_wait3A_184 = arith.constant 0 : i32
      %dma_wait3A_185 = tpu.memref_slice %arg2[%dma_wait3A_183, %dma_wait3A_184] : memref<10000x128xf32, #tpu.memory_space<hbm>> -> memref<10000x128xf32, #tpu.memory_space<hbm>>
      tpu.wait_indirect_dma semaphore(%arg13 : memref<!tpu.dma_semaphore, #tpu.memory_space<semaphore_mem>>) src(%dma_wait3A_185 : memref<10000x128xf32, #tpu.memory_space<hbm>>) dst(%arg10 : memref<128x128xf32, #tpu.memory_space<vmem>>)
      %dma_start3A_186 = arith.constant 3 : i32
      %dma_start3A_187 = arith.constant 0 : i32
      %dma_start3A_188 = tpu.memref_slice %arg7[%dma_start3A_186, %dma_start3A_187] : memref<8x128xi32, #tpu.memory_space<vmem>> -> memref<1x128xi32, #tpu.memory_space<vmem>>
      %dma_start3A_189 = tpu.memref_squeeze %dma_start3A_188 : memref<1x128xi32, #tpu.memory_space<vmem>> -> memref<128xi32, #tpu.memory_space<vmem>>
      %dma_start3A_190 = arith.constant 0 : i32
      %dma_start3A_191 = arith.constant 0 : i32
      %dma_start3A_192 = tpu.memref_slice %arg11[%dma_start3A_190, %dma_start3A_191] : memref<10128x128xf32, #tpu.memory_space<vmem_shared>> -> memref<10128x128xf32, #tpu.memory_space<vmem_shared>>
      tpu.enqueue_indirect_dma source(%arg10 : memref<128x128xf32, #tpu.memory_space<vmem>>) target(%dma_start3A_192 : memref<10128x128xf32, #tpu.memory_space<vmem_shared>>) offsets(%dma_start3A_189 : memref<128xi32, #tpu.memory_space<vmem>>) semaphore(%arg15 : memref<!tpu.dma_semaphore, #tpu.memory_space<semaphore_mem>>) {add = true}
      %dma_wait3A_193 = arith.constant 0 : i32
      %dma_wait3A_194 = arith.constant 0 : i32
      %dma_wait3A_195 = tpu.memref_slice %arg7[%dma_wait3A_193, %dma_wait3A_194] : memref<8x128xi32, #tpu.memory_space<vmem>> -> memref<1x128xi32, #tpu.memory_space<vmem>>
      %dma_wait3A_196 = tpu.memref_squeeze %dma_wait3A_195 : memref<1x128xi32, #tpu.memory_space<vmem>> -> memref<128xi32, #tpu.memory_space<vmem>>
      %dma_wait3A_197 = arith.constant 0 : i32
      %dma_wait3A_198 = arith.constant 0 : i32
      %dma_wait3A_199 = tpu.memref_slice %arg11[%dma_wait3A_197, %dma_wait3A_198] : memref<10128x128xf32, #tpu.memory_space<vmem_shared>> -> memref<10128x128xf32, #tpu.memory_space<vmem_shared>>
      tpu.wait_indirect_dma semaphore(%arg14 : memref<!tpu.dma_semaphore, #tpu.memory_space<semaphore_mem>>) src(%arg9 : memref<128x128xf32, #tpu.memory_space<vmem>>) dst(%dma_wait3A_199 : memref<10128x128xf32, #tpu.memory_space<vmem_shared>>)
      %add3A_200 = arith.constant 2 : i32
      %add3A_201 = arith.addi %add3A_149, %add3A_200 : i32
      %lt3A_202 = arith.constant 80 : i32
      %lt3A_203 = arith.cmpi slt, %add3A_201, %lt3A_202 : i32
      %convert_element_type3A_204 = arith.extui %lt3A_203 : i1 to i32
      %cond3A_205 = arith.constant 0 : i32
      %cond3A_206 = arith.cmpi ne, %convert_element_type3A_204, %cond3A_205 : i32
      scf.if %cond3A_206 {
        %add3A_587 = arith.constant 2 : i32
        %add3A_588 = arith.addi %add3A_149, %add3A_587 : i32
        %dma_start3A_589 = arith.constant 0 : i32
        %dma_start3A_590 = tpu.memref_slice %arg6[%add3A_588, %dma_start3A_589] : memref<80x128xi32, #tpu.memory_space<vmem>> -> memref<1x128xi32, #tpu.memory_space<vmem>>
        %dma_start3A_591 = tpu.memref_squeeze %dma_start3A_590 : memref<1x128xi32, #tpu.memory_space<vmem>> -> memref<128xi32, #tpu.memory_space<vmem>>
        %dma_start3A_592 = arith.constant 0 : i32
        %dma_start3A_593 = arith.constant 0 : i32
        %dma_start3A_594 = tpu.memref_slice %arg2[%dma_start3A_592, %dma_start3A_593] : memref<10000x128xf32, #tpu.memory_space<hbm>> -> memref<10000x128xf32, #tpu.memory_space<hbm>>
        tpu.enqueue_indirect_dma source(%dma_start3A_594 : memref<10000x128xf32, #tpu.memory_space<hbm>>) target(%arg9 : memref<128x128xf32, #tpu.memory_space<vmem>>) offsets(%dma_start3A_591 : memref<128xi32, #tpu.memory_space<vmem>>) semaphore(%arg12 : memref<!tpu.dma_semaphore, #tpu.memory_space<semaphore_mem>>)
      } else {
      }
      %mul3A_207 = arith.constant 16 : i32
      %mul3A_208 = arith.muli %mul3A_207, %scan3A_70 : i32
      %add3A_209 = arith.constant 4 : i32
      %add3A_210 = arith.addi %mul3A_208, %add3A_209 : i32
      %dma_wait3A_211 = arith.constant 0 : i32
      %dma_wait3A_212 = tpu.memref_slice %arg6[%add3A_210, %dma_wait3A_211] : memref<80x128xi32, #tpu.memory_space<vmem>> -> memref<1x128xi32, #tpu.memory_space<vmem>>
      %dma_wait3A_213 = tpu.memref_squeeze %dma_wait3A_212 : memref<1x128xi32, #tpu.memory_space<vmem>> -> memref<128xi32, #tpu.memory_space<vmem>>
      %dma_wait3A_214 = arith.constant 0 : i32
      %dma_wait3A_215 = arith.constant 0 : i32
      %dma_wait3A_216 = tpu.memref_slice %arg2[%dma_wait3A_214, %dma_wait3A_215] : memref<10000x128xf32, #tpu.memory_space<hbm>> -> memref<10000x128xf32, #tpu.memory_space<hbm>>
      tpu.wait_indirect_dma semaphore(%arg12 : memref<!tpu.dma_semaphore, #tpu.memory_space<semaphore_mem>>) src(%dma_wait3A_216 : memref<10000x128xf32, #tpu.memory_space<hbm>>) dst(%arg9 : memref<128x128xf32, #tpu.memory_space<vmem>>)
      %dma_start3A_217 = arith.constant 4 : i32
      %dma_start3A_218 = arith.constant 0 : i32
      %dma_start3A_219 = tpu.memref_slice %arg7[%dma_start3A_217, %dma_start3A_218] : memref<8x128xi32, #tpu.memory_space<vmem>> -> memref<1x128xi32, #tpu.memory_space<vmem>>
      %dma_start3A_220 = tpu.memref_squeeze %dma_start3A_219 : memref<1x128xi32, #tpu.memory_space<vmem>> -> memref<128xi32, #tpu.memory_space<vmem>>
      %dma_start3A_221 = arith.constant 0 : i32
      %dma_start3A_222 = arith.constant 0 : i32
      %dma_start3A_223 = tpu.memref_slice %arg11[%dma_start3A_221, %dma_start3A_222] : memref<10128x128xf32, #tpu.memory_space<vmem_shared>> -> memref<10128x128xf32, #tpu.memory_space<vmem_shared>>
      tpu.enqueue_indirect_dma source(%arg9 : memref<128x128xf32, #tpu.memory_space<vmem>>) target(%dma_start3A_223 : memref<10128x128xf32, #tpu.memory_space<vmem_shared>>) offsets(%dma_start3A_220 : memref<128xi32, #tpu.memory_space<vmem>>) semaphore(%arg14 : memref<!tpu.dma_semaphore, #tpu.memory_space<semaphore_mem>>) {add = true}
      %dma_wait3A_224 = arith.constant 0 : i32
      %dma_wait3A_225 = arith.constant 0 : i32
      %dma_wait3A_226 = tpu.memref_slice %arg7[%dma_wait3A_224, %dma_wait3A_225] : memref<8x128xi32, #tpu.memory_space<vmem>> -> memref<1x128xi32, #tpu.memory_space<vmem>>
      %dma_wait3A_227 = tpu.memref_squeeze %dma_wait3A_226 : memref<1x128xi32, #tpu.memory_space<vmem>> -> memref<128xi32, #tpu.memory_space<vmem>>
      %dma_wait3A_228 = arith.constant 0 : i32
      %dma_wait3A_229 = arith.constant 0 : i32
      %dma_wait3A_230 = tpu.memref_slice %arg11[%dma_wait3A_228, %dma_wait3A_229] : memref<10128x128xf32, #tpu.memory_space<vmem_shared>> -> memref<10128x128xf32, #tpu.memory_space<vmem_shared>>
      tpu.wait_indirect_dma semaphore(%arg15 : memref<!tpu.dma_semaphore, #tpu.memory_space<semaphore_mem>>) src(%arg10 : memref<128x128xf32, #tpu.memory_space<vmem>>) dst(%dma_wait3A_230 : memref<10128x128xf32, #tpu.memory_space<vmem_shared>>)
      %add3A_231 = arith.constant 1 : i32
      %add3A_232 = arith.addi %add3A_210, %add3A_231 : i32
      %dma_start3A_233 = arith.constant 0 : i32
      %dma_start3A_234 = tpu.memref_slice %arg6[%add3A_232, %dma_start3A_233] : memref<80x128xi32, #tpu.memory_space<vmem>> -> memref<1x128xi32, #tpu.memory_space<vmem>>
      %dma_start3A_235 = tpu.memref_squeeze %dma_start3A_234 : memref<1x128xi32, #tpu.memory_space<vmem>> -> memref<128xi32, #tpu.memory_space<vmem>>
      %dma_start3A_236 = arith.constant 0 : i32
      %dma_start3A_237 = arith.constant 0 : i32
      %dma_start3A_238 = tpu.memref_slice %arg2[%dma_start3A_236, %dma_start3A_237] : memref<10000x128xf32, #tpu.memory_space<hbm>> -> memref<10000x128xf32, #tpu.memory_space<hbm>>
      tpu.enqueue_indirect_dma source(%dma_start3A_238 : memref<10000x128xf32, #tpu.memory_space<hbm>>) target(%arg10 : memref<128x128xf32, #tpu.memory_space<vmem>>) offsets(%dma_start3A_235 : memref<128xi32, #tpu.memory_space<vmem>>) semaphore(%arg13 : memref<!tpu.dma_semaphore, #tpu.memory_space<semaphore_mem>>)
      %add3A_239 = arith.constant 1 : i32
      %add3A_240 = arith.addi %add3A_210, %add3A_239 : i32
      %dma_wait3A_241 = arith.constant 0 : i32
      %dma_wait3A_242 = tpu.memref_slice %arg6[%add3A_240, %dma_wait3A_241] : memref<80x128xi32, #tpu.memory_space<vmem>> -> memref<1x128xi32, #tpu.memory_space<vmem>>
      %dma_wait3A_243 = tpu.memref_squeeze %dma_wait3A_242 : memref<1x128xi32, #tpu.memory_space<vmem>> -> memref<128xi32, #tpu.memory_space<vmem>>
      %dma_wait3A_244 = arith.constant 0 : i32
      %dma_wait3A_245 = arith.constant 0 : i32
      %dma_wait3A_246 = tpu.memref_slice %arg2[%dma_wait3A_244, %dma_wait3A_245] : memref<10000x128xf32, #tpu.memory_space<hbm>> -> memref<10000x128xf32, #tpu.memory_space<hbm>>
      tpu.wait_indirect_dma semaphore(%arg13 : memref<!tpu.dma_semaphore, #tpu.memory_space<semaphore_mem>>) src(%dma_wait3A_246 : memref<10000x128xf32, #tpu.memory_space<hbm>>) dst(%arg10 : memref<128x128xf32, #tpu.memory_space<vmem>>)
      %dma_start3A_247 = arith.constant 5 : i32
      %dma_start3A_248 = arith.constant 0 : i32
      %dma_start3A_249 = tpu.memref_slice %arg7[%dma_start3A_247, %dma_start3A_248] : memref<8x128xi32, #tpu.memory_space<vmem>> -> memref<1x128xi32, #tpu.memory_space<vmem>>
      %dma_start3A_250 = tpu.memref_squeeze %dma_start3A_249 : memref<1x128xi32, #tpu.memory_space<vmem>> -> memref<128xi32, #tpu.memory_space<vmem>>
      %dma_start3A_251 = arith.constant 0 : i32
      %dma_start3A_252 = arith.constant 0 : i32
      %dma_start3A_253 = tpu.memref_slice %arg11[%dma_start3A_251, %dma_start3A_252] : memref<10128x128xf32, #tpu.memory_space<vmem_shared>> -> memref<10128x128xf32, #tpu.memory_space<vmem_shared>>
      tpu.enqueue_indirect_dma source(%arg10 : memref<128x128xf32, #tpu.memory_space<vmem>>) target(%dma_start3A_253 : memref<10128x128xf32, #tpu.memory_space<vmem_shared>>) offsets(%dma_start3A_250 : memref<128xi32, #tpu.memory_space<vmem>>) semaphore(%arg15 : memref<!tpu.dma_semaphore, #tpu.memory_space<semaphore_mem>>) {add = true}
      %dma_wait3A_254 = arith.constant 0 : i32
      %dma_wait3A_255 = arith.constant 0 : i32
      %dma_wait3A_256 = tpu.memref_slice %arg7[%dma_wait3A_254, %dma_wait3A_255] : memref<8x128xi32, #tpu.memory_space<vmem>> -> memref<1x128xi32, #tpu.memory_space<vmem>>
      %dma_wait3A_257 = tpu.memref_squeeze %dma_wait3A_256 : memref<1x128xi32, #tpu.memory_space<vmem>> -> memref<128xi32, #tpu.memory_space<vmem>>
      %dma_wait3A_258 = arith.constant 0 : i32
      %dma_wait3A_259 = arith.constant 0 : i32
      %dma_wait3A_260 = tpu.memref_slice %arg11[%dma_wait3A_258, %dma_wait3A_259] : memref<10128x128xf32, #tpu.memory_space<vmem_shared>> -> memref<10128x128xf32, #tpu.memory_space<vmem_shared>>
      tpu.wait_indirect_dma semaphore(%arg14 : memref<!tpu.dma_semaphore, #tpu.memory_space<semaphore_mem>>) src(%arg9 : memref<128x128xf32, #tpu.memory_space<vmem>>) dst(%dma_wait3A_260 : memref<10128x128xf32, #tpu.memory_space<vmem_shared>>)
      %add3A_261 = arith.constant 2 : i32
      %add3A_262 = arith.addi %add3A_210, %add3A_261 : i32
      %lt3A_263 = arith.constant 80 : i32
      %lt3A_264 = arith.cmpi slt, %add3A_262, %lt3A_263 : i32
      %convert_element_type3A_265 = arith.extui %lt3A_264 : i1 to i32
      %cond3A_266 = arith.constant 0 : i32
      %cond3A_267 = arith.cmpi ne, %convert_element_type3A_265, %cond3A_266 : i32
      scf.if %cond3A_267 {
        %add3A_587 = arith.constant 2 : i32
        %add3A_588 = arith.addi %add3A_210, %add3A_587 : i32
        %dma_start3A_589 = arith.constant 0 : i32
        %dma_start3A_590 = tpu.memref_slice %arg6[%add3A_588, %dma_start3A_589] : memref<80x128xi32, #tpu.memory_space<vmem>> -> memref<1x128xi32, #tpu.memory_space<vmem>>
        %dma_start3A_591 = tpu.memref_squeeze %dma_start3A_590 : memref<1x128xi32, #tpu.memory_space<vmem>> -> memref<128xi32, #tpu.memory_space<vmem>>
        %dma_start3A_592 = arith.constant 0 : i32
        %dma_start3A_593 = arith.constant 0 : i32
        %dma_start3A_594 = tpu.memref_slice %arg2[%dma_start3A_592, %dma_start3A_593] : memref<10000x128xf32, #tpu.memory_space<hbm>> -> memref<10000x128xf32, #tpu.memory_space<hbm>>
        tpu.enqueue_indirect_dma source(%dma_start3A_594 : memref<10000x128xf32, #tpu.memory_space<hbm>>) target(%arg9 : memref<128x128xf32, #tpu.memory_space<vmem>>) offsets(%dma_start3A_591 : memref<128xi32, #tpu.memory_space<vmem>>) semaphore(%arg12 : memref<!tpu.dma_semaphore, #tpu.memory_space<semaphore_mem>>)
      } else {
      }
      %mul3A_268 = arith.constant 16 : i32
      %mul3A_269 = arith.muli %mul3A_268, %scan3A_70 : i32
      %add3A_270 = arith.constant 6 : i32
      %add3A_271 = arith.addi %mul3A_269, %add3A_270 : i32
      %dma_wait3A_272 = arith.constant 0 : i32
      %dma_wait3A_273 = tpu.memref_slice %arg6[%add3A_271, %dma_wait3A_272] : memref<80x128xi32, #tpu.memory_space<vmem>> -> memref<1x128xi32, #tpu.memory_space<vmem>>
      %dma_wait3A_274 = tpu.memref_squeeze %dma_wait3A_273 : memref<1x128xi32, #tpu.memory_space<vmem>> -> memref<128xi32, #tpu.memory_space<vmem>>
      %dma_wait3A_275 = arith.constant 0 : i32
      %dma_wait3A_276 = arith.constant 0 : i32
      %dma_wait3A_277 = tpu.memref_slice %arg2[%dma_wait3A_275, %dma_wait3A_276] : memref<10000x128xf32, #tpu.memory_space<hbm>> -> memref<10000x128xf32, #tpu.memory_space<hbm>>
      tpu.wait_indirect_dma semaphore(%arg12 : memref<!tpu.dma_semaphore, #tpu.memory_space<semaphore_mem>>) src(%dma_wait3A_277 : memref<10000x128xf32, #tpu.memory_space<hbm>>) dst(%arg9 : memref<128x128xf32, #tpu.memory_space<vmem>>)
      %dma_start3A_278 = arith.constant 6 : i32
      %dma_start3A_279 = arith.constant 0 : i32
      %dma_start3A_280 = tpu.memref_slice %arg7[%dma_start3A_278, %dma_start3A_279] : memref<8x128xi32, #tpu.memory_space<vmem>> -> memref<1x128xi32, #tpu.memory_space<vmem>>
      %dma_start3A_281 = tpu.memref_squeeze %dma_start3A_280 : memref<1x128xi32, #tpu.memory_space<vmem>> -> memref<128xi32, #tpu.memory_space<vmem>>
      %dma_start3A_282 = arith.constant 0 : i32
      %dma_start3A_283 = arith.constant 0 : i32
      %dma_start3A_284 = tpu.memref_slice %arg11[%dma_start3A_282, %dma_start3A_283] : memref<10128x128xf32, #tpu.memory_space<vmem_shared>> -> memref<10128x128xf32, #tpu.memory_space<vmem_shared>>
      tpu.enqueue_indirect_dma source(%arg9 : memref<128x128xf32, #tpu.memory_space<vmem>>) target(%dma_start3A_284 : memref<10128x128xf32, #tpu.memory_space<vmem_shared>>) offsets(%dma_start3A_281 : memref<128xi32, #tpu.memory_space<vmem>>) semaphore(%arg14 : memref<!tpu.dma_semaphore, #tpu.memory_space<semaphore_mem>>) {add = true}
      %dma_wait3A_285 = arith.constant 0 : i32
      %dma_wait3A_286 = arith.constant 0 : i32
      %dma_wait3A_287 = tpu.memref_slice %arg7[%dma_wait3A_285, %dma_wait3A_286] : memref<8x128xi32, #tpu.memory_space<vmem>> -> memref<1x128xi32, #tpu.memory_space<vmem>>
      %dma_wait3A_288 = tpu.memref_squeeze %dma_wait3A_287 : memref<1x128xi32, #tpu.memory_space<vmem>> -> memref<128xi32, #tpu.memory_space<vmem>>
      %dma_wait3A_289 = arith.constant 0 : i32
      %dma_wait3A_290 = arith.constant 0 : i32
      %dma_wait3A_291 = tpu.memref_slice %arg11[%dma_wait3A_289, %dma_wait3A_290] : memref<10128x128xf32, #tpu.memory_space<vmem_shared>> -> memref<10128x128xf32, #tpu.memory_space<vmem_shared>>
      tpu.wait_indirect_dma semaphore(%arg15 : memref<!tpu.dma_semaphore, #tpu.memory_space<semaphore_mem>>) src(%arg10 : memref<128x128xf32, #tpu.memory_space<vmem>>) dst(%dma_wait3A_291 : memref<10128x128xf32, #tpu.memory_space<vmem_shared>>)
      %add3A_292 = arith.constant 1 : i32
      %add3A_293 = arith.addi %add3A_271, %add3A_292 : i32
      %dma_start3A_294 = arith.constant 0 : i32
      %dma_start3A_295 = tpu.memref_slice %arg6[%add3A_293, %dma_start3A_294] : memref<80x128xi32, #tpu.memory_space<vmem>> -> memref<1x128xi32, #tpu.memory_space<vmem>>
      %dma_start3A_296 = tpu.memref_squeeze %dma_start3A_295 : memref<1x128xi32, #tpu.memory_space<vmem>> -> memref<128xi32, #tpu.memory_space<vmem>>
      %dma_start3A_297 = arith.constant 0 : i32
      %dma_start3A_298 = arith.constant 0 : i32
      %dma_start3A_299 = tpu.memref_slice %arg2[%dma_start3A_297, %dma_start3A_298] : memref<10000x128xf32, #tpu.memory_space<hbm>> -> memref<10000x128xf32, #tpu.memory_space<hbm>>
      tpu.enqueue_indirect_dma source(%dma_start3A_299 : memref<10000x128xf32, #tpu.memory_space<hbm>>) target(%arg10 : memref<128x128xf32, #tpu.memory_space<vmem>>) offsets(%dma_start3A_296 : memref<128xi32, #tpu.memory_space<vmem>>) semaphore(%arg13 : memref<!tpu.dma_semaphore, #tpu.memory_space<semaphore_mem>>)
      %add3A_300 = arith.constant 1 : i32
      %add3A_301 = arith.addi %add3A_271, %add3A_300 : i32
      %dma_wait3A_302 = arith.constant 0 : i32
      %dma_wait3A_303 = tpu.memref_slice %arg6[%add3A_301, %dma_wait3A_302] : memref<80x128xi32, #tpu.memory_space<vmem>> -> memref<1x128xi32, #tpu.memory_space<vmem>>
      %dma_wait3A_304 = tpu.memref_squeeze %dma_wait3A_303 : memref<1x128xi32, #tpu.memory_space<vmem>> -> memref<128xi32, #tpu.memory_space<vmem>>
      %dma_wait3A_305 = arith.constant 0 : i32
      %dma_wait3A_306 = arith.constant 0 : i32
      %dma_wait3A_307 = tpu.memref_slice %arg2[%dma_wait3A_305, %dma_wait3A_306] : memref<10000x128xf32, #tpu.memory_space<hbm>> -> memref<10000x128xf32, #tpu.memory_space<hbm>>
      tpu.wait_indirect_dma semaphore(%arg13 : memref<!tpu.dma_semaphore, #tpu.memory_space<semaphore_mem>>) src(%dma_wait3A_307 : memref<10000x128xf32, #tpu.memory_space<hbm>>) dst(%arg10 : memref<128x128xf32, #tpu.memory_space<vmem>>)
      %dma_start3A_308 = arith.constant 7 : i32
      %dma_start3A_309 = arith.constant 0 : i32
      %dma_start3A_310 = tpu.memref_slice %arg7[%dma_start3A_308, %dma_start3A_309] : memref<8x128xi32, #tpu.memory_space<vmem>> -> memref<1x128xi32, #tpu.memory_space<vmem>>
      %dma_start3A_311 = tpu.memref_squeeze %dma_start3A_310 : memref<1x128xi32, #tpu.memory_space<vmem>> -> memref<128xi32, #tpu.memory_space<vmem>>
      %dma_start3A_312 = arith.constant 0 : i32
      %dma_start3A_313 = arith.constant 0 : i32
      %dma_start3A_314 = tpu.memref_slice %arg11[%dma_start3A_312, %dma_start3A_313] : memref<10128x128xf32, #tpu.memory_space<vmem_shared>> -> memref<10128x128xf32, #tpu.memory_space<vmem_shared>>
      tpu.enqueue_indirect_dma source(%arg10 : memref<128x128xf32, #tpu.memory_space<vmem>>) target(%dma_start3A_314 : memref<10128x128xf32, #tpu.memory_space<vmem_shared>>) offsets(%dma_start3A_311 : memref<128xi32, #tpu.memory_space<vmem>>) semaphore(%arg15 : memref<!tpu.dma_semaphore, #tpu.memory_space<semaphore_mem>>) {add = true}
      %dma_wait3A_315 = arith.constant 0 : i32
      %dma_wait3A_316 = arith.constant 0 : i32
      %dma_wait3A_317 = tpu.memref_slice %arg7[%dma_wait3A_315, %dma_wait3A_316] : memref<8x128xi32, #tpu.memory_space<vmem>> -> memref<1x128xi32, #tpu.memory_space<vmem>>
      %dma_wait3A_318 = tpu.memref_squeeze %dma_wait3A_317 : memref<1x128xi32, #tpu.memory_space<vmem>> -> memref<128xi32, #tpu.memory_space<vmem>>
      %dma_wait3A_319 = arith.constant 0 : i32
      %dma_wait3A_320 = arith.constant 0 : i32
      %dma_wait3A_321 = tpu.memref_slice %arg11[%dma_wait3A_319, %dma_wait3A_320] : memref<10128x128xf32, #tpu.memory_space<vmem_shared>> -> memref<10128x128xf32, #tpu.memory_space<vmem_shared>>
      tpu.wait_indirect_dma semaphore(%arg14 : memref<!tpu.dma_semaphore, #tpu.memory_space<semaphore_mem>>) src(%arg9 : memref<128x128xf32, #tpu.memory_space<vmem>>) dst(%dma_wait3A_321 : memref<10128x128xf32, #tpu.memory_space<vmem_shared>>)
      %add3A_322 = arith.constant 2 : i32
      %add3A_323 = arith.addi %add3A_271, %add3A_322 : i32
      %lt3A_324 = arith.constant 80 : i32
      %lt3A_325 = arith.cmpi slt, %add3A_323, %lt3A_324 : i32
      %convert_element_type3A_326 = arith.extui %lt3A_325 : i1 to i32
      %cond3A_327 = arith.constant 0 : i32
      %cond3A_328 = arith.cmpi ne, %convert_element_type3A_326, %cond3A_327 : i32
      scf.if %cond3A_328 {
        %add3A_587 = arith.constant 2 : i32
        %add3A_588 = arith.addi %add3A_271, %add3A_587 : i32
        %dma_start3A_589 = arith.constant 0 : i32
        %dma_start3A_590 = tpu.memref_slice %arg6[%add3A_588, %dma_start3A_589] : memref<80x128xi32, #tpu.memory_space<vmem>> -> memref<1x128xi32, #tpu.memory_space<vmem>>
        %dma_start3A_591 = tpu.memref_squeeze %dma_start3A_590 : memref<1x128xi32, #tpu.memory_space<vmem>> -> memref<128xi32, #tpu.memory_space<vmem>>
        %dma_start3A_592 = arith.constant 0 : i32
        %dma_start3A_593 = arith.constant 0 : i32
        %dma_start3A_594 = tpu.memref_slice %arg2[%dma_start3A_592, %dma_start3A_593] : memref<10000x128xf32, #tpu.memory_space<hbm>> -> memref<10000x128xf32, #tpu.memory_space<hbm>>
        tpu.enqueue_indirect_dma source(%dma_start3A_594 : memref<10000x128xf32, #tpu.memory_space<hbm>>) target(%arg9 : memref<128x128xf32, #tpu.memory_space<vmem>>) offsets(%dma_start3A_591 : memref<128xi32, #tpu.memory_space<vmem>>) semaphore(%arg12 : memref<!tpu.dma_semaphore, #tpu.memory_space<semaphore_mem>>)
      } else {
      }
      %mul3A_329 = arith.constant 16 : i32
      %mul3A_330 = arith.muli %mul3A_329, %scan3A_70 : i32
      %add3A_331 = arith.constant 8 : i32
      %add3A_332 = arith.addi %mul3A_330, %add3A_331 : i32
      %dma_wait3A_333 = arith.constant 1 : i32
      %dma_wait3A_334 = arith.constant 0 : i32
      %dma_wait3A_335 = arith.constant 0 : i32
      %dma_wait3A_336 = tpu.memref_slice %arg3[%dma_wait3A_333, %add3A, %dma_wait3A_334, %dma_wait3A_335] : memref<2x32x80x128xi32, #tpu.memory_space<hbm>> -> memref<1x1x8x128xi32, #tpu.memory_space<hbm>>
      %dma_wait3A_337 = tpu.memref_squeeze %dma_wait3A_336 : memref<1x1x8x128xi32, #tpu.memory_space<hbm>> -> memref<8x128xi32, #tpu.memory_space<hbm>>
      %dma_wait3A_338 = arith.constant 0 : i32
      %dma_wait3A_339 = arith.constant 0 : i32
      %dma_wait3A_340 = tpu.memref_slice %arg3[%dma_wait3A_333, %add3A, %dma_wait3A_338, %dma_wait3A_339] : memref<2x32x80x128xi32, #tpu.memory_space<hbm>> -> memref<1x1x8x128xi32, #tpu.memory_space<hbm>>
      %dma_wait3A_341 = tpu.memref_squeeze %dma_wait3A_340 : memref<1x1x8x128xi32, #tpu.memory_space<hbm>> -> memref<8x128xi32, #tpu.memory_space<hbm>>
      tpu.wait_dma2 semaphore(%arg16 : memref<!tpu.dma_semaphore, #tpu.memory_space<semaphore_mem>>) src(%dma_wait3A_341 : memref<8x128xi32, #tpu.memory_space<hbm>>) dst(%arg8 : memref<8x128xi32, #tpu.memory_space<vmem>>)
      %dma_wait3A_342 = arith.constant 0 : i32
      %dma_wait3A_343 = tpu.memref_slice %arg6[%add3A_332, %dma_wait3A_342] : memref<80x128xi32, #tpu.memory_space<vmem>> -> memref<1x128xi32, #tpu.memory_space<vmem>>
      %dma_wait3A_344 = tpu.memref_squeeze %dma_wait3A_343 : memref<1x128xi32, #tpu.memory_space<vmem>> -> memref<128xi32, #tpu.memory_space<vmem>>
      %dma_wait3A_345 = arith.constant 0 : i32
      %dma_wait3A_346 = arith.constant 0 : i32
      %dma_wait3A_347 = tpu.memref_slice %arg2[%dma_wait3A_345, %dma_wait3A_346] : memref<10000x128xf32, #tpu.memory_space<hbm>> -> memref<10000x128xf32, #tpu.memory_space<hbm>>
      tpu.wait_indirect_dma semaphore(%arg12 : memref<!tpu.dma_semaphore, #tpu.memory_space<semaphore_mem>>) src(%dma_wait3A_347 : memref<10000x128xf32, #tpu.memory_space<hbm>>) dst(%arg9 : memref<128x128xf32, #tpu.memory_space<vmem>>)
      %dma_start3A_348 = arith.constant 0 : i32
      %dma_start3A_349 = arith.constant 0 : i32
      %dma_start3A_350 = tpu.memref_slice %arg8[%dma_start3A_348, %dma_start3A_349] : memref<8x128xi32, #tpu.memory_space<vmem>> -> memref<1x128xi32, #tpu.memory_space<vmem>>
      %dma_start3A_351 = tpu.memref_squeeze %dma_start3A_350 : memref<1x128xi32, #tpu.memory_space<vmem>> -> memref<128xi32, #tpu.memory_space<vmem>>
      %dma_start3A_352 = arith.constant 0 : i32
      %dma_start3A_353 = arith.constant 0 : i32
      %dma_start3A_354 = tpu.memref_slice %arg11[%dma_start3A_352, %dma_start3A_353] : memref<10128x128xf32, #tpu.memory_space<vmem_shared>> -> memref<10128x128xf32, #tpu.memory_space<vmem_shared>>
      tpu.enqueue_indirect_dma source(%arg9 : memref<128x128xf32, #tpu.memory_space<vmem>>) target(%dma_start3A_354 : memref<10128x128xf32, #tpu.memory_space<vmem_shared>>) offsets(%dma_start3A_351 : memref<128xi32, #tpu.memory_space<vmem>>) semaphore(%arg14 : memref<!tpu.dma_semaphore, #tpu.memory_space<semaphore_mem>>) {add = true}
      %dma_wait3A_355 = arith.constant 0 : i32
      %dma_wait3A_356 = arith.constant 0 : i32
      %dma_wait3A_357 = tpu.memref_slice %arg7[%dma_wait3A_355, %dma_wait3A_356] : memref<8x128xi32, #tpu.memory_space<vmem>> -> memref<1x128xi32, #tpu.memory_space<vmem>>
      %dma_wait3A_358 = tpu.memref_squeeze %dma_wait3A_357 : memref<1x128xi32, #tpu.memory_space<vmem>> -> memref<128xi32, #tpu.memory_space<vmem>>
      %dma_wait3A_359 = arith.constant 0 : i32
      %dma_wait3A_360 = arith.constant 0 : i32
      %dma_wait3A_361 = tpu.memref_slice %arg11[%dma_wait3A_359, %dma_wait3A_360] : memref<10128x128xf32, #tpu.memory_space<vmem_shared>> -> memref<10128x128xf32, #tpu.memory_space<vmem_shared>>
      tpu.wait_indirect_dma semaphore(%arg15 : memref<!tpu.dma_semaphore, #tpu.memory_space<semaphore_mem>>) src(%arg10 : memref<128x128xf32, #tpu.memory_space<vmem>>) dst(%dma_wait3A_361 : memref<10128x128xf32, #tpu.memory_space<vmem_shared>>)
      %lt3A_362 = arith.constant 4 : i32
      %lt3A_363 = arith.cmpi slt, %scan3A_70, %lt3A_362 : i32
      %convert_element_type3A_364 = arith.extui %lt3A_363 : i1 to i32
      %cond3A_365 = arith.constant 0 : i32
      %cond3A_366 = arith.cmpi ne, %convert_element_type3A_364, %cond3A_365 : i32
      scf.if %cond3A_366 {
        %mul3A_587 = arith.constant 2 : i32
        %mul3A_588 = arith.muli %mul3A_587, %scan3A_70 : i32
        %add3A_589 = arith.constant 2 : i32
        %add3A_590 = arith.addi %mul3A_588, %add3A_589 : i32
        %mul3A_591 = arith.constant 8 : i32
        %mul3A_592 = arith.muli %add3A_590, %mul3A_591 : i32
        %dma_start3A_593 = arith.constant 1 : i32
        %dma_start3A_594 = arith.constant 0 : i32
        %dma_start3A_595 = tpu.memref_slice %arg3[%dma_start3A_593, %add3A, %mul3A_592, %dma_start3A_594] : memref<2x32x80x128xi32, #tpu.memory_space<hbm>> -> memref<1x1x8x128xi32, #tpu.memory_space<hbm>>
        %dma_start3A_596 = tpu.memref_squeeze %dma_start3A_595 : memref<1x1x8x128xi32, #tpu.memory_space<hbm>> -> memref<8x128xi32, #tpu.memory_space<hbm>>
        %dma_start3A_597 = arith.constant 0 : i32
        %dma_start3A_598 = tpu.memref_slice %arg3[%dma_start3A_593, %add3A, %mul3A_592, %dma_start3A_597] : memref<2x32x80x128xi32, #tpu.memory_space<hbm>> -> memref<1x1x8x128xi32, #tpu.memory_space<hbm>>
        %dma_start3A_599 = tpu.memref_squeeze %dma_start3A_598 : memref<1x1x8x128xi32, #tpu.memory_space<hbm>> -> memref<8x128xi32, #tpu.memory_space<hbm>>
        tpu.enqueue_dma source(%dma_start3A_599 : memref<8x128xi32, #tpu.memory_space<hbm>>) target(%arg7 : memref<8x128xi32, #tpu.memory_space<vmem>>) target_semaphore(%arg16 : memref<!tpu.dma_semaphore, #tpu.memory_space<semaphore_mem>>)
      } else {
      }
      %add3A_367 = arith.constant 1 : i32
      %add3A_368 = arith.addi %add3A_332, %add3A_367 : i32
      %dma_start3A_369 = arith.constant 0 : i32
      %dma_start3A_370 = tpu.memref_slice %arg6[%add3A_368, %dma_start3A_369] : memref<80x128xi32, #tpu.memory_space<vmem>> -> memref<1x128xi32, #tpu.memory_space<vmem>>
      %dma_start3A_371 = tpu.memref_squeeze %dma_start3A_370 : memref<1x128xi32, #tpu.memory_space<vmem>> -> memref<128xi32, #tpu.memory_space<vmem>>
      %dma_start3A_372 = arith.constant 0 : i32
      %dma_start3A_373 = arith.constant 0 : i32
      %dma_start3A_374 = tpu.memref_slice %arg2[%dma_start3A_372, %dma_start3A_373] : memref<10000x128xf32, #tpu.memory_space<hbm>> -> memref<10000x128xf32, #tpu.memory_space<hbm>>
      tpu.enqueue_indirect_dma source(%dma_start3A_374 : memref<10000x128xf32, #tpu.memory_space<hbm>>) target(%arg10 : memref<128x128xf32, #tpu.memory_space<vmem>>) offsets(%dma_start3A_371 : memref<128xi32, #tpu.memory_space<vmem>>) semaphore(%arg13 : memref<!tpu.dma_semaphore, #tpu.memory_space<semaphore_mem>>)
      %add3A_375 = arith.constant 1 : i32
      %add3A_376 = arith.addi %add3A_332, %add3A_375 : i32
      %dma_wait3A_377 = arith.constant 0 : i32
      %dma_wait3A_378 = tpu.memref_slice %arg6[%add3A_376, %dma_wait3A_377] : memref<80x128xi32, #tpu.memory_space<vmem>> -> memref<1x128xi32, #tpu.memory_space<vmem>>
      %dma_wait3A_379 = tpu.memref_squeeze %dma_wait3A_378 : memref<1x128xi32, #tpu.memory_space<vmem>> -> memref<128xi32, #tpu.memory_space<vmem>>
      %dma_wait3A_380 = arith.constant 0 : i32
      %dma_wait3A_381 = arith.constant 0 : i32
      %dma_wait3A_382 = tpu.memref_slice %arg2[%dma_wait3A_380, %dma_wait3A_381] : memref<10000x128xf32, #tpu.memory_space<hbm>> -> memref<10000x128xf32, #tpu.memory_space<hbm>>
      tpu.wait_indirect_dma semaphore(%arg13 : memref<!tpu.dma_semaphore, #tpu.memory_space<semaphore_mem>>) src(%dma_wait3A_382 : memref<10000x128xf32, #tpu.memory_space<hbm>>) dst(%arg10 : memref<128x128xf32, #tpu.memory_space<vmem>>)
      %dma_start3A_383 = arith.constant 1 : i32
      %dma_start3A_384 = arith.constant 0 : i32
      %dma_start3A_385 = tpu.memref_slice %arg8[%dma_start3A_383, %dma_start3A_384] : memref<8x128xi32, #tpu.memory_space<vmem>> -> memref<1x128xi32, #tpu.memory_space<vmem>>
      %dma_start3A_386 = tpu.memref_squeeze %dma_start3A_385 : memref<1x128xi32, #tpu.memory_space<vmem>> -> memref<128xi32, #tpu.memory_space<vmem>>
      %dma_start3A_387 = arith.constant 0 : i32
      %dma_start3A_388 = arith.constant 0 : i32
      %dma_start3A_389 = tpu.memref_slice %arg11[%dma_start3A_387, %dma_start3A_388] : memref<10128x128xf32, #tpu.memory_space<vmem_shared>> -> memref<10128x128xf32, #tpu.memory_space<vmem_shared>>
      tpu.enqueue_indirect_dma source(%arg10 : memref<128x128xf32, #tpu.memory_space<vmem>>) target(%dma_start3A_389 : memref<10128x128xf32, #tpu.memory_space<vmem_shared>>) offsets(%dma_start3A_386 : memref<128xi32, #tpu.memory_space<vmem>>) semaphore(%arg15 : memref<!tpu.dma_semaphore, #tpu.memory_space<semaphore_mem>>) {add = true}
      %dma_wait3A_390 = arith.constant 0 : i32
      %dma_wait3A_391 = arith.constant 0 : i32
      %dma_wait3A_392 = tpu.memref_slice %arg7[%dma_wait3A_390, %dma_wait3A_391] : memref<8x128xi32, #tpu.memory_space<vmem>> -> memref<1x128xi32, #tpu.memory_space<vmem>>
      %dma_wait3A_393 = tpu.memref_squeeze %dma_wait3A_392 : memref<1x128xi32, #tpu.memory_space<vmem>> -> memref<128xi32, #tpu.memory_space<vmem>>
      %dma_wait3A_394 = arith.constant 0 : i32
      %dma_wait3A_395 = arith.constant 0 : i32
      %dma_wait3A_396 = tpu.memref_slice %arg11[%dma_wait3A_394, %dma_wait3A_395] : memref<10128x128xf32, #tpu.memory_space<vmem_shared>> -> memref<10128x128xf32, #tpu.memory_space<vmem_shared>>
      tpu.wait_indirect_dma semaphore(%arg14 : memref<!tpu.dma_semaphore, #tpu.memory_space<semaphore_mem>>) src(%arg9 : memref<128x128xf32, #tpu.memory_space<vmem>>) dst(%dma_wait3A_396 : memref<10128x128xf32, #tpu.memory_space<vmem_shared>>)
      %add3A_397 = arith.constant 2 : i32
      %add3A_398 = arith.addi %add3A_332, %add3A_397 : i32
      %lt3A_399 = arith.constant 80 : i32
      %lt3A_400 = arith.cmpi slt, %add3A_398, %lt3A_399 : i32
      %convert_element_type3A_401 = arith.extui %lt3A_400 : i1 to i32
      %cond3A_402 = arith.constant 0 : i32
      %cond3A_403 = arith.cmpi ne, %convert_element_type3A_401, %cond3A_402 : i32
      scf.if %cond3A_403 {
        %add3A_587 = arith.constant 2 : i32
        %add3A_588 = arith.addi %add3A_332, %add3A_587 : i32
        %dma_start3A_589 = arith.constant 0 : i32
        %dma_start3A_590 = tpu.memref_slice %arg6[%add3A_588, %dma_start3A_589] : memref<80x128xi32, #tpu.memory_space<vmem>> -> memref<1x128xi32, #tpu.memory_space<vmem>>
        %dma_start3A_591 = tpu.memref_squeeze %dma_start3A_590 : memref<1x128xi32, #tpu.memory_space<vmem>> -> memref<128xi32, #tpu.memory_space<vmem>>
        %dma_start3A_592 = arith.constant 0 : i32
        %dma_start3A_593 = arith.constant 0 : i32
        %dma_start3A_594 = tpu.memref_slice %arg2[%dma_start3A_592, %dma_start3A_593] : memref<10000x128xf32, #tpu.memory_space<hbm>> -> memref<10000x128xf32, #tpu.memory_space<hbm>>
        tpu.enqueue_indirect_dma source(%dma_start3A_594 : memref<10000x128xf32, #tpu.memory_space<hbm>>) target(%arg9 : memref<128x128xf32, #tpu.memory_space<vmem>>) offsets(%dma_start3A_591 : memref<128xi32, #tpu.memory_space<vmem>>) semaphore(%arg12 : memref<!tpu.dma_semaphore, #tpu.memory_space<semaphore_mem>>)
      } else {
      }
      %mul3A_404 = arith.constant 16 : i32
      %mul3A_405 = arith.muli %mul3A_404, %scan3A_70 : i32
      %add3A_406 = arith.constant 10 : i32
      %add3A_407 = arith.addi %mul3A_405, %add3A_406 : i32
      %dma_wait3A_408 = arith.constant 0 : i32
      %dma_wait3A_409 = tpu.memref_slice %arg6[%add3A_407, %dma_wait3A_408] : memref<80x128xi32, #tpu.memory_space<vmem>> -> memref<1x128xi32, #tpu.memory_space<vmem>>
      %dma_wait3A_410 = tpu.memref_squeeze %dma_wait3A_409 : memref<1x128xi32, #tpu.memory_space<vmem>> -> memref<128xi32, #tpu.memory_space<vmem>>
      %dma_wait3A_411 = arith.constant 0 : i32
      %dma_wait3A_412 = arith.constant 0 : i32
      %dma_wait3A_413 = tpu.memref_slice %arg2[%dma_wait3A_411, %dma_wait3A_412] : memref<10000x128xf32, #tpu.memory_space<hbm>> -> memref<10000x128xf32, #tpu.memory_space<hbm>>
      tpu.wait_indirect_dma semaphore(%arg12 : memref<!tpu.dma_semaphore, #tpu.memory_space<semaphore_mem>>) src(%dma_wait3A_413 : memref<10000x128xf32, #tpu.memory_space<hbm>>) dst(%arg9 : memref<128x128xf32, #tpu.memory_space<vmem>>)
      %dma_start3A_414 = arith.constant 2 : i32
      %dma_start3A_415 = arith.constant 0 : i32
      %dma_start3A_416 = tpu.memref_slice %arg8[%dma_start3A_414, %dma_start3A_415] : memref<8x128xi32, #tpu.memory_space<vmem>> -> memref<1x128xi32, #tpu.memory_space<vmem>>
      %dma_start3A_417 = tpu.memref_squeeze %dma_start3A_416 : memref<1x128xi32, #tpu.memory_space<vmem>> -> memref<128xi32, #tpu.memory_space<vmem>>
      %dma_start3A_418 = arith.constant 0 : i32
      %dma_start3A_419 = arith.constant 0 : i32
      %dma_start3A_420 = tpu.memref_slice %arg11[%dma_start3A_418, %dma_start3A_419] : memref<10128x128xf32, #tpu.memory_space<vmem_shared>> -> memref<10128x128xf32, #tpu.memory_space<vmem_shared>>
      tpu.enqueue_indirect_dma source(%arg9 : memref<128x128xf32, #tpu.memory_space<vmem>>) target(%dma_start3A_420 : memref<10128x128xf32, #tpu.memory_space<vmem_shared>>) offsets(%dma_start3A_417 : memref<128xi32, #tpu.memory_space<vmem>>) semaphore(%arg14 : memref<!tpu.dma_semaphore, #tpu.memory_space<semaphore_mem>>) {add = true}
      %dma_wait3A_421 = arith.constant 0 : i32
      %dma_wait3A_422 = arith.constant 0 : i32
      %dma_wait3A_423 = tpu.memref_slice %arg7[%dma_wait3A_421, %dma_wait3A_422] : memref<8x128xi32, #tpu.memory_space<vmem>> -> memref<1x128xi32, #tpu.memory_space<vmem>>
      %dma_wait3A_424 = tpu.memref_squeeze %dma_wait3A_423 : memref<1x128xi32, #tpu.memory_space<vmem>> -> memref<128xi32, #tpu.memory_space<vmem>>
      %dma_wait3A_425 = arith.constant 0 : i32
      %dma_wait3A_426 = arith.constant 0 : i32
      %dma_wait3A_427 = tpu.memref_slice %arg11[%dma_wait3A_425, %dma_wait3A_426] : memref<10128x128xf32, #tpu.memory_space<vmem_shared>> -> memref<10128x128xf32, #tpu.memory_space<vmem_shared>>
      tpu.wait_indirect_dma semaphore(%arg15 : memref<!tpu.dma_semaphore, #tpu.memory_space<semaphore_mem>>) src(%arg10 : memref<128x128xf32, #tpu.memory_space<vmem>>) dst(%dma_wait3A_427 : memref<10128x128xf32, #tpu.memory_space<vmem_shared>>)
      %add3A_428 = arith.constant 1 : i32
      %add3A_429 = arith.addi %add3A_407, %add3A_428 : i32
      %dma_start3A_430 = arith.constant 0 : i32
      %dma_start3A_431 = tpu.memref_slice %arg6[%add3A_429, %dma_start3A_430] : memref<80x128xi32, #tpu.memory_space<vmem>> -> memref<1x128xi32, #tpu.memory_space<vmem>>
      %dma_start3A_432 = tpu.memref_squeeze %dma_start3A_431 : memref<1x128xi32, #tpu.memory_space<vmem>> -> memref<128xi32, #tpu.memory_space<vmem>>
      %dma_start3A_433 = arith.constant 0 : i32
      %dma_start3A_434 = arith.constant 0 : i32
      %dma_start3A_435 = tpu.memref_slice %arg2[%dma_start3A_433, %dma_start3A_434] : memref<10000x128xf32, #tpu.memory_space<hbm>> -> memref<10000x128xf32, #tpu.memory_space<hbm>>
      tpu.enqueue_indirect_dma source(%dma_start3A_435 : memref<10000x128xf32, #tpu.memory_space<hbm>>) target(%arg10 : memref<128x128xf32, #tpu.memory_space<vmem>>) offsets(%dma_start3A_432 : memref<128xi32, #tpu.memory_space<vmem>>) semaphore(%arg13 : memref<!tpu.dma_semaphore, #tpu.memory_space<semaphore_mem>>)
      %add3A_436 = arith.constant 1 : i32
      %add3A_437 = arith.addi %add3A_407, %add3A_436 : i32
      %dma_wait3A_438 = arith.constant 0 : i32
      %dma_wait3A_439 = tpu.memref_slice %arg6[%add3A_437, %dma_wait3A_438] : memref<80x128xi32, #tpu.memory_space<vmem>> -> memref<1x128xi32, #tpu.memory_space<vmem>>
      %dma_wait3A_440 = tpu.memref_squeeze %dma_wait3A_439 : memref<1x128xi32, #tpu.memory_space<vmem>> -> memref<128xi32, #tpu.memory_space<vmem>>
      %dma_wait3A_441 = arith.constant 0 : i32
      %dma_wait3A_442 = arith.constant 0 : i32
      %dma_wait3A_443 = tpu.memref_slice %arg2[%dma_wait3A_441, %dma_wait3A_442] : memref<10000x128xf32, #tpu.memory_space<hbm>> -> memref<10000x128xf32, #tpu.memory_space<hbm>>
      tpu.wait_indirect_dma semaphore(%arg13 : memref<!tpu.dma_semaphore, #tpu.memory_space<semaphore_mem>>) src(%dma_wait3A_443 : memref<10000x128xf32, #tpu.memory_space<hbm>>) dst(%arg10 : memref<128x128xf32, #tpu.memory_space<vmem>>)
      %dma_start3A_444 = arith.constant 3 : i32
      %dma_start3A_445 = arith.constant 0 : i32
      %dma_start3A_446 = tpu.memref_slice %arg8[%dma_start3A_444, %dma_start3A_445] : memref<8x128xi32, #tpu.memory_space<vmem>> -> memref<1x128xi32, #tpu.memory_space<vmem>>
      %dma_start3A_447 = tpu.memref_squeeze %dma_start3A_446 : memref<1x128xi32, #tpu.memory_space<vmem>> -> memref<128xi32, #tpu.memory_space<vmem>>
      %dma_start3A_448 = arith.constant 0 : i32
      %dma_start3A_449 = arith.constant 0 : i32
      %dma_start3A_450 = tpu.memref_slice %arg11[%dma_start3A_448, %dma_start3A_449] : memref<10128x128xf32, #tpu.memory_space<vmem_shared>> -> memref<10128x128xf32, #tpu.memory_space<vmem_shared>>
      tpu.enqueue_indirect_dma source(%arg10 : memref<128x128xf32, #tpu.memory_space<vmem>>) target(%dma_start3A_450 : memref<10128x128xf32, #tpu.memory_space<vmem_shared>>) offsets(%dma_start3A_447 : memref<128xi32, #tpu.memory_space<vmem>>) semaphore(%arg15 : memref<!tpu.dma_semaphore, #tpu.memory_space<semaphore_mem>>) {add = true}
      %dma_wait3A_451 = arith.constant 0 : i32
      %dma_wait3A_452 = arith.constant 0 : i32
      %dma_wait3A_453 = tpu.memref_slice %arg7[%dma_wait3A_451, %dma_wait3A_452] : memref<8x128xi32, #tpu.memory_space<vmem>> -> memref<1x128xi32, #tpu.memory_space<vmem>>
      %dma_wait3A_454 = tpu.memref_squeeze %dma_wait3A_453 : memref<1x128xi32, #tpu.memory_space<vmem>> -> memref<128xi32, #tpu.memory_space<vmem>>
      %dma_wait3A_455 = arith.constant 0 : i32
      %dma_wait3A_456 = arith.constant 0 : i32
      %dma_wait3A_457 = tpu.memref_slice %arg11[%dma_wait3A_455, %dma_wait3A_456] : memref<10128x128xf32, #tpu.memory_space<vmem_shared>> -> memref<10128x128xf32, #tpu.memory_space<vmem_shared>>
      tpu.wait_indirect_dma semaphore(%arg14 : memref<!tpu.dma_semaphore, #tpu.memory_space<semaphore_mem>>) src(%arg9 : memref<128x128xf32, #tpu.memory_space<vmem>>) dst(%dma_wait3A_457 : memref<10128x128xf32, #tpu.memory_space<vmem_shared>>)
      %add3A_458 = arith.constant 2 : i32
      %add3A_459 = arith.addi %add3A_407, %add3A_458 : i32
      %lt3A_460 = arith.constant 80 : i32
      %lt3A_461 = arith.cmpi slt, %add3A_459, %lt3A_460 : i32
      %convert_element_type3A_462 = arith.extui %lt3A_461 : i1 to i32
      %cond3A_463 = arith.constant 0 : i32
      %cond3A_464 = arith.cmpi ne, %convert_element_type3A_462, %cond3A_463 : i32
      scf.if %cond3A_464 {
        %add3A_587 = arith.constant 2 : i32
        %add3A_588 = arith.addi %add3A_407, %add3A_587 : i32
        %dma_start3A_589 = arith.constant 0 : i32
        %dma_start3A_590 = tpu.memref_slice %arg6[%add3A_588, %dma_start3A_589] : memref<80x128xi32, #tpu.memory_space<vmem>> -> memref<1x128xi32, #tpu.memory_space<vmem>>
        %dma_start3A_591 = tpu.memref_squeeze %dma_start3A_590 : memref<1x128xi32, #tpu.memory_space<vmem>> -> memref<128xi32, #tpu.memory_space<vmem>>
        %dma_start3A_592 = arith.constant 0 : i32
        %dma_start3A_593 = arith.constant 0 : i32
        %dma_start3A_594 = tpu.memref_slice %arg2[%dma_start3A_592, %dma_start3A_593] : memref<10000x128xf32, #tpu.memory_space<hbm>> -> memref<10000x128xf32, #tpu.memory_space<hbm>>
        tpu.enqueue_indirect_dma source(%dma_start3A_594 : memref<10000x128xf32, #tpu.memory_space<hbm>>) target(%arg9 : memref<128x128xf32, #tpu.memory_space<vmem>>) offsets(%dma_start3A_591 : memref<128xi32, #tpu.memory_space<vmem>>) semaphore(%arg12 : memref<!tpu.dma_semaphore, #tpu.memory_space<semaphore_mem>>)
      } else {
      }
      %mul3A_465 = arith.constant 16 : i32
      %mul3A_466 = arith.muli %mul3A_465, %scan3A_70 : i32
      %add3A_467 = arith.constant 12 : i32
      %add3A_468 = arith.addi %mul3A_466, %add3A_467 : i32
      %dma_wait3A_469 = arith.constant 0 : i32
      %dma_wait3A_470 = tpu.memref_slice %arg6[%add3A_468, %dma_wait3A_469] : memref<80x128xi32, #tpu.memory_space<vmem>> -> memref<1x128xi32, #tpu.memory_space<vmem>>
      %dma_wait3A_471 = tpu.memref_squeeze %dma_wait3A_470 : memref<1x128xi32, #tpu.memory_space<vmem>> -> memref<128xi32, #tpu.memory_space<vmem>>
      %dma_wait3A_472 = arith.constant 0 : i32
      %dma_wait3A_473 = arith.constant 0 : i32
      %dma_wait3A_474 = tpu.memref_slice %arg2[%dma_wait3A_472, %dma_wait3A_473] : memref<10000x128xf32, #tpu.memory_space<hbm>> -> memref<10000x128xf32, #tpu.memory_space<hbm>>
      tpu.wait_indirect_dma semaphore(%arg12 : memref<!tpu.dma_semaphore, #tpu.memory_space<semaphore_mem>>) src(%dma_wait3A_474 : memref<10000x128xf32, #tpu.memory_space<hbm>>) dst(%arg9 : memref<128x128xf32, #tpu.memory_space<vmem>>)
      %dma_start3A_475 = arith.constant 4 : i32
      %dma_start3A_476 = arith.constant 0 : i32
      %dma_start3A_477 = tpu.memref_slice %arg8[%dma_start3A_475, %dma_start3A_476] : memref<8x128xi32, #tpu.memory_space<vmem>> -> memref<1x128xi32, #tpu.memory_space<vmem>>
      %dma_start3A_478 = tpu.memref_squeeze %dma_start3A_477 : memref<1x128xi32, #tpu.memory_space<vmem>> -> memref<128xi32, #tpu.memory_space<vmem>>
      %dma_start3A_479 = arith.constant 0 : i32
      %dma_start3A_480 = arith.constant 0 : i32
      %dma_start3A_481 = tpu.memref_slice %arg11[%dma_start3A_479, %dma_start3A_480] : memref<10128x128xf32, #tpu.memory_space<vmem_shared>> -> memref<10128x128xf32, #tpu.memory_space<vmem_shared>>
      tpu.enqueue_indirect_dma source(%arg9 : memref<128x128xf32, #tpu.memory_space<vmem>>) target(%dma_start3A_481 : memref<10128x128xf32, #tpu.memory_space<vmem_shared>>) offsets(%dma_start3A_478 : memref<128xi32, #tpu.memory_space<vmem>>) semaphore(%arg14 : memref<!tpu.dma_semaphore, #tpu.memory_space<semaphore_mem>>) {add = true}
      %dma_wait3A_482 = arith.constant 0 : i32
      %dma_wait3A_483 = arith.constant 0 : i32
      %dma_wait3A_484 = tpu.memref_slice %arg7[%dma_wait3A_482, %dma_wait3A_483] : memref<8x128xi32, #tpu.memory_space<vmem>> -> memref<1x128xi32, #tpu.memory_space<vmem>>
      %dma_wait3A_485 = tpu.memref_squeeze %dma_wait3A_484 : memref<1x128xi32, #tpu.memory_space<vmem>> -> memref<128xi32, #tpu.memory_space<vmem>>
      %dma_wait3A_486 = arith.constant 0 : i32
      %dma_wait3A_487 = arith.constant 0 : i32
      %dma_wait3A_488 = tpu.memref_slice %arg11[%dma_wait3A_486, %dma_wait3A_487] : memref<10128x128xf32, #tpu.memory_space<vmem_shared>> -> memref<10128x128xf32, #tpu.memory_space<vmem_shared>>
      tpu.wait_indirect_dma semaphore(%arg15 : memref<!tpu.dma_semaphore, #tpu.memory_space<semaphore_mem>>) src(%arg10 : memref<128x128xf32, #tpu.memory_space<vmem>>) dst(%dma_wait3A_488 : memref<10128x128xf32, #tpu.memory_space<vmem_shared>>)
      %add3A_489 = arith.constant 1 : i32
      %add3A_490 = arith.addi %add3A_468, %add3A_489 : i32
      %dma_start3A_491 = arith.constant 0 : i32
      %dma_start3A_492 = tpu.memref_slice %arg6[%add3A_490, %dma_start3A_491] : memref<80x128xi32, #tpu.memory_space<vmem>> -> memref<1x128xi32, #tpu.memory_space<vmem>>
      %dma_start3A_493 = tpu.memref_squeeze %dma_start3A_492 : memref<1x128xi32, #tpu.memory_space<vmem>> -> memref<128xi32, #tpu.memory_space<vmem>>
      %dma_start3A_494 = arith.constant 0 : i32
      %dma_start3A_495 = arith.constant 0 : i32
      %dma_start3A_496 = tpu.memref_slice %arg2[%dma_start3A_494, %dma_start3A_495] : memref<10000x128xf32, #tpu.memory_space<hbm>> -> memref<10000x128xf32, #tpu.memory_space<hbm>>
      tpu.enqueue_indirect_dma source(%dma_start3A_496 : memref<10000x128xf32, #tpu.memory_space<hbm>>) target(%arg10 : memref<128x128xf32, #tpu.memory_space<vmem>>) offsets(%dma_start3A_493 : memref<128xi32, #tpu.memory_space<vmem>>) semaphore(%arg13 : memref<!tpu.dma_semaphore, #tpu.memory_space<semaphore_mem>>)
      %add3A_497 = arith.constant 1 : i32
      %add3A_498 = arith.addi %add3A_468, %add3A_497 : i32
      %dma_wait3A_499 = arith.constant 0 : i32
      %dma_wait3A_500 = tpu.memref_slice %arg6[%add3A_498, %dma_wait3A_499] : memref<80x128xi32, #tpu.memory_space<vmem>> -> memref<1x128xi32, #tpu.memory_space<vmem>>
      %dma_wait3A_501 = tpu.memref_squeeze %dma_wait3A_500 : memref<1x128xi32, #tpu.memory_space<vmem>> -> memref<128xi32, #tpu.memory_space<vmem>>
      %dma_wait3A_502 = arith.constant 0 : i32
      %dma_wait3A_503 = arith.constant 0 : i32
      %dma_wait3A_504 = tpu.memref_slice %arg2[%dma_wait3A_502, %dma_wait3A_503] : memref<10000x128xf32, #tpu.memory_space<hbm>> -> memref<10000x128xf32, #tpu.memory_space<hbm>>
      tpu.wait_indirect_dma semaphore(%arg13 : memref<!tpu.dma_semaphore, #tpu.memory_space<semaphore_mem>>) src(%dma_wait3A_504 : memref<10000x128xf32, #tpu.memory_space<hbm>>) dst(%arg10 : memref<128x128xf32, #tpu.memory_space<vmem>>)
      %dma_start3A_505 = arith.constant 5 : i32
      %dma_start3A_506 = arith.constant 0 : i32
      %dma_start3A_507 = tpu.memref_slice %arg8[%dma_start3A_505, %dma_start3A_506] : memref<8x128xi32, #tpu.memory_space<vmem>> -> memref<1x128xi32, #tpu.memory_space<vmem>>
      %dma_start3A_508 = tpu.memref_squeeze %dma_start3A_507 : memref<1x128xi32, #tpu.memory_space<vmem>> -> memref<128xi32, #tpu.memory_space<vmem>>
      %dma_start3A_509 = arith.constant 0 : i32
      %dma_start3A_510 = arith.constant 0 : i32
      %dma_start3A_511 = tpu.memref_slice %arg11[%dma_start3A_509, %dma_start3A_510] : memref<10128x128xf32, #tpu.memory_space<vmem_shared>> -> memref<10128x128xf32, #tpu.memory_space<vmem_shared>>
      tpu.enqueue_indirect_dma source(%arg10 : memref<128x128xf32, #tpu.memory_space<vmem>>) target(%dma_start3A_511 : memref<10128x128xf32, #tpu.memory_space<vmem_shared>>) offsets(%dma_start3A_508 : memref<128xi32, #tpu.memory_space<vmem>>) semaphore(%arg15 : memref<!tpu.dma_semaphore, #tpu.memory_space<semaphore_mem>>) {add = true}
      %dma_wait3A_512 = arith.constant 0 : i32
      %dma_wait3A_513 = arith.constant 0 : i32
      %dma_wait3A_514 = tpu.memref_slice %arg7[%dma_wait3A_512, %dma_wait3A_513] : memref<8x128xi32, #tpu.memory_space<vmem>> -> memref<1x128xi32, #tpu.memory_space<vmem>>
      %dma_wait3A_515 = tpu.memref_squeeze %dma_wait3A_514 : memref<1x128xi32, #tpu.memory_space<vmem>> -> memref<128xi32, #tpu.memory_space<vmem>>
      %dma_wait3A_516 = arith.constant 0 : i32
      %dma_wait3A_517 = arith.constant 0 : i32
      %dma_wait3A_518 = tpu.memref_slice %arg11[%dma_wait3A_516, %dma_wait3A_517] : memref<10128x128xf32, #tpu.memory_space<vmem_shared>> -> memref<10128x128xf32, #tpu.memory_space<vmem_shared>>
      tpu.wait_indirect_dma semaphore(%arg14 : memref<!tpu.dma_semaphore, #tpu.memory_space<semaphore_mem>>) src(%arg9 : memref<128x128xf32, #tpu.memory_space<vmem>>) dst(%dma_wait3A_518 : memref<10128x128xf32, #tpu.memory_space<vmem_shared>>)
      %add3A_519 = arith.constant 2 : i32
      %add3A_520 = arith.addi %add3A_468, %add3A_519 : i32
      %lt3A_521 = arith.constant 80 : i32
      %lt3A_522 = arith.cmpi slt, %add3A_520, %lt3A_521 : i32
      %convert_element_type3A_523 = arith.extui %lt3A_522 : i1 to i32
      %cond3A_524 = arith.constant 0 : i32
      %cond3A_525 = arith.cmpi ne, %convert_element_type3A_523, %cond3A_524 : i32
      scf.if %cond3A_525 {
        %add3A_587 = arith.constant 2 : i32
        %add3A_588 = arith.addi %add3A_468, %add3A_587 : i32
        %dma_start3A_589 = arith.constant 0 : i32
        %dma_start3A_590 = tpu.memref_slice %arg6[%add3A_588, %dma_start3A_589] : memref<80x128xi32, #tpu.memory_space<vmem>> -> memref<1x128xi32, #tpu.memory_space<vmem>>
        %dma_start3A_591 = tpu.memref_squeeze %dma_start3A_590 : memref<1x128xi32, #tpu.memory_space<vmem>> -> memref<128xi32, #tpu.memory_space<vmem>>
        %dma_start3A_592 = arith.constant 0 : i32
        %dma_start3A_593 = arith.constant 0 : i32
        %dma_start3A_594 = tpu.memref_slice %arg2[%dma_start3A_592, %dma_start3A_593] : memref<10000x128xf32, #tpu.memory_space<hbm>> -> memref<10000x128xf32, #tpu.memory_space<hbm>>
        tpu.enqueue_indirect_dma source(%dma_start3A_594 : memref<10000x128xf32, #tpu.memory_space<hbm>>) target(%arg9 : memref<128x128xf32, #tpu.memory_space<vmem>>) offsets(%dma_start3A_591 : memref<128xi32, #tpu.memory_space<vmem>>) semaphore(%arg12 : memref<!tpu.dma_semaphore, #tpu.memory_space<semaphore_mem>>)
      } else {
      }
      %mul3A_526 = arith.constant 16 : i32
      %mul3A_527 = arith.muli %mul3A_526, %scan3A_70 : i32
      %add3A_528 = arith.constant 14 : i32
      %add3A_529 = arith.addi %mul3A_527, %add3A_528 : i32
      %dma_wait3A_530 = arith.constant 0 : i32
      %dma_wait3A_531 = tpu.memref_slice %arg6[%add3A_529, %dma_wait3A_530] : memref<80x128xi32, #tpu.memory_space<vmem>> -> memref<1x128xi32, #tpu.memory_space<vmem>>
      %dma_wait3A_532 = tpu.memref_squeeze %dma_wait3A_531 : memref<1x128xi32, #tpu.memory_space<vmem>> -> memref<128xi32, #tpu.memory_space<vmem>>
      %dma_wait3A_533 = arith.constant 0 : i32
      %dma_wait3A_534 = arith.constant 0 : i32
      %dma_wait3A_535 = tpu.memref_slice %arg2[%dma_wait3A_533, %dma_wait3A_534] : memref<10000x128xf32, #tpu.memory_space<hbm>> -> memref<10000x128xf32, #tpu.memory_space<hbm>>
      tpu.wait_indirect_dma semaphore(%arg12 : memref<!tpu.dma_semaphore, #tpu.memory_space<semaphore_mem>>) src(%dma_wait3A_535 : memref<10000x128xf32, #tpu.memory_space<hbm>>) dst(%arg9 : memref<128x128xf32, #tpu.memory_space<vmem>>)
      %dma_start3A_536 = arith.constant 6 : i32
      %dma_start3A_537 = arith.constant 0 : i32
      %dma_start3A_538 = tpu.memref_slice %arg8[%dma_start3A_536, %dma_start3A_537] : memref<8x128xi32, #tpu.memory_space<vmem>> -> memref<1x128xi32, #tpu.memory_space<vmem>>
      %dma_start3A_539 = tpu.memref_squeeze %dma_start3A_538 : memref<1x128xi32, #tpu.memory_space<vmem>> -> memref<128xi32, #tpu.memory_space<vmem>>
      %dma_start3A_540 = arith.constant 0 : i32
      %dma_start3A_541 = arith.constant 0 : i32
      %dma_start3A_542 = tpu.memref_slice %arg11[%dma_start3A_540, %dma_start3A_541] : memref<10128x128xf32, #tpu.memory_space<vmem_shared>> -> memref<10128x128xf32, #tpu.memory_space<vmem_shared>>
      tpu.enqueue_indirect_dma source(%arg9 : memref<128x128xf32, #tpu.memory_space<vmem>>) target(%dma_start3A_542 : memref<10128x128xf32, #tpu.memory_space<vmem_shared>>) offsets(%dma_start3A_539 : memref<128xi32, #tpu.memory_space<vmem>>) semaphore(%arg14 : memref<!tpu.dma_semaphore, #tpu.memory_space<semaphore_mem>>) {add = true}
      %dma_wait3A_543 = arith.constant 0 : i32
      %dma_wait3A_544 = arith.constant 0 : i32
      %dma_wait3A_545 = tpu.memref_slice %arg7[%dma_wait3A_543, %dma_wait3A_544] : memref<8x128xi32, #tpu.memory_space<vmem>> -> memref<1x128xi32, #tpu.memory_space<vmem>>
      %dma_wait3A_546 = tpu.memref_squeeze %dma_wait3A_545 : memref<1x128xi32, #tpu.memory_space<vmem>> -> memref<128xi32, #tpu.memory_space<vmem>>
      %dma_wait3A_547 = arith.constant 0 : i32
      %dma_wait3A_548 = arith.constant 0 : i32
      %dma_wait3A_549 = tpu.memref_slice %arg11[%dma_wait3A_547, %dma_wait3A_548] : memref<10128x128xf32, #tpu.memory_space<vmem_shared>> -> memref<10128x128xf32, #tpu.memory_space<vmem_shared>>
      tpu.wait_indirect_dma semaphore(%arg15 : memref<!tpu.dma_semaphore, #tpu.memory_space<semaphore_mem>>) src(%arg10 : memref<128x128xf32, #tpu.memory_space<vmem>>) dst(%dma_wait3A_549 : memref<10128x128xf32, #tpu.memory_space<vmem_shared>>)
      %add3A_550 = arith.constant 1 : i32
      %add3A_551 = arith.addi %add3A_529, %add3A_550 : i32
      %dma_start3A_552 = arith.constant 0 : i32
      %dma_start3A_553 = tpu.memref_slice %arg6[%add3A_551, %dma_start3A_552] : memref<80x128xi32, #tpu.memory_space<vmem>> -> memref<1x128xi32, #tpu.memory_space<vmem>>
      %dma_start3A_554 = tpu.memref_squeeze %dma_start3A_553 : memref<1x128xi32, #tpu.memory_space<vmem>> -> memref<128xi32, #tpu.memory_space<vmem>>
      %dma_start3A_555 = arith.constant 0 : i32
      %dma_start3A_556 = arith.constant 0 : i32
      %dma_start3A_557 = tpu.memref_slice %arg2[%dma_start3A_555, %dma_start3A_556] : memref<10000x128xf32, #tpu.memory_space<hbm>> -> memref<10000x128xf32, #tpu.memory_space<hbm>>
      tpu.enqueue_indirect_dma source(%dma_start3A_557 : memref<10000x128xf32, #tpu.memory_space<hbm>>) target(%arg10 : memref<128x128xf32, #tpu.memory_space<vmem>>) offsets(%dma_start3A_554 : memref<128xi32, #tpu.memory_space<vmem>>) semaphore(%arg13 : memref<!tpu.dma_semaphore, #tpu.memory_space<semaphore_mem>>)
      %add3A_558 = arith.constant 1 : i32
      %add3A_559 = arith.addi %add3A_529, %add3A_558 : i32
      %dma_wait3A_560 = arith.constant 0 : i32
      %dma_wait3A_561 = tpu.memref_slice %arg6[%add3A_559, %dma_wait3A_560] : memref<80x128xi32, #tpu.memory_space<vmem>> -> memref<1x128xi32, #tpu.memory_space<vmem>>
      %dma_wait3A_562 = tpu.memref_squeeze %dma_wait3A_561 : memref<1x128xi32, #tpu.memory_space<vmem>> -> memref<128xi32, #tpu.memory_space<vmem>>
      %dma_wait3A_563 = arith.constant 0 : i32
      %dma_wait3A_564 = arith.constant 0 : i32
      %dma_wait3A_565 = tpu.memref_slice %arg2[%dma_wait3A_563, %dma_wait3A_564] : memref<10000x128xf32, #tpu.memory_space<hbm>> -> memref<10000x128xf32, #tpu.memory_space<hbm>>
      tpu.wait_indirect_dma semaphore(%arg13 : memref<!tpu.dma_semaphore, #tpu.memory_space<semaphore_mem>>) src(%dma_wait3A_565 : memref<10000x128xf32, #tpu.memory_space<hbm>>) dst(%arg10 : memref<128x128xf32, #tpu.memory_space<vmem>>)
      %dma_start3A_566 = arith.constant 7 : i32
      %dma_start3A_567 = arith.constant 0 : i32
      %dma_start3A_568 = tpu.memref_slice %arg8[%dma_start3A_566, %dma_start3A_567] : memref<8x128xi32, #tpu.memory_space<vmem>> -> memref<1x128xi32, #tpu.memory_space<vmem>>
      %dma_start3A_569 = tpu.memref_squeeze %dma_start3A_568 : memref<1x128xi32, #tpu.memory_space<vmem>> -> memref<128xi32, #tpu.memory_space<vmem>>
      %dma_start3A_570 = arith.constant 0 : i32
      %dma_start3A_571 = arith.constant 0 : i32
      %dma_start3A_572 = tpu.memref_slice %arg11[%dma_start3A_570, %dma_start3A_571] : memref<10128x128xf32, #tpu.memory_space<vmem_shared>> -> memref<10128x128xf32, #tpu.memory_space<vmem_shared>>
      tpu.enqueue_indirect_dma source(%arg10 : memref<128x128xf32, #tpu.memory_space<vmem>>) target(%dma_start3A_572 : memref<10128x128xf32, #tpu.memory_space<vmem_shared>>) offsets(%dma_start3A_569 : memref<128xi32, #tpu.memory_space<vmem>>) semaphore(%arg15 : memref<!tpu.dma_semaphore, #tpu.memory_space<semaphore_mem>>) {add = true}
      %dma_wait3A_573 = arith.constant 0 : i32
      %dma_wait3A_574 = arith.constant 0 : i32
      %dma_wait3A_575 = tpu.memref_slice %arg7[%dma_wait3A_573, %dma_wait3A_574] : memref<8x128xi32, #tpu.memory_space<vmem>> -> memref<1x128xi32, #tpu.memory_space<vmem>>
      %dma_wait3A_576 = tpu.memref_squeeze %dma_wait3A_575 : memref<1x128xi32, #tpu.memory_space<vmem>> -> memref<128xi32, #tpu.memory_space<vmem>>
      %dma_wait3A_577 = arith.constant 0 : i32
      %dma_wait3A_578 = arith.constant 0 : i32
      %dma_wait3A_579 = tpu.memref_slice %arg11[%dma_wait3A_577, %dma_wait3A_578] : memref<10128x128xf32, #tpu.memory_space<vmem_shared>> -> memref<10128x128xf32, #tpu.memory_space<vmem_shared>>
      tpu.wait_indirect_dma semaphore(%arg14 : memref<!tpu.dma_semaphore, #tpu.memory_space<semaphore_mem>>) src(%arg9 : memref<128x128xf32, #tpu.memory_space<vmem>>) dst(%dma_wait3A_579 : memref<10128x128xf32, #tpu.memory_space<vmem_shared>>)
      %add3A_580 = arith.constant 2 : i32
      %add3A_581 = arith.addi %add3A_529, %add3A_580 : i32
      %lt3A_582 = arith.constant 80 : i32
      %lt3A_583 = arith.cmpi slt, %add3A_581, %lt3A_582 : i32
      %convert_element_type3A_584 = arith.extui %lt3A_583 : i1 to i32
      %cond3A_585 = arith.constant 0 : i32
      %cond3A_586 = arith.cmpi ne, %convert_element_type3A_584, %cond3A_585 : i32
      scf.if %cond3A_586 {
        %add3A_587 = arith.constant 2 : i32
        %add3A_588 = arith.addi %add3A_529, %add3A_587 : i32
        %dma_start3A_589 = arith.constant 0 : i32
        %dma_start3A_590 = tpu.memref_slice %arg6[%add3A_588, %dma_start3A_589] : memref<80x128xi32, #tpu.memory_space<vmem>> -> memref<1x128xi32, #tpu.memory_space<vmem>>
        %dma_start3A_591 = tpu.memref_squeeze %dma_start3A_590 : memref<1x128xi32, #tpu.memory_space<vmem>> -> memref<128xi32, #tpu.memory_space<vmem>>
        %dma_start3A_592 = arith.constant 0 : i32
        %dma_start3A_593 = arith.constant 0 : i32
        %dma_start3A_594 = tpu.memref_slice %arg2[%dma_start3A_592, %dma_start3A_593] : memref<10000x128xf32, #tpu.memory_space<hbm>> -> memref<10000x128xf32, #tpu.memory_space<hbm>>
        tpu.enqueue_indirect_dma source(%dma_start3A_594 : memref<10000x128xf32, #tpu.memory_space<hbm>>) target(%arg9 : memref<128x128xf32, #tpu.memory_space<vmem>>) offsets(%dma_start3A_591 : memref<128xi32, #tpu.memory_space<vmem>>) semaphore(%arg12 : memref<!tpu.dma_semaphore, #tpu.memory_space<semaphore_mem>>)
      } else {
      }
    }
    %scan3A_54 = arith.constant 5 : i32
    %dma_wait3A_55 = arith.constant 0 : i32
    %dma_wait3A_56 = arith.constant 0 : i32
    %dma_wait3A_57 = tpu.memref_slice %arg7[%dma_wait3A_55, %dma_wait3A_56] : memref<8x128xi32, #tpu.memory_space<vmem>> -> memref<1x128xi32, #tpu.memory_space<vmem>>
    %dma_wait3A_58 = tpu.memref_squeeze %dma_wait3A_57 : memref<1x128xi32, #tpu.memory_space<vmem>> -> memref<128xi32, #tpu.memory_space<vmem>>
    %dma_wait3A_59 = arith.constant 0 : i32
    %dma_wait3A_60 = arith.constant 0 : i32
    %dma_wait3A_61 = tpu.memref_slice %arg11[%dma_wait3A_59, %dma_wait3A_60] : memref<10128x128xf32, #tpu.memory_space<vmem_shared>> -> memref<10128x128xf32, #tpu.memory_space<vmem_shared>>
    tpu.wait_indirect_dma semaphore(%arg15 : memref<!tpu.dma_semaphore, #tpu.memory_space<semaphore_mem>>) src(%arg10 : memref<128x128xf32, #tpu.memory_space<vmem>>) dst(%dma_wait3A_61 : memref<10128x128xf32, #tpu.memory_space<vmem_shared>>)
    %barrier3A_62 = arith.constant 0 : index
    tpu.barrier barrier_id(%barrier3A_62)
    %mul3A_63 = arith.constant 624 : i32
    %mul3A_64 = arith.muli %arg1, %mul3A_63 : i32
    "tpu.region"() ({
      %run_scoped3A = tpu.sem_alloc : memref<!tpu.dma_semaphore, #tpu.memory_space<semaphore_mem>>
      %dma_start3A_70 = arith.constant 0 : i32
      %dma_start3A_71 = arith.constant 0 : i32
      %dma_start3A_72 = tpu.memref_slice %arg5[%arg0, %dma_start3A_70, %dma_start3A_71] : memref<2x10000x128xf32, #tpu.memory_space<hbm>> -> memref<1x10000x128xf32, #tpu.memory_space<hbm>>
      %dma_start3A_73 = tpu.memref_squeeze %dma_start3A_72 : memref<1x10000x128xf32, #tpu.memory_space<hbm>> -> memref<10000x128xf32, #tpu.memory_space<hbm>>
      %dma_start3A_74 = arith.constant 0 : i32
      %dma_start3A_75 = tpu.memref_slice %dma_start3A_73[%mul3A_64, %dma_start3A_74] : memref<10000x128xf32, #tpu.memory_space<hbm>> -> memref<624x128xf32, #tpu.memory_space<hbm>>
      %dma_start3A_76 = arith.constant 0 : i32
      %dma_start3A_77 = tpu.memref_slice %arg11[%mul3A_64, %dma_start3A_76] : memref<10128x128xf32, #tpu.memory_space<vmem_shared>> -> memref<624x128xf32, #tpu.memory_space<vmem_shared>>
      tpu.enqueue_dma source(%dma_start3A_77 : memref<624x128xf32, #tpu.memory_space<vmem_shared>>) target(%dma_start3A_75 : memref<624x128xf32, #tpu.memory_space<hbm>>) target_semaphore(%run_scoped3A : memref<!tpu.dma_semaphore, #tpu.memory_space<semaphore_mem>>)
      %dma_wait3A_78 = arith.constant 0 : i32
      %dma_wait3A_79 = arith.constant 0 : i32
      %dma_wait3A_80 = tpu.memref_slice %arg5[%arg0, %dma_wait3A_78, %dma_wait3A_79] : memref<2x10000x128xf32, #tpu.memory_space<hbm>> -> memref<1x10000x128xf32, #tpu.memory_space<hbm>>
      %dma_wait3A_81 = tpu.memref_squeeze %dma_wait3A_80 : memref<1x10000x128xf32, #tpu.memory_space<hbm>> -> memref<10000x128xf32, #tpu.memory_space<hbm>>
      %dma_wait3A_82 = arith.constant 0 : i32
      %dma_wait3A_83 = tpu.memref_slice %dma_wait3A_81[%mul3A_64, %dma_wait3A_82] : memref<10000x128xf32, #tpu.memory_space<hbm>> -> memref<624x128xf32, #tpu.memory_space<hbm>>
      %dma_wait3A_84 = arith.constant 0 : i32
      %dma_wait3A_85 = tpu.memref_slice %arg11[%mul3A_64, %dma_wait3A_84] : memref<10128x128xf32, #tpu.memory_space<vmem_shared>> -> memref<624x128xf32, #tpu.memory_space<vmem_shared>>
      tpu.wait_dma2 semaphore(%run_scoped3A : memref<!tpu.dma_semaphore, #tpu.memory_space<semaphore_mem>>) src(%dma_wait3A_85 : memref<624x128xf32, #tpu.memory_space<vmem_shared>>) dst(%dma_wait3A_83 : memref<624x128xf32, #tpu.memory_space<hbm>>)
      tpu.yield
    }) : () -> ()
    %eq3A_65 = arith.constant 15 : i32
    %eq3A_66 = arith.cmpi eq, %arg1, %eq3A_65 : i32
    %convert_element_type3A_67 = arith.extui %eq3A_66 : i1 to i32
    %cond3A_68 = arith.constant 0 : i32
    %cond3A_69 = arith.cmpi ne, %convert_element_type3A_67, %cond3A_68 : i32
    scf.if %cond3A_69 {
      "tpu.region"() ({
        %run_scoped3A = tpu.sem_alloc : memref<!tpu.dma_semaphore, #tpu.memory_space<semaphore_mem>>
        %dma_start3A_70 = arith.constant 0 : i32
        %dma_start3A_71 = arith.constant 0 : i32
        %dma_start3A_72 = tpu.memref_slice %arg5[%arg0, %dma_start3A_70, %dma_start3A_71] : memref<2x10000x128xf32, #tpu.memory_space<hbm>> -> memref<1x10000x128xf32, #tpu.memory_space<hbm>>
        %dma_start3A_73 = tpu.memref_squeeze %dma_start3A_72 : memref<1x10000x128xf32, #tpu.memory_space<hbm>> -> memref<10000x128xf32, #tpu.memory_space<hbm>>
        %dma_start3A_74 = arith.constant 9984 : i32
        %dma_start3A_75 = arith.constant 0 : i32
        %dma_start3A_76 = tpu.memref_slice %dma_start3A_73[%dma_start3A_74, %dma_start3A_75] : memref<10000x128xf32, #tpu.memory_space<hbm>> -> memref<16x128xf32, #tpu.memory_space<hbm>>
        %dma_start3A_77 = arith.constant 9984 : i32
        %dma_start3A_78 = arith.constant 0 : i32
        %dma_start3A_79 = tpu.memref_slice %arg11[%dma_start3A_77, %dma_start3A_78] : memref<10128x128xf32, #tpu.memory_space<vmem_shared>> -> memref<16x128xf32, #tpu.memory_space<vmem_shared>>
        tpu.enqueue_dma source(%dma_start3A_79 : memref<16x128xf32, #tpu.memory_space<vmem_shared>>) target(%dma_start3A_76 : memref<16x128xf32, #tpu.memory_space<hbm>>) target_semaphore(%run_scoped3A : memref<!tpu.dma_semaphore, #tpu.memory_space<semaphore_mem>>)
        %dma_wait3A_80 = arith.constant 0 : i32
        %dma_wait3A_81 = arith.constant 0 : i32
        %dma_wait3A_82 = tpu.memref_slice %arg5[%arg0, %dma_wait3A_80, %dma_wait3A_81] : memref<2x10000x128xf32, #tpu.memory_space<hbm>> -> memref<1x10000x128xf32, #tpu.memory_space<hbm>>
        %dma_wait3A_83 = tpu.memref_squeeze %dma_wait3A_82 : memref<1x10000x128xf32, #tpu.memory_space<hbm>> -> memref<10000x128xf32, #tpu.memory_space<hbm>>
        %dma_wait3A_84 = arith.constant 9984 : i32
        %dma_wait3A_85 = arith.constant 0 : i32
        %dma_wait3A_86 = tpu.memref_slice %dma_wait3A_83[%dma_wait3A_84, %dma_wait3A_85] : memref<10000x128xf32, #tpu.memory_space<hbm>> -> memref<16x128xf32, #tpu.memory_space<hbm>>
        %dma_wait3A_87 = arith.constant 9984 : i32
        %dma_wait3A_88 = arith.constant 0 : i32
        %dma_wait3A_89 = tpu.memref_slice %arg11[%dma_wait3A_87, %dma_wait3A_88] : memref<10128x128xf32, #tpu.memory_space<vmem_shared>> -> memref<16x128xf32, #tpu.memory_space<vmem_shared>>
        tpu.wait_dma2 semaphore(%run_scoped3A : memref<!tpu.dma_semaphore, #tpu.memory_space<semaphore_mem>>) src(%dma_wait3A_89 : memref<16x128xf32, #tpu.memory_space<vmem_shared>>) dst(%dma_wait3A_86 : memref<16x128xf32, #tpu.memory_space<hbm>>)
        tpu.yield
      }) : () -> ()
    } else {
    }
    return
  }
}

#map = affine_map<(d0, d1) -> (0, 0)>
#map1 = affine_map<(d0, d1) -> (0, 0, 0, 0)>
#map2 = affine_map<(d0, d1) -> (0, 0, 0)>
module attributes {stable_mosaic.version = 14 : i64} {
  func.func @_agg_kernel(%arg0: i32, %arg1: i32, %arg2: memref<10000x128xf32, #tpu.memory_space<hbm>>, %arg3: memref<2x32x80x128xi32, #tpu.memory_space<hbm>>, %arg4: memref<624x128xf32, #tpu.memory_space<hbm>>, %arg5: memref<2x10000x128xf32, #tpu.memory_space<hbm>>, %arg6: memref<80x128xi32, #tpu.memory_space<vmem>>, %arg7: memref<8x128xi32, #tpu.memory_space<vmem>>, %arg8: memref<8x128xi32, #tpu.memory_space<vmem>>, %arg9: memref<128x128xf32, #tpu.memory_space<vmem>>, %arg10: memref<128x128xf32, #tpu.memory_space<vmem>>, %arg11: memref<10128x128xf32, #tpu.memory_space<vmem_shared>>, %arg12: memref<!tpu.dma_semaphore, #tpu.memory_space<semaphore_mem>>, %arg13: memref<!tpu.dma_semaphore, #tpu.memory_space<semaphore_mem>>, %arg14: memref<!tpu.dma_semaphore, #tpu.memory_space<semaphore_mem>>, %arg15: memref<!tpu.dma_semaphore, #tpu.memory_space<semaphore_mem>>, %arg16: memref<!tpu.dma_semaphore, #tpu.memory_space<semaphore_mem>>) attributes {dimension_semantics = [#tpu.dimension_semantics<core_parallel>, #tpu.dimension_semantics<subcore_parallel>], iteration_bounds = array<i64: 2, 16>, scalar_prefetch = 0 : i64, scratch_operands = 11 : i64, tpu.core_type = #tpu.core_type<sc_vector_subcore>, window_params = [{transform_indices = #map}, {transform_indices = #map1}, {transform_indices = #map}, {transform_indices = #map2}]} {
    %mul3A = arith.constant 16 : i32
    %mul3A_0 = arith.muli %arg0, %mul3A : i32
    %add3A = arith.addi %mul3A_0, %arg1 : i32
    %mul3A_1 = arith.constant 624 : i32
    %mul3A_2 = arith.muli %arg1, %mul3A_1 : i32
    %dma_start3A = arith.constant 0 : i32
    %dma_start3A_3 = tpu.memref_slice %arg11[%mul3A_2, %dma_start3A] : memref<10128x128xf32, #tpu.memory_space<vmem_shared>> -> memref<624x128xf32, #tpu.memory_space<vmem_shared>>
    tpu.enqueue_dma source(%arg4 : memref<624x128xf32, #tpu.memory_space<hbm>>) target(%dma_start3A_3 : memref<624x128xf32, #tpu.memory_space<vmem_shared>>) target_semaphore(%arg14 : memref<!tpu.dma_semaphore, #tpu.memory_space<semaphore_mem>>)
    %dma_start3A_4 = arith.constant 0 : i32
    %dma_start3A_5 = arith.constant 0 : i32
    %dma_start3A_6 = arith.constant 0 : i32
    %dma_start3A_7 = tpu.memref_slice %arg3[%dma_start3A_4, %add3A, %dma_start3A_5, %dma_start3A_6] : memref<2x32x80x128xi32, #tpu.memory_space<hbm>> -> memref<1x1x80x128xi32, #tpu.memory_space<hbm>>
    %dma_start3A_8 = tpu.memref_squeeze %dma_start3A_7 : memref<1x1x80x128xi32, #tpu.memory_space<hbm>> -> memref<80x128xi32, #tpu.memory_space<hbm>>
    %dma_start3A_9 = arith.constant 0 : i32
    %dma_start3A_10 = arith.constant 0 : i32
    %dma_start3A_11 = tpu.memref_slice %arg3[%dma_start3A_4, %add3A, %dma_start3A_9, %dma_start3A_10] : memref<2x32x80x128xi32, #tpu.memory_space<hbm>> -> memref<1x1x80x128xi32, #tpu.memory_space<hbm>>
    %dma_start3A_12 = tpu.memref_squeeze %dma_start3A_11 : memref<1x1x80x128xi32, #tpu.memory_space<hbm>> -> memref<80x128xi32, #tpu.memory_space<hbm>>
    tpu.enqueue_dma source(%dma_start3A_12 : memref<80x128xi32, #tpu.memory_space<hbm>>) target(%arg6 : memref<80x128xi32, #tpu.memory_space<vmem>>) target_semaphore(%arg12 : memref<!tpu.dma_semaphore, #tpu.memory_space<semaphore_mem>>)
    %dma_start3A_13 = arith.constant 1 : i32
    %dma_start3A_14 = arith.constant 0 : i32
    %dma_start3A_15 = arith.constant 0 : i32
    %dma_start3A_16 = tpu.memref_slice %arg3[%dma_start3A_13, %add3A, %dma_start3A_14, %dma_start3A_15] : memref<2x32x80x128xi32, #tpu.memory_space<hbm>> -> memref<1x1x8x128xi32, #tpu.memory_space<hbm>>
    %dma_start3A_17 = tpu.memref_squeeze %dma_start3A_16 : memref<1x1x8x128xi32, #tpu.memory_space<hbm>> -> memref<8x128xi32, #tpu.memory_space<hbm>>
    %dma_start3A_18 = arith.constant 0 : i32
    %dma_start3A_19 = arith.constant 0 : i32
    %dma_start3A_20 = tpu.memref_slice %arg3[%dma_start3A_13, %add3A, %dma_start3A_18, %dma_start3A_19] : memref<2x32x80x128xi32, #tpu.memory_space<hbm>> -> memref<1x1x8x128xi32, #tpu.memory_space<hbm>>
    %dma_start3A_21 = tpu.memref_squeeze %dma_start3A_20 : memref<1x1x8x128xi32, #tpu.memory_space<hbm>> -> memref<8x128xi32, #tpu.memory_space<hbm>>
    tpu.enqueue_dma source(%dma_start3A_21 : memref<8x128xi32, #tpu.memory_space<hbm>>) target(%arg7 : memref<8x128xi32, #tpu.memory_space<vmem>>) target_semaphore(%arg13 : memref<!tpu.dma_semaphore, #tpu.memory_space<semaphore_mem>>)
    %eq3A = arith.constant 15 : i32
    %eq3A_22 = arith.cmpi eq, %arg1, %eq3A : i32
    %convert_element_type3A = arith.extui %eq3A_22 : i1 to i32
    %cond3A = arith.constant 0 : i32
    %cond3A_23 = arith.cmpi ne, %convert_element_type3A, %cond3A : i32
    scf.if %cond3A_23 {
      %dma_start3A_70 = arith.constant 9984 : i32
      %dma_start3A_71 = arith.constant 0 : i32
      %dma_start3A_72 = tpu.memref_slice %arg11[%dma_start3A_70, %dma_start3A_71] : memref<10128x128xf32, #tpu.memory_space<vmem_shared>> -> memref<144x128xf32, #tpu.memory_space<vmem_shared>>
      %dma_start3A_73 = arith.constant 0 : i32
      %dma_start3A_74 = arith.constant 0 : i32
      %dma_start3A_75 = tpu.memref_slice %arg4[%dma_start3A_73, %dma_start3A_74] : memref<624x128xf32, #tpu.memory_space<hbm>> -> memref<144x128xf32, #tpu.memory_space<hbm>>
      tpu.enqueue_dma source(%dma_start3A_75 : memref<144x128xf32, #tpu.memory_space<hbm>>) target(%dma_start3A_72 : memref<144x128xf32, #tpu.memory_space<vmem_shared>>) target_semaphore(%arg15 : memref<!tpu.dma_semaphore, #tpu.memory_space<semaphore_mem>>)
      %dma_wait3A_76 = arith.constant 9984 : i32
      %dma_wait3A_77 = arith.constant 0 : i32
      %dma_wait3A_78 = tpu.memref_slice %arg11[%dma_wait3A_76, %dma_wait3A_77] : memref<10128x128xf32, #tpu.memory_space<vmem_shared>> -> memref<144x128xf32, #tpu.memory_space<vmem_shared>>
      %dma_wait3A_79 = arith.constant 0 : i32
      %dma_wait3A_80 = arith.constant 0 : i32
      %dma_wait3A_81 = tpu.memref_slice %arg4[%dma_wait3A_79, %dma_wait3A_80] : memref<624x128xf32, #tpu.memory_space<hbm>> -> memref<144x128xf32, #tpu.memory_space<hbm>>
      tpu.wait_dma2 semaphore(%arg15 : memref<!tpu.dma_semaphore, #tpu.memory_space<semaphore_mem>>) src(%dma_wait3A_81 : memref<144x128xf32, #tpu.memory_space<hbm>>) dst(%dma_wait3A_78 : memref<144x128xf32, #tpu.memory_space<vmem_shared>>)
    } else {
    }
    %dma_wait3A = arith.constant 0 : i32
    %dma_wait3A_24 = tpu.memref_slice %arg11[%mul3A_2, %dma_wait3A] : memref<10128x128xf32, #tpu.memory_space<vmem_shared>> -> memref<624x128xf32, #tpu.memory_space<vmem_shared>>
    tpu.wait_dma2 semaphore(%arg14 : memref<!tpu.dma_semaphore, #tpu.memory_space<semaphore_mem>>) src(%arg4 : memref<624x128xf32, #tpu.memory_space<hbm>>) dst(%dma_wait3A_24 : memref<624x128xf32, #tpu.memory_space<vmem_shared>>)
    %dma_wait3A_25 = arith.constant 0 : i32
    %dma_wait3A_26 = arith.constant 0 : i32
    %dma_wait3A_27 = arith.constant 0 : i32
    %dma_wait3A_28 = tpu.memref_slice %arg3[%dma_wait3A_25, %add3A, %dma_wait3A_26, %dma_wait3A_27] : memref<2x32x80x128xi32, #tpu.memory_space<hbm>> -> memref<1x1x80x128xi32, #tpu.memory_space<hbm>>
    %dma_wait3A_29 = tpu.memref_squeeze %dma_wait3A_28 : memref<1x1x80x128xi32, #tpu.memory_space<hbm>> -> memref<80x128xi32, #tpu.memory_space<hbm>>
    %dma_wait3A_30 = arith.constant 0 : i32
    %dma_wait3A_31 = arith.constant 0 : i32
    %dma_wait3A_32 = tpu.memref_slice %arg3[%dma_wait3A_25, %add3A, %dma_wait3A_30, %dma_wait3A_31] : memref<2x32x80x128xi32, #tpu.memory_space<hbm>> -> memref<1x1x80x128xi32, #tpu.memory_space<hbm>>
    %dma_wait3A_33 = tpu.memref_squeeze %dma_wait3A_32 : memref<1x1x80x128xi32, #tpu.memory_space<hbm>> -> memref<80x128xi32, #tpu.memory_space<hbm>>
    tpu.wait_dma2 semaphore(%arg12 : memref<!tpu.dma_semaphore, #tpu.memory_space<semaphore_mem>>) src(%dma_wait3A_33 : memref<80x128xi32, #tpu.memory_space<hbm>>) dst(%arg6 : memref<80x128xi32, #tpu.memory_space<vmem>>)
    %dma_wait3A_34 = arith.constant 1 : i32
    %dma_wait3A_35 = arith.constant 0 : i32
    %dma_wait3A_36 = arith.constant 0 : i32
    %dma_wait3A_37 = tpu.memref_slice %arg3[%dma_wait3A_34, %add3A, %dma_wait3A_35, %dma_wait3A_36] : memref<2x32x80x128xi32, #tpu.memory_space<hbm>> -> memref<1x1x8x128xi32, #tpu.memory_space<hbm>>
    %dma_wait3A_38 = tpu.memref_squeeze %dma_wait3A_37 : memref<1x1x8x128xi32, #tpu.memory_space<hbm>> -> memref<8x128xi32, #tpu.memory_space<hbm>>
    %dma_wait3A_39 = arith.constant 0 : i32
    %dma_wait3A_40 = arith.constant 0 : i32
    %dma_wait3A_41 = tpu.memref_slice %arg3[%dma_wait3A_34, %add3A, %dma_wait3A_39, %dma_wait3A_40] : memref<2x32x80x128xi32, #tpu.memory_space<hbm>> -> memref<1x1x8x128xi32, #tpu.memory_space<hbm>>
    %dma_wait3A_42 = tpu.memref_squeeze %dma_wait3A_41 : memref<1x1x8x128xi32, #tpu.memory_space<hbm>> -> memref<8x128xi32, #tpu.memory_space<hbm>>
    tpu.wait_dma2 semaphore(%arg13 : memref<!tpu.dma_semaphore, #tpu.memory_space<semaphore_mem>>) src(%dma_wait3A_42 : memref<8x128xi32, #tpu.memory_space<hbm>>) dst(%arg7 : memref<8x128xi32, #tpu.memory_space<vmem>>)
    %barrier3A = arith.constant 0 : index
    tpu.barrier barrier_id(%barrier3A)
    %dma_start3A_43 = arith.constant 0 : i32
    %dma_start3A_44 = arith.constant 0 : i32
    %dma_start3A_45 = tpu.memref_slice %arg6[%dma_start3A_43, %dma_start3A_44] : memref<80x128xi32, #tpu.memory_space<vmem>> -> memref<1x128xi32, #tpu.memory_space<vmem>>
    %dma_start3A_46 = tpu.memref_squeeze %dma_start3A_45 : memref<1x128xi32, #tpu.memory_space<vmem>> -> memref<128xi32, #tpu.memory_space<vmem>>
    %dma_start3A_47 = arith.constant 0 : i32
    %dma_start3A_48 = arith.constant 0 : i32
    %dma_start3A_49 = tpu.memref_slice %arg2[%dma_start3A_47, %dma_start3A_48] : memref<10000x128xf32, #tpu.memory_space<hbm>> -> memref<10000x128xf32, #tpu.memory_space<hbm>>
    tpu.enqueue_indirect_dma source(%dma_start3A_49 : memref<10000x128xf32, #tpu.memory_space<hbm>>) target(%arg9 : memref<128x128xf32, #tpu.memory_space<vmem>>) offsets(%dma_start3A_46 : memref<128xi32, #tpu.memory_space<vmem>>) semaphore(%arg12 : memref<!tpu.dma_semaphore, #tpu.memory_space<semaphore_mem>>)
    %scan3A = arith.constant 0 : i32
    %scan3A_50 = arith.constant 0 : i32
    %scan3A_51 = arith.constant 5 : i32
    %scan3A_52 = arith.addi %scan3A_50, %scan3A_51 : i32
    %scan3A_53 = arith.constant 1 : i32
    scf.for %scan3A_70 = %scan3A_50 to %scan3A_52 step %scan3A_53  : i32 {
      %mul3A_71 = arith.constant 16 : i32
      %mul3A_72 = arith.muli %mul3A_71, %scan3A_70 : i32
      %add3A_73 = arith.constant 0 : i32
      %add3A_74 = arith.addi %mul3A_72, %add3A_73 : i32
      %gt3A = arith.constant 0 : i32
      %gt3A_75 = arith.cmpi sgt, %scan3A_70, %gt3A : i32
      %convert_element_type3A_76 = arith.extui %gt3A_75 : i1 to i32
      %cond3A_77 = arith.constant 0 : i32
      %cond3A_78 = arith.cmpi ne, %convert_element_type3A_76, %cond3A_77 : i32
      scf.if %cond3A_78 {
        %dma_wait3A_587 = arith.constant 1 : i32
        %dma_wait3A_588 = arith.constant 0 : i32
        %dma_wait3A_589 = arith.constant 0 : i32
        %dma_wait3A_590 = tpu.memref_slice %arg3[%dma_wait3A_587, %add3A, %dma_wait3A_588, %dma_wait3A_589] : memref<2x32x80x128xi32, #tpu.memory_space<hbm>> -> memref<1x1x8x128xi32, #tpu.memory_space<hbm>>
        %dma_wait3A_591 = tpu.memref_squeeze %dma_wait3A_590 : memref<1x1x8x128xi32, #tpu.memory_space<hbm>> -> memref<8x128xi32, #tpu.memory_space<hbm>>
        %dma_wait3A_592 = arith.constant 0 : i32
        %dma_wait3A_593 = arith.constant 0 : i32
        %dma_wait3A_594 = tpu.memref_slice %arg3[%dma_wait3A_587, %add3A, %dma_wait3A_592, %dma_wait3A_593] : memref<2x32x80x128xi32, #tpu.memory_space<hbm>> -> memref<1x1x8x128xi32, #tpu.memory_space<hbm>>
        %dma_wait3A_595 = tpu.memref_squeeze %dma_wait3A_594 : memref<1x1x8x128xi32, #tpu.memory_space<hbm>> -> memref<8x128xi32, #tpu.memory_space<hbm>>
        tpu.wait_dma2 semaphore(%arg16 : memref<!tpu.dma_semaphore, #tpu.memory_space<semaphore_mem>>) src(%dma_wait3A_595 : memref<8x128xi32, #tpu.memory_space<hbm>>) dst(%arg7 : memref<8x128xi32, #tpu.memory_space<vmem>>)
      } else {
      }
      %dma_wait3A_79 = arith.constant 0 : i32
      %dma_wait3A_80 = tpu.memref_slice %arg6[%add3A_74, %dma_wait3A_79] : memref<80x128xi32, #tpu.memory_space<vmem>> -> memref<1x128xi32, #tpu.memory_space<vmem>>
      %dma_wait3A_81 = tpu.memref_squeeze %dma_wait3A_80 : memref<1x128xi32, #tpu.memory_space<vmem>> -> memref<128xi32, #tpu.memory_space<vmem>>
      %dma_wait3A_82 = arith.constant 0 : i32
      %dma_wait3A_83 = arith.constant 0 : i32
      %dma_wait3A_84 = tpu.memref_slice %arg2[%dma_wait3A_82, %dma_wait3A_83] : memref<10000x128xf32, #tpu.memory_space<hbm>> -> memref<10000x128xf32, #tpu.memory_space<hbm>>
      tpu.wait_indirect_dma semaphore(%arg12 : memref<!tpu.dma_semaphore, #tpu.memory_space<semaphore_mem>>) src(%dma_wait3A_84 : memref<10000x128xf32, #tpu.memory_space<hbm>>) dst(%arg9 : memref<128x128xf32, #tpu.memory_space<vmem>>)
      %dma_start3A_85 = arith.constant 0 : i32
      %dma_start3A_86 = arith.constant 0 : i32
      %dma_start3A_87 = tpu.memref_slice %arg7[%dma_start3A_85, %dma_start3A_86] : memref<8x128xi32, #tpu.memory_space<vmem>> -> memref<1x128xi32, #tpu.memory_space<vmem>>
      %dma_start3A_88 = tpu.memref_squeeze %dma_start3A_87 : memref<1x128xi32, #tpu.memory_space<vmem>> -> memref<128xi32, #tpu.memory_space<vmem>>
      %dma_start3A_89 = arith.constant 0 : i32
      %dma_start3A_90 = arith.constant 0 : i32
      %dma_start3A_91 = tpu.memref_slice %arg11[%dma_start3A_89, %dma_start3A_90] : memref<10128x128xf32, #tpu.memory_space<vmem_shared>> -> memref<10128x128xf32, #tpu.memory_space<vmem_shared>>
      tpu.enqueue_indirect_dma source(%arg9 : memref<128x128xf32, #tpu.memory_space<vmem>>) target(%dma_start3A_91 : memref<10128x128xf32, #tpu.memory_space<vmem_shared>>) offsets(%dma_start3A_88 : memref<128xi32, #tpu.memory_space<vmem>>) semaphore(%arg14 : memref<!tpu.dma_semaphore, #tpu.memory_space<semaphore_mem>>) {add = true}
      %gt3A_92 = arith.constant 0 : i32
      %gt3A_93 = arith.cmpi sgt, %scan3A_70, %gt3A_92 : i32
      %convert_element_type3A_94 = arith.extui %gt3A_93 : i1 to i32
      %cond3A_95 = arith.constant 0 : i32
      %cond3A_96 = arith.cmpi ne, %convert_element_type3A_94, %cond3A_95 : i32
      scf.if %cond3A_96 {
        %dma_wait3A_587 = arith.constant 0 : i32
        %dma_wait3A_588 = arith.constant 0 : i32
        %dma_wait3A_589 = tpu.memref_slice %arg7[%dma_wait3A_587, %dma_wait3A_588] : memref<8x128xi32, #tpu.memory_space<vmem>> -> memref<1x128xi32, #tpu.memory_space<vmem>>
        %dma_wait3A_590 = tpu.memref_squeeze %dma_wait3A_589 : memref<1x128xi32, #tpu.memory_space<vmem>> -> memref<128xi32, #tpu.memory_space<vmem>>
        %dma_wait3A_591 = arith.constant 0 : i32
        %dma_wait3A_592 = arith.constant 0 : i32
        %dma_wait3A_593 = tpu.memref_slice %arg11[%dma_wait3A_591, %dma_wait3A_592] : memref<10128x128xf32, #tpu.memory_space<vmem_shared>> -> memref<10128x128xf32, #tpu.memory_space<vmem_shared>>
        tpu.wait_indirect_dma semaphore(%arg15 : memref<!tpu.dma_semaphore, #tpu.memory_space<semaphore_mem>>) src(%arg10 : memref<128x128xf32, #tpu.memory_space<vmem>>) dst(%dma_wait3A_593 : memref<10128x128xf32, #tpu.memory_space<vmem_shared>>)
      } else {
      }
      %mul3A_97 = arith.constant 2 : i32
      %mul3A_98 = arith.muli %mul3A_97, %scan3A_70 : i32
      %add3A_99 = arith.constant 1 : i32
      %add3A_100 = arith.addi %mul3A_98, %add3A_99 : i32
      %mul3A_101 = arith.constant 8 : i32
      %mul3A_102 = arith.muli %add3A_100, %mul3A_101 : i32
      %dma_start3A_103 = arith.constant 1 : i32
      %dma_start3A_104 = arith.constant 0 : i32
      %dma_start3A_105 = tpu.memref_slice %arg3[%dma_start3A_103, %add3A, %mul3A_102, %dma_start3A_104] : memref<2x32x80x128xi32, #tpu.memory_space<hbm>> -> memref<1x1x8x128xi32, #tpu.memory_space<hbm>>
      %dma_start3A_106 = tpu.memref_squeeze %dma_start3A_105 : memref<1x1x8x128xi32, #tpu.memory_space<hbm>> -> memref<8x128xi32, #tpu.memory_space<hbm>>
      %dma_start3A_107 = arith.constant 0 : i32
      %dma_start3A_108 = tpu.memref_slice %arg3[%dma_start3A_103, %add3A, %mul3A_102, %dma_start3A_107] : memref<2x32x80x128xi32, #tpu.memory_space<hbm>> -> memref<1x1x8x128xi32, #tpu.memory_space<hbm>>
      %dma_start3A_109 = tpu.memref_squeeze %dma_start3A_108 : memref<1x1x8x128xi32, #tpu.memory_space<hbm>> -> memref<8x128xi32, #tpu.memory_space<hbm>>
      tpu.enqueue_dma source(%dma_start3A_109 : memref<8x128xi32, #tpu.memory_space<hbm>>) target(%arg8 : memref<8x128xi32, #tpu.memory_space<vmem>>) target_semaphore(%arg16 : memref<!tpu.dma_semaphore, #tpu.memory_space<semaphore_mem>>)
      %add3A_110 = arith.constant 1 : i32
      %add3A_111 = arith.addi %add3A_74, %add3A_110 : i32
      %dma_start3A_112 = arith.constant 0 : i32
      %dma_start3A_113 = tpu.memref_slice %arg6[%add3A_111, %dma_start3A_112] : memref<80x128xi32, #tpu.memory_space<vmem>> -> memref<1x128xi32, #tpu.memory_space<vmem>>
      %dma_start3A_114 = tpu.memref_squeeze %dma_start3A_113 : memref<1x128xi32, #tpu.memory_space<vmem>> -> memref<128xi32, #tpu.memory_space<vmem>>
      %dma_start3A_115 = arith.constant 0 : i32
      %dma_start3A_116 = arith.constant 0 : i32
      %dma_start3A_117 = tpu.memref_slice %arg2[%dma_start3A_115, %dma_start3A_116] : memref<10000x128xf32, #tpu.memory_space<hbm>> -> memref<10000x128xf32, #tpu.memory_space<hbm>>
      tpu.enqueue_indirect_dma source(%dma_start3A_117 : memref<10000x128xf32, #tpu.memory_space<hbm>>) target(%arg10 : memref<128x128xf32, #tpu.memory_space<vmem>>) offsets(%dma_start3A_114 : memref<128xi32, #tpu.memory_space<vmem>>) semaphore(%arg13 : memref<!tpu.dma_semaphore, #tpu.memory_space<semaphore_mem>>)
      %add3A_118 = arith.constant 1 : i32
      %add3A_119 = arith.addi %add3A_74, %add3A_118 : i32
      %dma_wait3A_120 = arith.constant 0 : i32
      %dma_wait3A_121 = tpu.memref_slice %arg6[%add3A_119, %dma_wait3A_120] : memref<80x128xi32, #tpu.memory_space<vmem>> -> memref<1x128xi32, #tpu.memory_space<vmem>>
      %dma_wait3A_122 = tpu.memref_squeeze %dma_wait3A_121 : memref<1x128xi32, #tpu.memory_space<vmem>> -> memref<128xi32, #tpu.memory_space<vmem>>
      %dma_wait3A_123 = arith.constant 0 : i32
      %dma_wait3A_124 = arith.constant 0 : i32
      %dma_wait3A_125 = tpu.memref_slice %arg2[%dma_wait3A_123, %dma_wait3A_124] : memref<10000x128xf32, #tpu.memory_space<hbm>> -> memref<10000x128xf32, #tpu.memory_space<hbm>>
      tpu.wait_indirect_dma semaphore(%arg13 : memref<!tpu.dma_semaphore, #tpu.memory_space<semaphore_mem>>) src(%dma_wait3A_125 : memref<10000x128xf32, #tpu.memory_space<hbm>>) dst(%arg10 : memref<128x128xf32, #tpu.memory_space<vmem>>)
      %dma_start3A_126 = arith.constant 1 : i32
      %dma_start3A_127 = arith.constant 0 : i32
      %dma_start3A_128 = tpu.memref_slice %arg7[%dma_start3A_126, %dma_start3A_127] : memref<8x128xi32, #tpu.memory_space<vmem>> -> memref<1x128xi32, #tpu.memory_space<vmem>>
      %dma_start3A_129 = tpu.memref_squeeze %dma_start3A_128 : memref<1x128xi32, #tpu.memory_space<vmem>> -> memref<128xi32, #tpu.memory_space<vmem>>
      %dma_start3A_130 = arith.constant 0 : i32
      %dma_start3A_131 = arith.constant 0 : i32
      %dma_start3A_132 = tpu.memref_slice %arg11[%dma_start3A_130, %dma_start3A_131] : memref<10128x128xf32, #tpu.memory_space<vmem_shared>> -> memref<10128x128xf32, #tpu.memory_space<vmem_shared>>
      tpu.enqueue_indirect_dma source(%arg10 : memref<128x128xf32, #tpu.memory_space<vmem>>) target(%dma_start3A_132 : memref<10128x128xf32, #tpu.memory_space<vmem_shared>>) offsets(%dma_start3A_129 : memref<128xi32, #tpu.memory_space<vmem>>) semaphore(%arg15 : memref<!tpu.dma_semaphore, #tpu.memory_space<semaphore_mem>>) {add = true}
      %dma_wait3A_133 = arith.constant 0 : i32
      %dma_wait3A_134 = arith.constant 0 : i32
      %dma_wait3A_135 = tpu.memref_slice %arg7[%dma_wait3A_133, %dma_wait3A_134] : memref<8x128xi32, #tpu.memory_space<vmem>> -> memref<1x128xi32, #tpu.memory_space<vmem>>
      %dma_wait3A_136 = tpu.memref_squeeze %dma_wait3A_135 : memref<1x128xi32, #tpu.memory_space<vmem>> -> memref<128xi32, #tpu.memory_space<vmem>>
      %dma_wait3A_137 = arith.constant 0 : i32
      %dma_wait3A_138 = arith.constant 0 : i32
      %dma_wait3A_139 = tpu.memref_slice %arg11[%dma_wait3A_137, %dma_wait3A_138] : memref<10128x128xf32, #tpu.memory_space<vmem_shared>> -> memref<10128x128xf32, #tpu.memory_space<vmem_shared>>
      tpu.wait_indirect_dma semaphore(%arg14 : memref<!tpu.dma_semaphore, #tpu.memory_space<semaphore_mem>>) src(%arg9 : memref<128x128xf32, #tpu.memory_space<vmem>>) dst(%dma_wait3A_139 : memref<10128x128xf32, #tpu.memory_space<vmem_shared>>)
      %add3A_140 = arith.constant 2 : i32
      %add3A_141 = arith.addi %add3A_74, %add3A_140 : i32
      %lt3A = arith.constant 80 : i32
      %lt3A_142 = arith.cmpi slt, %add3A_141, %lt3A : i32
      %convert_element_type3A_143 = arith.extui %lt3A_142 : i1 to i32
      %cond3A_144 = arith.constant 0 : i32
      %cond3A_145 = arith.cmpi ne, %convert_element_type3A_143, %cond3A_144 : i32
      scf.if %cond3A_145 {
        %add3A_587 = arith.constant 2 : i32
        %add3A_588 = arith.addi %add3A_74, %add3A_587 : i32
        %dma_start3A_589 = arith.constant 0 : i32
        %dma_start3A_590 = tpu.memref_slice %arg6[%add3A_588, %dma_start3A_589] : memref<80x128xi32, #tpu.memory_space<vmem>> -> memref<1x128xi32, #tpu.memory_space<vmem>>
        %dma_start3A_591 = tpu.memref_squeeze %dma_start3A_590 : memref<1x128xi32, #tpu.memory_space<vmem>> -> memref<128xi32, #tpu.memory_space<vmem>>
        %dma_start3A_592 = arith.constant 0 : i32
        %dma_start3A_593 = arith.constant 0 : i32
        %dma_start3A_594 = tpu.memref_slice %arg2[%dma_start3A_592, %dma_start3A_593] : memref<10000x128xf32, #tpu.memory_space<hbm>> -> memref<10000x128xf32, #tpu.memory_space<hbm>>
        tpu.enqueue_indirect_dma source(%dma_start3A_594 : memref<10000x128xf32, #tpu.memory_space<hbm>>) target(%arg9 : memref<128x128xf32, #tpu.memory_space<vmem>>) offsets(%dma_start3A_591 : memref<128xi32, #tpu.memory_space<vmem>>) semaphore(%arg12 : memref<!tpu.dma_semaphore, #tpu.memory_space<semaphore_mem>>)
      } else {
      }
      %mul3A_146 = arith.constant 16 : i32
      %mul3A_147 = arith.muli %mul3A_146, %scan3A_70 : i32
      %add3A_148 = arith.constant 2 : i32
      %add3A_149 = arith.addi %mul3A_147, %add3A_148 : i32
      %dma_wait3A_150 = arith.constant 0 : i32
      %dma_wait3A_151 = tpu.memref_slice %arg6[%add3A_149, %dma_wait3A_150] : memref<80x128xi32, #tpu.memory_space<vmem>> -> memref<1x128xi32, #tpu.memory_space<vmem>>
      %dma_wait3A_152 = tpu.memref_squeeze %dma_wait3A_151 : memref<1x128xi32, #tpu.memory_space<vmem>> -> memref<128xi32, #tpu.memory_space<vmem>>
      %dma_wait3A_153 = arith.constant 0 : i32
      %dma_wait3A_154 = arith.constant 0 : i32
      %dma_wait3A_155 = tpu.memref_slice %arg2[%dma_wait3A_153, %dma_wait3A_154] : memref<10000x128xf32, #tpu.memory_space<hbm>> -> memref<10000x128xf32, #tpu.memory_space<hbm>>
      tpu.wait_indirect_dma semaphore(%arg12 : memref<!tpu.dma_semaphore, #tpu.memory_space<semaphore_mem>>) src(%dma_wait3A_155 : memref<10000x128xf32, #tpu.memory_space<hbm>>) dst(%arg9 : memref<128x128xf32, #tpu.memory_space<vmem>>)
      %dma_start3A_156 = arith.constant 2 : i32
      %dma_start3A_157 = arith.constant 0 : i32
      %dma_start3A_158 = tpu.memref_slice %arg7[%dma_start3A_156, %dma_start3A_157] : memref<8x128xi32, #tpu.memory_space<vmem>> -> memref<1x128xi32, #tpu.memory_space<vmem>>
      %dma_start3A_159 = tpu.memref_squeeze %dma_start3A_158 : memref<1x128xi32, #tpu.memory_space<vmem>> -> memref<128xi32, #tpu.memory_space<vmem>>
      %dma_start3A_160 = arith.constant 0 : i32
      %dma_start3A_161 = arith.constant 0 : i32
      %dma_start3A_162 = tpu.memref_slice %arg11[%dma_start3A_160, %dma_start3A_161] : memref<10128x128xf32, #tpu.memory_space<vmem_shared>> -> memref<10128x128xf32, #tpu.memory_space<vmem_shared>>
      tpu.enqueue_indirect_dma source(%arg9 : memref<128x128xf32, #tpu.memory_space<vmem>>) target(%dma_start3A_162 : memref<10128x128xf32, #tpu.memory_space<vmem_shared>>) offsets(%dma_start3A_159 : memref<128xi32, #tpu.memory_space<vmem>>) semaphore(%arg14 : memref<!tpu.dma_semaphore, #tpu.memory_space<semaphore_mem>>) {add = true}
      %dma_wait3A_163 = arith.constant 0 : i32
      %dma_wait3A_164 = arith.constant 0 : i32
      %dma_wait3A_165 = tpu.memref_slice %arg7[%dma_wait3A_163, %dma_wait3A_164] : memref<8x128xi32, #tpu.memory_space<vmem>> -> memref<1x128xi32, #tpu.memory_space<vmem>>
      %dma_wait3A_166 = tpu.memref_squeeze %dma_wait3A_165 : memref<1x128xi32, #tpu.memory_space<vmem>> -> memref<128xi32, #tpu.memory_space<vmem>>
      %dma_wait3A_167 = arith.constant 0 : i32
      %dma_wait3A_168 = arith.constant 0 : i32
      %dma_wait3A_169 = tpu.memref_slice %arg11[%dma_wait3A_167, %dma_wait3A_168] : memref<10128x128xf32, #tpu.memory_space<vmem_shared>> -> memref<10128x128xf32, #tpu.memory_space<vmem_shared>>
      tpu.wait_indirect_dma semaphore(%arg15 : memref<!tpu.dma_semaphore, #tpu.memory_space<semaphore_mem>>) src(%arg10 : memref<128x128xf32, #tpu.memory_space<vmem>>) dst(%dma_wait3A_169 : memref<10128x128xf32, #tpu.memory_space<vmem_shared>>)
      %add3A_170 = arith.constant 1 : i32
      %add3A_171 = arith.addi %add3A_149, %add3A_170 : i32
      %dma_start3A_172 = arith.constant 0 : i32
      %dma_start3A_173 = tpu.memref_slice %arg6[%add3A_171, %dma_start3A_172] : memref<80x128xi32, #tpu.memory_space<vmem>> -> memref<1x128xi32, #tpu.memory_space<vmem>>
      %dma_start3A_174 = tpu.memref_squeeze %dma_start3A_173 : memref<1x128xi32, #tpu.memory_space<vmem>> -> memref<128xi32, #tpu.memory_space<vmem>>
      %dma_start3A_175 = arith.constant 0 : i32
      %dma_start3A_176 = arith.constant 0 : i32
      %dma_start3A_177 = tpu.memref_slice %arg2[%dma_start3A_175, %dma_start3A_176] : memref<10000x128xf32, #tpu.memory_space<hbm>> -> memref<10000x128xf32, #tpu.memory_space<hbm>>
      tpu.enqueue_indirect_dma source(%dma_start3A_177 : memref<10000x128xf32, #tpu.memory_space<hbm>>) target(%arg10 : memref<128x128xf32, #tpu.memory_space<vmem>>) offsets(%dma_start3A_174 : memref<128xi32, #tpu.memory_space<vmem>>) semaphore(%arg13 : memref<!tpu.dma_semaphore, #tpu.memory_space<semaphore_mem>>)
      %add3A_178 = arith.constant 1 : i32
      %add3A_179 = arith.addi %add3A_149, %add3A_178 : i32
      %dma_wait3A_180 = arith.constant 0 : i32
      %dma_wait3A_181 = tpu.memref_slice %arg6[%add3A_179, %dma_wait3A_180] : memref<80x128xi32, #tpu.memory_space<vmem>> -> memref<1x128xi32, #tpu.memory_space<vmem>>
      %dma_wait3A_182 = tpu.memref_squeeze %dma_wait3A_181 : memref<1x128xi32, #tpu.memory_space<vmem>> -> memref<128xi32, #tpu.memory_space<vmem>>
      %dma_wait3A_183 = arith.constant 0 : i32
      %dma_wait3A_184 = arith.constant 0 : i32
      %dma_wait3A_185 = tpu.memref_slice %arg2[%dma_wait3A_183, %dma_wait3A_184] : memref<10000x128xf32, #tpu.memory_space<hbm>> -> memref<10000x128xf32, #tpu.memory_space<hbm>>
      tpu.wait_indirect_dma semaphore(%arg13 : memref<!tpu.dma_semaphore, #tpu.memory_space<semaphore_mem>>) src(%dma_wait3A_185 : memref<10000x128xf32, #tpu.memory_space<hbm>>) dst(%arg10 : memref<128x128xf32, #tpu.memory_space<vmem>>)
      %dma_start3A_186 = arith.constant 3 : i32
      %dma_start3A_187 = arith.constant 0 : i32
      %dma_start3A_188 = tpu.memref_slice %arg7[%dma_start3A_186, %dma_start3A_187] : memref<8x128xi32, #tpu.memory_space<vmem>> -> memref<1x128xi32, #tpu.memory_space<vmem>>
      %dma_start3A_189 = tpu.memref_squeeze %dma_start3A_188 : memref<1x128xi32, #tpu.memory_space<vmem>> -> memref<128xi32, #tpu.memory_space<vmem>>
      %dma_start3A_190 = arith.constant 0 : i32
      %dma_start3A_191 = arith.constant 0 : i32
      %dma_start3A_192 = tpu.memref_slice %arg11[%dma_start3A_190, %dma_start3A_191] : memref<10128x128xf32, #tpu.memory_space<vmem_shared>> -> memref<10128x128xf32, #tpu.memory_space<vmem_shared>>
      tpu.enqueue_indirect_dma source(%arg10 : memref<128x128xf32, #tpu.memory_space<vmem>>) target(%dma_start3A_192 : memref<10128x128xf32, #tpu.memory_space<vmem_shared>>) offsets(%dma_start3A_189 : memref<128xi32, #tpu.memory_space<vmem>>) semaphore(%arg15 : memref<!tpu.dma_semaphore, #tpu.memory_space<semaphore_mem>>) {add = true}
      %dma_wait3A_193 = arith.constant 0 : i32
      %dma_wait3A_194 = arith.constant 0 : i32
      %dma_wait3A_195 = tpu.memref_slice %arg7[%dma_wait3A_193, %dma_wait3A_194] : memref<8x128xi32, #tpu.memory_space<vmem>> -> memref<1x128xi32, #tpu.memory_space<vmem>>
      %dma_wait3A_196 = tpu.memref_squeeze %dma_wait3A_195 : memref<1x128xi32, #tpu.memory_space<vmem>> -> memref<128xi32, #tpu.memory_space<vmem>>
      %dma_wait3A_197 = arith.constant 0 : i32
      %dma_wait3A_198 = arith.constant 0 : i32
      %dma_wait3A_199 = tpu.memref_slice %arg11[%dma_wait3A_197, %dma_wait3A_198] : memref<10128x128xf32, #tpu.memory_space<vmem_shared>> -> memref<10128x128xf32, #tpu.memory_space<vmem_shared>>
      tpu.wait_indirect_dma semaphore(%arg14 : memref<!tpu.dma_semaphore, #tpu.memory_space<semaphore_mem>>) src(%arg9 : memref<128x128xf32, #tpu.memory_space<vmem>>) dst(%dma_wait3A_199 : memref<10128x128xf32, #tpu.memory_space<vmem_shared>>)
      %add3A_200 = arith.constant 2 : i32
      %add3A_201 = arith.addi %add3A_149, %add3A_200 : i32
      %lt3A_202 = arith.constant 80 : i32
      %lt3A_203 = arith.cmpi slt, %add3A_201, %lt3A_202 : i32
      %convert_element_type3A_204 = arith.extui %lt3A_203 : i1 to i32
      %cond3A_205 = arith.constant 0 : i32
      %cond3A_206 = arith.cmpi ne, %convert_element_type3A_204, %cond3A_205 : i32
      scf.if %cond3A_206 {
        %add3A_587 = arith.constant 2 : i32
        %add3A_588 = arith.addi %add3A_149, %add3A_587 : i32
        %dma_start3A_589 = arith.constant 0 : i32
        %dma_start3A_590 = tpu.memref_slice %arg6[%add3A_588, %dma_start3A_589] : memref<80x128xi32, #tpu.memory_space<vmem>> -> memref<1x128xi32, #tpu.memory_space<vmem>>
        %dma_start3A_591 = tpu.memref_squeeze %dma_start3A_590 : memref<1x128xi32, #tpu.memory_space<vmem>> -> memref<128xi32, #tpu.memory_space<vmem>>
        %dma_start3A_592 = arith.constant 0 : i32
        %dma_start3A_593 = arith.constant 0 : i32
        %dma_start3A_594 = tpu.memref_slice %arg2[%dma_start3A_592, %dma_start3A_593] : memref<10000x128xf32, #tpu.memory_space<hbm>> -> memref<10000x128xf32, #tpu.memory_space<hbm>>
        tpu.enqueue_indirect_dma source(%dma_start3A_594 : memref<10000x128xf32, #tpu.memory_space<hbm>>) target(%arg9 : memref<128x128xf32, #tpu.memory_space<vmem>>) offsets(%dma_start3A_591 : memref<128xi32, #tpu.memory_space<vmem>>) semaphore(%arg12 : memref<!tpu.dma_semaphore, #tpu.memory_space<semaphore_mem>>)
      } else {
      }
      %mul3A_207 = arith.constant 16 : i32
      %mul3A_208 = arith.muli %mul3A_207, %scan3A_70 : i32
      %add3A_209 = arith.constant 4 : i32
      %add3A_210 = arith.addi %mul3A_208, %add3A_209 : i32
      %dma_wait3A_211 = arith.constant 0 : i32
      %dma_wait3A_212 = tpu.memref_slice %arg6[%add3A_210, %dma_wait3A_211] : memref<80x128xi32, #tpu.memory_space<vmem>> -> memref<1x128xi32, #tpu.memory_space<vmem>>
      %dma_wait3A_213 = tpu.memref_squeeze %dma_wait3A_212 : memref<1x128xi32, #tpu.memory_space<vmem>> -> memref<128xi32, #tpu.memory_space<vmem>>
      %dma_wait3A_214 = arith.constant 0 : i32
      %dma_wait3A_215 = arith.constant 0 : i32
      %dma_wait3A_216 = tpu.memref_slice %arg2[%dma_wait3A_214, %dma_wait3A_215] : memref<10000x128xf32, #tpu.memory_space<hbm>> -> memref<10000x128xf32, #tpu.memory_space<hbm>>
      tpu.wait_indirect_dma semaphore(%arg12 : memref<!tpu.dma_semaphore, #tpu.memory_space<semaphore_mem>>) src(%dma_wait3A_216 : memref<10000x128xf32, #tpu.memory_space<hbm>>) dst(%arg9 : memref<128x128xf32, #tpu.memory_space<vmem>>)
      %dma_start3A_217 = arith.constant 4 : i32
      %dma_start3A_218 = arith.constant 0 : i32
      %dma_start3A_219 = tpu.memref_slice %arg7[%dma_start3A_217, %dma_start3A_218] : memref<8x128xi32, #tpu.memory_space<vmem>> -> memref<1x128xi32, #tpu.memory_space<vmem>>
      %dma_start3A_220 = tpu.memref_squeeze %dma_start3A_219 : memref<1x128xi32, #tpu.memory_space<vmem>> -> memref<128xi32, #tpu.memory_space<vmem>>
      %dma_start3A_221 = arith.constant 0 : i32
      %dma_start3A_222 = arith.constant 0 : i32
      %dma_start3A_223 = tpu.memref_slice %arg11[%dma_start3A_221, %dma_start3A_222] : memref<10128x128xf32, #tpu.memory_space<vmem_shared>> -> memref<10128x128xf32, #tpu.memory_space<vmem_shared>>
      tpu.enqueue_indirect_dma source(%arg9 : memref<128x128xf32, #tpu.memory_space<vmem>>) target(%dma_start3A_223 : memref<10128x128xf32, #tpu.memory_space<vmem_shared>>) offsets(%dma_start3A_220 : memref<128xi32, #tpu.memory_space<vmem>>) semaphore(%arg14 : memref<!tpu.dma_semaphore, #tpu.memory_space<semaphore_mem>>) {add = true}
      %dma_wait3A_224 = arith.constant 0 : i32
      %dma_wait3A_225 = arith.constant 0 : i32
      %dma_wait3A_226 = tpu.memref_slice %arg7[%dma_wait3A_224, %dma_wait3A_225] : memref<8x128xi32, #tpu.memory_space<vmem>> -> memref<1x128xi32, #tpu.memory_space<vmem>>
      %dma_wait3A_227 = tpu.memref_squeeze %dma_wait3A_226 : memref<1x128xi32, #tpu.memory_space<vmem>> -> memref<128xi32, #tpu.memory_space<vmem>>
      %dma_wait3A_228 = arith.constant 0 : i32
      %dma_wait3A_229 = arith.constant 0 : i32
      %dma_wait3A_230 = tpu.memref_slice %arg11[%dma_wait3A_228, %dma_wait3A_229] : memref<10128x128xf32, #tpu.memory_space<vmem_shared>> -> memref<10128x128xf32, #tpu.memory_space<vmem_shared>>
      tpu.wait_indirect_dma semaphore(%arg15 : memref<!tpu.dma_semaphore, #tpu.memory_space<semaphore_mem>>) src(%arg10 : memref<128x128xf32, #tpu.memory_space<vmem>>) dst(%dma_wait3A_230 : memref<10128x128xf32, #tpu.memory_space<vmem_shared>>)
      %add3A_231 = arith.constant 1 : i32
      %add3A_232 = arith.addi %add3A_210, %add3A_231 : i32
      %dma_start3A_233 = arith.constant 0 : i32
      %dma_start3A_234 = tpu.memref_slice %arg6[%add3A_232, %dma_start3A_233] : memref<80x128xi32, #tpu.memory_space<vmem>> -> memref<1x128xi32, #tpu.memory_space<vmem>>
      %dma_start3A_235 = tpu.memref_squeeze %dma_start3A_234 : memref<1x128xi32, #tpu.memory_space<vmem>> -> memref<128xi32, #tpu.memory_space<vmem>>
      %dma_start3A_236 = arith.constant 0 : i32
      %dma_start3A_237 = arith.constant 0 : i32
      %dma_start3A_238 = tpu.memref_slice %arg2[%dma_start3A_236, %dma_start3A_237] : memref<10000x128xf32, #tpu.memory_space<hbm>> -> memref<10000x128xf32, #tpu.memory_space<hbm>>
      tpu.enqueue_indirect_dma source(%dma_start3A_238 : memref<10000x128xf32, #tpu.memory_space<hbm>>) target(%arg10 : memref<128x128xf32, #tpu.memory_space<vmem>>) offsets(%dma_start3A_235 : memref<128xi32, #tpu.memory_space<vmem>>) semaphore(%arg13 : memref<!tpu.dma_semaphore, #tpu.memory_space<semaphore_mem>>)
      %add3A_239 = arith.constant 1 : i32
      %add3A_240 = arith.addi %add3A_210, %add3A_239 : i32
      %dma_wait3A_241 = arith.constant 0 : i32
      %dma_wait3A_242 = tpu.memref_slice %arg6[%add3A_240, %dma_wait3A_241] : memref<80x128xi32, #tpu.memory_space<vmem>> -> memref<1x128xi32, #tpu.memory_space<vmem>>
      %dma_wait3A_243 = tpu.memref_squeeze %dma_wait3A_242 : memref<1x128xi32, #tpu.memory_space<vmem>> -> memref<128xi32, #tpu.memory_space<vmem>>
      %dma_wait3A_244 = arith.constant 0 : i32
      %dma_wait3A_245 = arith.constant 0 : i32
      %dma_wait3A_246 = tpu.memref_slice %arg2[%dma_wait3A_244, %dma_wait3A_245] : memref<10000x128xf32, #tpu.memory_space<hbm>> -> memref<10000x128xf32, #tpu.memory_space<hbm>>
      tpu.wait_indirect_dma semaphore(%arg13 : memref<!tpu.dma_semaphore, #tpu.memory_space<semaphore_mem>>) src(%dma_wait3A_246 : memref<10000x128xf32, #tpu.memory_space<hbm>>) dst(%arg10 : memref<128x128xf32, #tpu.memory_space<vmem>>)
      %dma_start3A_247 = arith.constant 5 : i32
      %dma_start3A_248 = arith.constant 0 : i32
      %dma_start3A_249 = tpu.memref_slice %arg7[%dma_start3A_247, %dma_start3A_248] : memref<8x128xi32, #tpu.memory_space<vmem>> -> memref<1x128xi32, #tpu.memory_space<vmem>>
      %dma_start3A_250 = tpu.memref_squeeze %dma_start3A_249 : memref<1x128xi32, #tpu.memory_space<vmem>> -> memref<128xi32, #tpu.memory_space<vmem>>
      %dma_start3A_251 = arith.constant 0 : i32
      %dma_start3A_252 = arith.constant 0 : i32
      %dma_start3A_253 = tpu.memref_slice %arg11[%dma_start3A_251, %dma_start3A_252] : memref<10128x128xf32, #tpu.memory_space<vmem_shared>> -> memref<10128x128xf32, #tpu.memory_space<vmem_shared>>
      tpu.enqueue_indirect_dma source(%arg10 : memref<128x128xf32, #tpu.memory_space<vmem>>) target(%dma_start3A_253 : memref<10128x128xf32, #tpu.memory_space<vmem_shared>>) offsets(%dma_start3A_250 : memref<128xi32, #tpu.memory_space<vmem>>) semaphore(%arg15 : memref<!tpu.dma_semaphore, #tpu.memory_space<semaphore_mem>>) {add = true}
      %dma_wait3A_254 = arith.constant 0 : i32
      %dma_wait3A_255 = arith.constant 0 : i32
      %dma_wait3A_256 = tpu.memref_slice %arg7[%dma_wait3A_254, %dma_wait3A_255] : memref<8x128xi32, #tpu.memory_space<vmem>> -> memref<1x128xi32, #tpu.memory_space<vmem>>
      %dma_wait3A_257 = tpu.memref_squeeze %dma_wait3A_256 : memref<1x128xi32, #tpu.memory_space<vmem>> -> memref<128xi32, #tpu.memory_space<vmem>>
      %dma_wait3A_258 = arith.constant 0 : i32
      %dma_wait3A_259 = arith.constant 0 : i32
      %dma_wait3A_260 = tpu.memref_slice %arg11[%dma_wait3A_258, %dma_wait3A_259] : memref<10128x128xf32, #tpu.memory_space<vmem_shared>> -> memref<10128x128xf32, #tpu.memory_space<vmem_shared>>
      tpu.wait_indirect_dma semaphore(%arg14 : memref<!tpu.dma_semaphore, #tpu.memory_space<semaphore_mem>>) src(%arg9 : memref<128x128xf32, #tpu.memory_space<vmem>>) dst(%dma_wait3A_260 : memref<10128x128xf32, #tpu.memory_space<vmem_shared>>)
      %add3A_261 = arith.constant 2 : i32
      %add3A_262 = arith.addi %add3A_210, %add3A_261 : i32
      %lt3A_263 = arith.constant 80 : i32
      %lt3A_264 = arith.cmpi slt, %add3A_262, %lt3A_263 : i32
      %convert_element_type3A_265 = arith.extui %lt3A_264 : i1 to i32
      %cond3A_266 = arith.constant 0 : i32
      %cond3A_267 = arith.cmpi ne, %convert_element_type3A_265, %cond3A_266 : i32
      scf.if %cond3A_267 {
        %add3A_587 = arith.constant 2 : i32
        %add3A_588 = arith.addi %add3A_210, %add3A_587 : i32
        %dma_start3A_589 = arith.constant 0 : i32
        %dma_start3A_590 = tpu.memref_slice %arg6[%add3A_588, %dma_start3A_589] : memref<80x128xi32, #tpu.memory_space<vmem>> -> memref<1x128xi32, #tpu.memory_space<vmem>>
        %dma_start3A_591 = tpu.memref_squeeze %dma_start3A_590 : memref<1x128xi32, #tpu.memory_space<vmem>> -> memref<128xi32, #tpu.memory_space<vmem>>
        %dma_start3A_592 = arith.constant 0 : i32
        %dma_start3A_593 = arith.constant 0 : i32
        %dma_start3A_594 = tpu.memref_slice %arg2[%dma_start3A_592, %dma_start3A_593] : memref<10000x128xf32, #tpu.memory_space<hbm>> -> memref<10000x128xf32, #tpu.memory_space<hbm>>
        tpu.enqueue_indirect_dma source(%dma_start3A_594 : memref<10000x128xf32, #tpu.memory_space<hbm>>) target(%arg9 : memref<128x128xf32, #tpu.memory_space<vmem>>) offsets(%dma_start3A_591 : memref<128xi32, #tpu.memory_space<vmem>>) semaphore(%arg12 : memref<!tpu.dma_semaphore, #tpu.memory_space<semaphore_mem>>)
      } else {
      }
      %mul3A_268 = arith.constant 16 : i32
      %mul3A_269 = arith.muli %mul3A_268, %scan3A_70 : i32
      %add3A_270 = arith.constant 6 : i32
      %add3A_271 = arith.addi %mul3A_269, %add3A_270 : i32
      %dma_wait3A_272 = arith.constant 0 : i32
      %dma_wait3A_273 = tpu.memref_slice %arg6[%add3A_271, %dma_wait3A_272] : memref<80x128xi32, #tpu.memory_space<vmem>> -> memref<1x128xi32, #tpu.memory_space<vmem>>
      %dma_wait3A_274 = tpu.memref_squeeze %dma_wait3A_273 : memref<1x128xi32, #tpu.memory_space<vmem>> -> memref<128xi32, #tpu.memory_space<vmem>>
      %dma_wait3A_275 = arith.constant 0 : i32
      %dma_wait3A_276 = arith.constant 0 : i32
      %dma_wait3A_277 = tpu.memref_slice %arg2[%dma_wait3A_275, %dma_wait3A_276] : memref<10000x128xf32, #tpu.memory_space<hbm>> -> memref<10000x128xf32, #tpu.memory_space<hbm>>
      tpu.wait_indirect_dma semaphore(%arg12 : memref<!tpu.dma_semaphore, #tpu.memory_space<semaphore_mem>>) src(%dma_wait3A_277 : memref<10000x128xf32, #tpu.memory_space<hbm>>) dst(%arg9 : memref<128x128xf32, #tpu.memory_space<vmem>>)
      %dma_start3A_278 = arith.constant 6 : i32
      %dma_start3A_279 = arith.constant 0 : i32
      %dma_start3A_280 = tpu.memref_slice %arg7[%dma_start3A_278, %dma_start3A_279] : memref<8x128xi32, #tpu.memory_space<vmem>> -> memref<1x128xi32, #tpu.memory_space<vmem>>
      %dma_start3A_281 = tpu.memref_squeeze %dma_start3A_280 : memref<1x128xi32, #tpu.memory_space<vmem>> -> memref<128xi32, #tpu.memory_space<vmem>>
      %dma_start3A_282 = arith.constant 0 : i32
      %dma_start3A_283 = arith.constant 0 : i32
      %dma_start3A_284 = tpu.memref_slice %arg11[%dma_start3A_282, %dma_start3A_283] : memref<10128x128xf32, #tpu.memory_space<vmem_shared>> -> memref<10128x128xf32, #tpu.memory_space<vmem_shared>>
      tpu.enqueue_indirect_dma source(%arg9 : memref<128x128xf32, #tpu.memory_space<vmem>>) target(%dma_start3A_284 : memref<10128x128xf32, #tpu.memory_space<vmem_shared>>) offsets(%dma_start3A_281 : memref<128xi32, #tpu.memory_space<vmem>>) semaphore(%arg14 : memref<!tpu.dma_semaphore, #tpu.memory_space<semaphore_mem>>) {add = true}
      %dma_wait3A_285 = arith.constant 0 : i32
      %dma_wait3A_286 = arith.constant 0 : i32
      %dma_wait3A_287 = tpu.memref_slice %arg7[%dma_wait3A_285, %dma_wait3A_286] : memref<8x128xi32, #tpu.memory_space<vmem>> -> memref<1x128xi32, #tpu.memory_space<vmem>>
      %dma_wait3A_288 = tpu.memref_squeeze %dma_wait3A_287 : memref<1x128xi32, #tpu.memory_space<vmem>> -> memref<128xi32, #tpu.memory_space<vmem>>
      %dma_wait3A_289 = arith.constant 0 : i32
      %dma_wait3A_290 = arith.constant 0 : i32
      %dma_wait3A_291 = tpu.memref_slice %arg11[%dma_wait3A_289, %dma_wait3A_290] : memref<10128x128xf32, #tpu.memory_space<vmem_shared>> -> memref<10128x128xf32, #tpu.memory_space<vmem_shared>>
      tpu.wait_indirect_dma semaphore(%arg15 : memref<!tpu.dma_semaphore, #tpu.memory_space<semaphore_mem>>) src(%arg10 : memref<128x128xf32, #tpu.memory_space<vmem>>) dst(%dma_wait3A_291 : memref<10128x128xf32, #tpu.memory_space<vmem_shared>>)
      %add3A_292 = arith.constant 1 : i32
      %add3A_293 = arith.addi %add3A_271, %add3A_292 : i32
      %dma_start3A_294 = arith.constant 0 : i32
      %dma_start3A_295 = tpu.memref_slice %arg6[%add3A_293, %dma_start3A_294] : memref<80x128xi32, #tpu.memory_space<vmem>> -> memref<1x128xi32, #tpu.memory_space<vmem>>
      %dma_start3A_296 = tpu.memref_squeeze %dma_start3A_295 : memref<1x128xi32, #tpu.memory_space<vmem>> -> memref<128xi32, #tpu.memory_space<vmem>>
      %dma_start3A_297 = arith.constant 0 : i32
      %dma_start3A_298 = arith.constant 0 : i32
      %dma_start3A_299 = tpu.memref_slice %arg2[%dma_start3A_297, %dma_start3A_298] : memref<10000x128xf32, #tpu.memory_space<hbm>> -> memref<10000x128xf32, #tpu.memory_space<hbm>>
      tpu.enqueue_indirect_dma source(%dma_start3A_299 : memref<10000x128xf32, #tpu.memory_space<hbm>>) target(%arg10 : memref<128x128xf32, #tpu.memory_space<vmem>>) offsets(%dma_start3A_296 : memref<128xi32, #tpu.memory_space<vmem>>) semaphore(%arg13 : memref<!tpu.dma_semaphore, #tpu.memory_space<semaphore_mem>>)
      %add3A_300 = arith.constant 1 : i32
      %add3A_301 = arith.addi %add3A_271, %add3A_300 : i32
      %dma_wait3A_302 = arith.constant 0 : i32
      %dma_wait3A_303 = tpu.memref_slice %arg6[%add3A_301, %dma_wait3A_302] : memref<80x128xi32, #tpu.memory_space<vmem>> -> memref<1x128xi32, #tpu.memory_space<vmem>>
      %dma_wait3A_304 = tpu.memref_squeeze %dma_wait3A_303 : memref<1x128xi32, #tpu.memory_space<vmem>> -> memref<128xi32, #tpu.memory_space<vmem>>
      %dma_wait3A_305 = arith.constant 0 : i32
      %dma_wait3A_306 = arith.constant 0 : i32
      %dma_wait3A_307 = tpu.memref_slice %arg2[%dma_wait3A_305, %dma_wait3A_306] : memref<10000x128xf32, #tpu.memory_space<hbm>> -> memref<10000x128xf32, #tpu.memory_space<hbm>>
      tpu.wait_indirect_dma semaphore(%arg13 : memref<!tpu.dma_semaphore, #tpu.memory_space<semaphore_mem>>) src(%dma_wait3A_307 : memref<10000x128xf32, #tpu.memory_space<hbm>>) dst(%arg10 : memref<128x128xf32, #tpu.memory_space<vmem>>)
      %dma_start3A_308 = arith.constant 7 : i32
      %dma_start3A_309 = arith.constant 0 : i32
      %dma_start3A_310 = tpu.memref_slice %arg7[%dma_start3A_308, %dma_start3A_309] : memref<8x128xi32, #tpu.memory_space<vmem>> -> memref<1x128xi32, #tpu.memory_space<vmem>>
      %dma_start3A_311 = tpu.memref_squeeze %dma_start3A_310 : memref<1x128xi32, #tpu.memory_space<vmem>> -> memref<128xi32, #tpu.memory_space<vmem>>
      %dma_start3A_312 = arith.constant 0 : i32
      %dma_start3A_313 = arith.constant 0 : i32
      %dma_start3A_314 = tpu.memref_slice %arg11[%dma_start3A_312, %dma_start3A_313] : memref<10128x128xf32, #tpu.memory_space<vmem_shared>> -> memref<10128x128xf32, #tpu.memory_space<vmem_shared>>
      tpu.enqueue_indirect_dma source(%arg10 : memref<128x128xf32, #tpu.memory_space<vmem>>) target(%dma_start3A_314 : memref<10128x128xf32, #tpu.memory_space<vmem_shared>>) offsets(%dma_start3A_311 : memref<128xi32, #tpu.memory_space<vmem>>) semaphore(%arg15 : memref<!tpu.dma_semaphore, #tpu.memory_space<semaphore_mem>>) {add = true}
      %dma_wait3A_315 = arith.constant 0 : i32
      %dma_wait3A_316 = arith.constant 0 : i32
      %dma_wait3A_317 = tpu.memref_slice %arg7[%dma_wait3A_315, %dma_wait3A_316] : memref<8x128xi32, #tpu.memory_space<vmem>> -> memref<1x128xi32, #tpu.memory_space<vmem>>
      %dma_wait3A_318 = tpu.memref_squeeze %dma_wait3A_317 : memref<1x128xi32, #tpu.memory_space<vmem>> -> memref<128xi32, #tpu.memory_space<vmem>>
      %dma_wait3A_319 = arith.constant 0 : i32
      %dma_wait3A_320 = arith.constant 0 : i32
      %dma_wait3A_321 = tpu.memref_slice %arg11[%dma_wait3A_319, %dma_wait3A_320] : memref<10128x128xf32, #tpu.memory_space<vmem_shared>> -> memref<10128x128xf32, #tpu.memory_space<vmem_shared>>
      tpu.wait_indirect_dma semaphore(%arg14 : memref<!tpu.dma_semaphore, #tpu.memory_space<semaphore_mem>>) src(%arg9 : memref<128x128xf32, #tpu.memory_space<vmem>>) dst(%dma_wait3A_321 : memref<10128x128xf32, #tpu.memory_space<vmem_shared>>)
      %add3A_322 = arith.constant 2 : i32
      %add3A_323 = arith.addi %add3A_271, %add3A_322 : i32
      %lt3A_324 = arith.constant 80 : i32
      %lt3A_325 = arith.cmpi slt, %add3A_323, %lt3A_324 : i32
      %convert_element_type3A_326 = arith.extui %lt3A_325 : i1 to i32
      %cond3A_327 = arith.constant 0 : i32
      %cond3A_328 = arith.cmpi ne, %convert_element_type3A_326, %cond3A_327 : i32
      scf.if %cond3A_328 {
        %add3A_587 = arith.constant 2 : i32
        %add3A_588 = arith.addi %add3A_271, %add3A_587 : i32
        %dma_start3A_589 = arith.constant 0 : i32
        %dma_start3A_590 = tpu.memref_slice %arg6[%add3A_588, %dma_start3A_589] : memref<80x128xi32, #tpu.memory_space<vmem>> -> memref<1x128xi32, #tpu.memory_space<vmem>>
        %dma_start3A_591 = tpu.memref_squeeze %dma_start3A_590 : memref<1x128xi32, #tpu.memory_space<vmem>> -> memref<128xi32, #tpu.memory_space<vmem>>
        %dma_start3A_592 = arith.constant 0 : i32
        %dma_start3A_593 = arith.constant 0 : i32
        %dma_start3A_594 = tpu.memref_slice %arg2[%dma_start3A_592, %dma_start3A_593] : memref<10000x128xf32, #tpu.memory_space<hbm>> -> memref<10000x128xf32, #tpu.memory_space<hbm>>
        tpu.enqueue_indirect_dma source(%dma_start3A_594 : memref<10000x128xf32, #tpu.memory_space<hbm>>) target(%arg9 : memref<128x128xf32, #tpu.memory_space<vmem>>) offsets(%dma_start3A_591 : memref<128xi32, #tpu.memory_space<vmem>>) semaphore(%arg12 : memref<!tpu.dma_semaphore, #tpu.memory_space<semaphore_mem>>)
      } else {
      }
      %mul3A_329 = arith.constant 16 : i32
      %mul3A_330 = arith.muli %mul3A_329, %scan3A_70 : i32
      %add3A_331 = arith.constant 8 : i32
      %add3A_332 = arith.addi %mul3A_330, %add3A_331 : i32
      %dma_wait3A_333 = arith.constant 1 : i32
      %dma_wait3A_334 = arith.constant 0 : i32
      %dma_wait3A_335 = arith.constant 0 : i32
      %dma_wait3A_336 = tpu.memref_slice %arg3[%dma_wait3A_333, %add3A, %dma_wait3A_334, %dma_wait3A_335] : memref<2x32x80x128xi32, #tpu.memory_space<hbm>> -> memref<1x1x8x128xi32, #tpu.memory_space<hbm>>
      %dma_wait3A_337 = tpu.memref_squeeze %dma_wait3A_336 : memref<1x1x8x128xi32, #tpu.memory_space<hbm>> -> memref<8x128xi32, #tpu.memory_space<hbm>>
      %dma_wait3A_338 = arith.constant 0 : i32
      %dma_wait3A_339 = arith.constant 0 : i32
      %dma_wait3A_340 = tpu.memref_slice %arg3[%dma_wait3A_333, %add3A, %dma_wait3A_338, %dma_wait3A_339] : memref<2x32x80x128xi32, #tpu.memory_space<hbm>> -> memref<1x1x8x128xi32, #tpu.memory_space<hbm>>
      %dma_wait3A_341 = tpu.memref_squeeze %dma_wait3A_340 : memref<1x1x8x128xi32, #tpu.memory_space<hbm>> -> memref<8x128xi32, #tpu.memory_space<hbm>>
      tpu.wait_dma2 semaphore(%arg16 : memref<!tpu.dma_semaphore, #tpu.memory_space<semaphore_mem>>) src(%dma_wait3A_341 : memref<8x128xi32, #tpu.memory_space<hbm>>) dst(%arg8 : memref<8x128xi32, #tpu.memory_space<vmem>>)
      %dma_wait3A_342 = arith.constant 0 : i32
      %dma_wait3A_343 = tpu.memref_slice %arg6[%add3A_332, %dma_wait3A_342] : memref<80x128xi32, #tpu.memory_space<vmem>> -> memref<1x128xi32, #tpu.memory_space<vmem>>
      %dma_wait3A_344 = tpu.memref_squeeze %dma_wait3A_343 : memref<1x128xi32, #tpu.memory_space<vmem>> -> memref<128xi32, #tpu.memory_space<vmem>>
      %dma_wait3A_345 = arith.constant 0 : i32
      %dma_wait3A_346 = arith.constant 0 : i32
      %dma_wait3A_347 = tpu.memref_slice %arg2[%dma_wait3A_345, %dma_wait3A_346] : memref<10000x128xf32, #tpu.memory_space<hbm>> -> memref<10000x128xf32, #tpu.memory_space<hbm>>
      tpu.wait_indirect_dma semaphore(%arg12 : memref<!tpu.dma_semaphore, #tpu.memory_space<semaphore_mem>>) src(%dma_wait3A_347 : memref<10000x128xf32, #tpu.memory_space<hbm>>) dst(%arg9 : memref<128x128xf32, #tpu.memory_space<vmem>>)
      %dma_start3A_348 = arith.constant 0 : i32
      %dma_start3A_349 = arith.constant 0 : i32
      %dma_start3A_350 = tpu.memref_slice %arg8[%dma_start3A_348, %dma_start3A_349] : memref<8x128xi32, #tpu.memory_space<vmem>> -> memref<1x128xi32, #tpu.memory_space<vmem>>
      %dma_start3A_351 = tpu.memref_squeeze %dma_start3A_350 : memref<1x128xi32, #tpu.memory_space<vmem>> -> memref<128xi32, #tpu.memory_space<vmem>>
      %dma_start3A_352 = arith.constant 0 : i32
      %dma_start3A_353 = arith.constant 0 : i32
      %dma_start3A_354 = tpu.memref_slice %arg11[%dma_start3A_352, %dma_start3A_353] : memref<10128x128xf32, #tpu.memory_space<vmem_shared>> -> memref<10128x128xf32, #tpu.memory_space<vmem_shared>>
      tpu.enqueue_indirect_dma source(%arg9 : memref<128x128xf32, #tpu.memory_space<vmem>>) target(%dma_start3A_354 : memref<10128x128xf32, #tpu.memory_space<vmem_shared>>) offsets(%dma_start3A_351 : memref<128xi32, #tpu.memory_space<vmem>>) semaphore(%arg14 : memref<!tpu.dma_semaphore, #tpu.memory_space<semaphore_mem>>) {add = true}
      %dma_wait3A_355 = arith.constant 0 : i32
      %dma_wait3A_356 = arith.constant 0 : i32
      %dma_wait3A_357 = tpu.memref_slice %arg7[%dma_wait3A_355, %dma_wait3A_356] : memref<8x128xi32, #tpu.memory_space<vmem>> -> memref<1x128xi32, #tpu.memory_space<vmem>>
      %dma_wait3A_358 = tpu.memref_squeeze %dma_wait3A_357 : memref<1x128xi32, #tpu.memory_space<vmem>> -> memref<128xi32, #tpu.memory_space<vmem>>
      %dma_wait3A_359 = arith.constant 0 : i32
      %dma_wait3A_360 = arith.constant 0 : i32
      %dma_wait3A_361 = tpu.memref_slice %arg11[%dma_wait3A_359, %dma_wait3A_360] : memref<10128x128xf32, #tpu.memory_space<vmem_shared>> -> memref<10128x128xf32, #tpu.memory_space<vmem_shared>>
      tpu.wait_indirect_dma semaphore(%arg15 : memref<!tpu.dma_semaphore, #tpu.memory_space<semaphore_mem>>) src(%arg10 : memref<128x128xf32, #tpu.memory_space<vmem>>) dst(%dma_wait3A_361 : memref<10128x128xf32, #tpu.memory_space<vmem_shared>>)
      %lt3A_362 = arith.constant 4 : i32
      %lt3A_363 = arith.cmpi slt, %scan3A_70, %lt3A_362 : i32
      %convert_element_type3A_364 = arith.extui %lt3A_363 : i1 to i32
      %cond3A_365 = arith.constant 0 : i32
      %cond3A_366 = arith.cmpi ne, %convert_element_type3A_364, %cond3A_365 : i32
      scf.if %cond3A_366 {
        %mul3A_587 = arith.constant 2 : i32
        %mul3A_588 = arith.muli %mul3A_587, %scan3A_70 : i32
        %add3A_589 = arith.constant 2 : i32
        %add3A_590 = arith.addi %mul3A_588, %add3A_589 : i32
        %mul3A_591 = arith.constant 8 : i32
        %mul3A_592 = arith.muli %add3A_590, %mul3A_591 : i32
        %dma_start3A_593 = arith.constant 1 : i32
        %dma_start3A_594 = arith.constant 0 : i32
        %dma_start3A_595 = tpu.memref_slice %arg3[%dma_start3A_593, %add3A, %mul3A_592, %dma_start3A_594] : memref<2x32x80x128xi32, #tpu.memory_space<hbm>> -> memref<1x1x8x128xi32, #tpu.memory_space<hbm>>
        %dma_start3A_596 = tpu.memref_squeeze %dma_start3A_595 : memref<1x1x8x128xi32, #tpu.memory_space<hbm>> -> memref<8x128xi32, #tpu.memory_space<hbm>>
        %dma_start3A_597 = arith.constant 0 : i32
        %dma_start3A_598 = tpu.memref_slice %arg3[%dma_start3A_593, %add3A, %mul3A_592, %dma_start3A_597] : memref<2x32x80x128xi32, #tpu.memory_space<hbm>> -> memref<1x1x8x128xi32, #tpu.memory_space<hbm>>
        %dma_start3A_599 = tpu.memref_squeeze %dma_start3A_598 : memref<1x1x8x128xi32, #tpu.memory_space<hbm>> -> memref<8x128xi32, #tpu.memory_space<hbm>>
        tpu.enqueue_dma source(%dma_start3A_599 : memref<8x128xi32, #tpu.memory_space<hbm>>) target(%arg7 : memref<8x128xi32, #tpu.memory_space<vmem>>) target_semaphore(%arg16 : memref<!tpu.dma_semaphore, #tpu.memory_space<semaphore_mem>>)
      } else {
      }
      %add3A_367 = arith.constant 1 : i32
      %add3A_368 = arith.addi %add3A_332, %add3A_367 : i32
      %dma_start3A_369 = arith.constant 0 : i32
      %dma_start3A_370 = tpu.memref_slice %arg6[%add3A_368, %dma_start3A_369] : memref<80x128xi32, #tpu.memory_space<vmem>> -> memref<1x128xi32, #tpu.memory_space<vmem>>
      %dma_start3A_371 = tpu.memref_squeeze %dma_start3A_370 : memref<1x128xi32, #tpu.memory_space<vmem>> -> memref<128xi32, #tpu.memory_space<vmem>>
      %dma_start3A_372 = arith.constant 0 : i32
      %dma_start3A_373 = arith.constant 0 : i32
      %dma_start3A_374 = tpu.memref_slice %arg2[%dma_start3A_372, %dma_start3A_373] : memref<10000x128xf32, #tpu.memory_space<hbm>> -> memref<10000x128xf32, #tpu.memory_space<hbm>>
      tpu.enqueue_indirect_dma source(%dma_start3A_374 : memref<10000x128xf32, #tpu.memory_space<hbm>>) target(%arg10 : memref<128x128xf32, #tpu.memory_space<vmem>>) offsets(%dma_start3A_371 : memref<128xi32, #tpu.memory_space<vmem>>) semaphore(%arg13 : memref<!tpu.dma_semaphore, #tpu.memory_space<semaphore_mem>>)
      %add3A_375 = arith.constant 1 : i32
      %add3A_376 = arith.addi %add3A_332, %add3A_375 : i32
      %dma_wait3A_377 = arith.constant 0 : i32
      %dma_wait3A_378 = tpu.memref_slice %arg6[%add3A_376, %dma_wait3A_377] : memref<80x128xi32, #tpu.memory_space<vmem>> -> memref<1x128xi32, #tpu.memory_space<vmem>>
      %dma_wait3A_379 = tpu.memref_squeeze %dma_wait3A_378 : memref<1x128xi32, #tpu.memory_space<vmem>> -> memref<128xi32, #tpu.memory_space<vmem>>
      %dma_wait3A_380 = arith.constant 0 : i32
      %dma_wait3A_381 = arith.constant 0 : i32
      %dma_wait3A_382 = tpu.memref_slice %arg2[%dma_wait3A_380, %dma_wait3A_381] : memref<10000x128xf32, #tpu.memory_space<hbm>> -> memref<10000x128xf32, #tpu.memory_space<hbm>>
      tpu.wait_indirect_dma semaphore(%arg13 : memref<!tpu.dma_semaphore, #tpu.memory_space<semaphore_mem>>) src(%dma_wait3A_382 : memref<10000x128xf32, #tpu.memory_space<hbm>>) dst(%arg10 : memref<128x128xf32, #tpu.memory_space<vmem>>)
      %dma_start3A_383 = arith.constant 1 : i32
      %dma_start3A_384 = arith.constant 0 : i32
      %dma_start3A_385 = tpu.memref_slice %arg8[%dma_start3A_383, %dma_start3A_384] : memref<8x128xi32, #tpu.memory_space<vmem>> -> memref<1x128xi32, #tpu.memory_space<vmem>>
      %dma_start3A_386 = tpu.memref_squeeze %dma_start3A_385 : memref<1x128xi32, #tpu.memory_space<vmem>> -> memref<128xi32, #tpu.memory_space<vmem>>
      %dma_start3A_387 = arith.constant 0 : i32
      %dma_start3A_388 = arith.constant 0 : i32
      %dma_start3A_389 = tpu.memref_slice %arg11[%dma_start3A_387, %dma_start3A_388] : memref<10128x128xf32, #tpu.memory_space<vmem_shared>> -> memref<10128x128xf32, #tpu.memory_space<vmem_shared>>
      tpu.enqueue_indirect_dma source(%arg10 : memref<128x128xf32, #tpu.memory_space<vmem>>) target(%dma_start3A_389 : memref<10128x128xf32, #tpu.memory_space<vmem_shared>>) offsets(%dma_start3A_386 : memref<128xi32, #tpu.memory_space<vmem>>) semaphore(%arg15 : memref<!tpu.dma_semaphore, #tpu.memory_space<semaphore_mem>>) {add = true}
      %dma_wait3A_390 = arith.constant 0 : i32
      %dma_wait3A_391 = arith.constant 0 : i32
      %dma_wait3A_392 = tpu.memref_slice %arg7[%dma_wait3A_390, %dma_wait3A_391] : memref<8x128xi32, #tpu.memory_space<vmem>> -> memref<1x128xi32, #tpu.memory_space<vmem>>
      %dma_wait3A_393 = tpu.memref_squeeze %dma_wait3A_392 : memref<1x128xi32, #tpu.memory_space<vmem>> -> memref<128xi32, #tpu.memory_space<vmem>>
      %dma_wait3A_394 = arith.constant 0 : i32
      %dma_wait3A_395 = arith.constant 0 : i32
      %dma_wait3A_396 = tpu.memref_slice %arg11[%dma_wait3A_394, %dma_wait3A_395] : memref<10128x128xf32, #tpu.memory_space<vmem_shared>> -> memref<10128x128xf32, #tpu.memory_space<vmem_shared>>
      tpu.wait_indirect_dma semaphore(%arg14 : memref<!tpu.dma_semaphore, #tpu.memory_space<semaphore_mem>>) src(%arg9 : memref<128x128xf32, #tpu.memory_space<vmem>>) dst(%dma_wait3A_396 : memref<10128x128xf32, #tpu.memory_space<vmem_shared>>)
      %add3A_397 = arith.constant 2 : i32
      %add3A_398 = arith.addi %add3A_332, %add3A_397 : i32
      %lt3A_399 = arith.constant 80 : i32
      %lt3A_400 = arith.cmpi slt, %add3A_398, %lt3A_399 : i32
      %convert_element_type3A_401 = arith.extui %lt3A_400 : i1 to i32
      %cond3A_402 = arith.constant 0 : i32
      %cond3A_403 = arith.cmpi ne, %convert_element_type3A_401, %cond3A_402 : i32
      scf.if %cond3A_403 {
        %add3A_587 = arith.constant 2 : i32
        %add3A_588 = arith.addi %add3A_332, %add3A_587 : i32
        %dma_start3A_589 = arith.constant 0 : i32
        %dma_start3A_590 = tpu.memref_slice %arg6[%add3A_588, %dma_start3A_589] : memref<80x128xi32, #tpu.memory_space<vmem>> -> memref<1x128xi32, #tpu.memory_space<vmem>>
        %dma_start3A_591 = tpu.memref_squeeze %dma_start3A_590 : memref<1x128xi32, #tpu.memory_space<vmem>> -> memref<128xi32, #tpu.memory_space<vmem>>
        %dma_start3A_592 = arith.constant 0 : i32
        %dma_start3A_593 = arith.constant 0 : i32
        %dma_start3A_594 = tpu.memref_slice %arg2[%dma_start3A_592, %dma_start3A_593] : memref<10000x128xf32, #tpu.memory_space<hbm>> -> memref<10000x128xf32, #tpu.memory_space<hbm>>
        tpu.enqueue_indirect_dma source(%dma_start3A_594 : memref<10000x128xf32, #tpu.memory_space<hbm>>) target(%arg9 : memref<128x128xf32, #tpu.memory_space<vmem>>) offsets(%dma_start3A_591 : memref<128xi32, #tpu.memory_space<vmem>>) semaphore(%arg12 : memref<!tpu.dma_semaphore, #tpu.memory_space<semaphore_mem>>)
      } else {
      }
      %mul3A_404 = arith.constant 16 : i32
      %mul3A_405 = arith.muli %mul3A_404, %scan3A_70 : i32
      %add3A_406 = arith.constant 10 : i32
      %add3A_407 = arith.addi %mul3A_405, %add3A_406 : i32
      %dma_wait3A_408 = arith.constant 0 : i32
      %dma_wait3A_409 = tpu.memref_slice %arg6[%add3A_407, %dma_wait3A_408] : memref<80x128xi32, #tpu.memory_space<vmem>> -> memref<1x128xi32, #tpu.memory_space<vmem>>
      %dma_wait3A_410 = tpu.memref_squeeze %dma_wait3A_409 : memref<1x128xi32, #tpu.memory_space<vmem>> -> memref<128xi32, #tpu.memory_space<vmem>>
      %dma_wait3A_411 = arith.constant 0 : i32
      %dma_wait3A_412 = arith.constant 0 : i32
      %dma_wait3A_413 = tpu.memref_slice %arg2[%dma_wait3A_411, %dma_wait3A_412] : memref<10000x128xf32, #tpu.memory_space<hbm>> -> memref<10000x128xf32, #tpu.memory_space<hbm>>
      tpu.wait_indirect_dma semaphore(%arg12 : memref<!tpu.dma_semaphore, #tpu.memory_space<semaphore_mem>>) src(%dma_wait3A_413 : memref<10000x128xf32, #tpu.memory_space<hbm>>) dst(%arg9 : memref<128x128xf32, #tpu.memory_space<vmem>>)
      %dma_start3A_414 = arith.constant 2 : i32
      %dma_start3A_415 = arith.constant 0 : i32
      %dma_start3A_416 = tpu.memref_slice %arg8[%dma_start3A_414, %dma_start3A_415] : memref<8x128xi32, #tpu.memory_space<vmem>> -> memref<1x128xi32, #tpu.memory_space<vmem>>
      %dma_start3A_417 = tpu.memref_squeeze %dma_start3A_416 : memref<1x128xi32, #tpu.memory_space<vmem>> -> memref<128xi32, #tpu.memory_space<vmem>>
      %dma_start3A_418 = arith.constant 0 : i32
      %dma_start3A_419 = arith.constant 0 : i32
      %dma_start3A_420 = tpu.memref_slice %arg11[%dma_start3A_418, %dma_start3A_419] : memref<10128x128xf32, #tpu.memory_space<vmem_shared>> -> memref<10128x128xf32, #tpu.memory_space<vmem_shared>>
      tpu.enqueue_indirect_dma source(%arg9 : memref<128x128xf32, #tpu.memory_space<vmem>>) target(%dma_start3A_420 : memref<10128x128xf32, #tpu.memory_space<vmem_shared>>) offsets(%dma_start3A_417 : memref<128xi32, #tpu.memory_space<vmem>>) semaphore(%arg14 : memref<!tpu.dma_semaphore, #tpu.memory_space<semaphore_mem>>) {add = true}
      %dma_wait3A_421 = arith.constant 0 : i32
      %dma_wait3A_422 = arith.constant 0 : i32
      %dma_wait3A_423 = tpu.memref_slice %arg7[%dma_wait3A_421, %dma_wait3A_422] : memref<8x128xi32, #tpu.memory_space<vmem>> -> memref<1x128xi32, #tpu.memory_space<vmem>>
      %dma_wait3A_424 = tpu.memref_squeeze %dma_wait3A_423 : memref<1x128xi32, #tpu.memory_space<vmem>> -> memref<128xi32, #tpu.memory_space<vmem>>
      %dma_wait3A_425 = arith.constant 0 : i32
      %dma_wait3A_426 = arith.constant 0 : i32
      %dma_wait3A_427 = tpu.memref_slice %arg11[%dma_wait3A_425, %dma_wait3A_426] : memref<10128x128xf32, #tpu.memory_space<vmem_shared>> -> memref<10128x128xf32, #tpu.memory_space<vmem_shared>>
      tpu.wait_indirect_dma semaphore(%arg15 : memref<!tpu.dma_semaphore, #tpu.memory_space<semaphore_mem>>) src(%arg10 : memref<128x128xf32, #tpu.memory_space<vmem>>) dst(%dma_wait3A_427 : memref<10128x128xf32, #tpu.memory_space<vmem_shared>>)
      %add3A_428 = arith.constant 1 : i32
      %add3A_429 = arith.addi %add3A_407, %add3A_428 : i32
      %dma_start3A_430 = arith.constant 0 : i32
      %dma_start3A_431 = tpu.memref_slice %arg6[%add3A_429, %dma_start3A_430] : memref<80x128xi32, #tpu.memory_space<vmem>> -> memref<1x128xi32, #tpu.memory_space<vmem>>
      %dma_start3A_432 = tpu.memref_squeeze %dma_start3A_431 : memref<1x128xi32, #tpu.memory_space<vmem>> -> memref<128xi32, #tpu.memory_space<vmem>>
      %dma_start3A_433 = arith.constant 0 : i32
      %dma_start3A_434 = arith.constant 0 : i32
      %dma_start3A_435 = tpu.memref_slice %arg2[%dma_start3A_433, %dma_start3A_434] : memref<10000x128xf32, #tpu.memory_space<hbm>> -> memref<10000x128xf32, #tpu.memory_space<hbm>>
      tpu.enqueue_indirect_dma source(%dma_start3A_435 : memref<10000x128xf32, #tpu.memory_space<hbm>>) target(%arg10 : memref<128x128xf32, #tpu.memory_space<vmem>>) offsets(%dma_start3A_432 : memref<128xi32, #tpu.memory_space<vmem>>) semaphore(%arg13 : memref<!tpu.dma_semaphore, #tpu.memory_space<semaphore_mem>>)
      %add3A_436 = arith.constant 1 : i32
      %add3A_437 = arith.addi %add3A_407, %add3A_436 : i32
      %dma_wait3A_438 = arith.constant 0 : i32
      %dma_wait3A_439 = tpu.memref_slice %arg6[%add3A_437, %dma_wait3A_438] : memref<80x128xi32, #tpu.memory_space<vmem>> -> memref<1x128xi32, #tpu.memory_space<vmem>>
      %dma_wait3A_440 = tpu.memref_squeeze %dma_wait3A_439 : memref<1x128xi32, #tpu.memory_space<vmem>> -> memref<128xi32, #tpu.memory_space<vmem>>
      %dma_wait3A_441 = arith.constant 0 : i32
      %dma_wait3A_442 = arith.constant 0 : i32
      %dma_wait3A_443 = tpu.memref_slice %arg2[%dma_wait3A_441, %dma_wait3A_442] : memref<10000x128xf32, #tpu.memory_space<hbm>> -> memref<10000x128xf32, #tpu.memory_space<hbm>>
      tpu.wait_indirect_dma semaphore(%arg13 : memref<!tpu.dma_semaphore, #tpu.memory_space<semaphore_mem>>) src(%dma_wait3A_443 : memref<10000x128xf32, #tpu.memory_space<hbm>>) dst(%arg10 : memref<128x128xf32, #tpu.memory_space<vmem>>)
      %dma_start3A_444 = arith.constant 3 : i32
      %dma_start3A_445 = arith.constant 0 : i32
      %dma_start3A_446 = tpu.memref_slice %arg8[%dma_start3A_444, %dma_start3A_445] : memref<8x128xi32, #tpu.memory_space<vmem>> -> memref<1x128xi32, #tpu.memory_space<vmem>>
      %dma_start3A_447 = tpu.memref_squeeze %dma_start3A_446 : memref<1x128xi32, #tpu.memory_space<vmem>> -> memref<128xi32, #tpu.memory_space<vmem>>
      %dma_start3A_448 = arith.constant 0 : i32
      %dma_start3A_449 = arith.constant 0 : i32
      %dma_start3A_450 = tpu.memref_slice %arg11[%dma_start3A_448, %dma_start3A_449] : memref<10128x128xf32, #tpu.memory_space<vmem_shared>> -> memref<10128x128xf32, #tpu.memory_space<vmem_shared>>
      tpu.enqueue_indirect_dma source(%arg10 : memref<128x128xf32, #tpu.memory_space<vmem>>) target(%dma_start3A_450 : memref<10128x128xf32, #tpu.memory_space<vmem_shared>>) offsets(%dma_start3A_447 : memref<128xi32, #tpu.memory_space<vmem>>) semaphore(%arg15 : memref<!tpu.dma_semaphore, #tpu.memory_space<semaphore_mem>>) {add = true}
      %dma_wait3A_451 = arith.constant 0 : i32
      %dma_wait3A_452 = arith.constant 0 : i32
      %dma_wait3A_453 = tpu.memref_slice %arg7[%dma_wait3A_451, %dma_wait3A_452] : memref<8x128xi32, #tpu.memory_space<vmem>> -> memref<1x128xi32, #tpu.memory_space<vmem>>
      %dma_wait3A_454 = tpu.memref_squeeze %dma_wait3A_453 : memref<1x128xi32, #tpu.memory_space<vmem>> -> memref<128xi32, #tpu.memory_space<vmem>>
      %dma_wait3A_455 = arith.constant 0 : i32
      %dma_wait3A_456 = arith.constant 0 : i32
      %dma_wait3A_457 = tpu.memref_slice %arg11[%dma_wait3A_455, %dma_wait3A_456] : memref<10128x128xf32, #tpu.memory_space<vmem_shared>> -> memref<10128x128xf32, #tpu.memory_space<vmem_shared>>
      tpu.wait_indirect_dma semaphore(%arg14 : memref<!tpu.dma_semaphore, #tpu.memory_space<semaphore_mem>>) src(%arg9 : memref<128x128xf32, #tpu.memory_space<vmem>>) dst(%dma_wait3A_457 : memref<10128x128xf32, #tpu.memory_space<vmem_shared>>)
      %add3A_458 = arith.constant 2 : i32
      %add3A_459 = arith.addi %add3A_407, %add3A_458 : i32
      %lt3A_460 = arith.constant 80 : i32
      %lt3A_461 = arith.cmpi slt, %add3A_459, %lt3A_460 : i32
      %convert_element_type3A_462 = arith.extui %lt3A_461 : i1 to i32
      %cond3A_463 = arith.constant 0 : i32
      %cond3A_464 = arith.cmpi ne, %convert_element_type3A_462, %cond3A_463 : i32
      scf.if %cond3A_464 {
        %add3A_587 = arith.constant 2 : i32
        %add3A_588 = arith.addi %add3A_407, %add3A_587 : i32
        %dma_start3A_589 = arith.constant 0 : i32
        %dma_start3A_590 = tpu.memref_slice %arg6[%add3A_588, %dma_start3A_589] : memref<80x128xi32, #tpu.memory_space<vmem>> -> memref<1x128xi32, #tpu.memory_space<vmem>>
        %dma_start3A_591 = tpu.memref_squeeze %dma_start3A_590 : memref<1x128xi32, #tpu.memory_space<vmem>> -> memref<128xi32, #tpu.memory_space<vmem>>
        %dma_start3A_592 = arith.constant 0 : i32
        %dma_start3A_593 = arith.constant 0 : i32
        %dma_start3A_594 = tpu.memref_slice %arg2[%dma_start3A_592, %dma_start3A_593] : memref<10000x128xf32, #tpu.memory_space<hbm>> -> memref<10000x128xf32, #tpu.memory_space<hbm>>
        tpu.enqueue_indirect_dma source(%dma_start3A_594 : memref<10000x128xf32, #tpu.memory_space<hbm>>) target(%arg9 : memref<128x128xf32, #tpu.memory_space<vmem>>) offsets(%dma_start3A_591 : memref<128xi32, #tpu.memory_space<vmem>>) semaphore(%arg12 : memref<!tpu.dma_semaphore, #tpu.memory_space<semaphore_mem>>)
      } else {
      }
      %mul3A_465 = arith.constant 16 : i32
      %mul3A_466 = arith.muli %mul3A_465, %scan3A_70 : i32
      %add3A_467 = arith.constant 12 : i32
      %add3A_468 = arith.addi %mul3A_466, %add3A_467 : i32
      %dma_wait3A_469 = arith.constant 0 : i32
      %dma_wait3A_470 = tpu.memref_slice %arg6[%add3A_468, %dma_wait3A_469] : memref<80x128xi32, #tpu.memory_space<vmem>> -> memref<1x128xi32, #tpu.memory_space<vmem>>
      %dma_wait3A_471 = tpu.memref_squeeze %dma_wait3A_470 : memref<1x128xi32, #tpu.memory_space<vmem>> -> memref<128xi32, #tpu.memory_space<vmem>>
      %dma_wait3A_472 = arith.constant 0 : i32
      %dma_wait3A_473 = arith.constant 0 : i32
      %dma_wait3A_474 = tpu.memref_slice %arg2[%dma_wait3A_472, %dma_wait3A_473] : memref<10000x128xf32, #tpu.memory_space<hbm>> -> memref<10000x128xf32, #tpu.memory_space<hbm>>
      tpu.wait_indirect_dma semaphore(%arg12 : memref<!tpu.dma_semaphore, #tpu.memory_space<semaphore_mem>>) src(%dma_wait3A_474 : memref<10000x128xf32, #tpu.memory_space<hbm>>) dst(%arg9 : memref<128x128xf32, #tpu.memory_space<vmem>>)
      %dma_start3A_475 = arith.constant 4 : i32
      %dma_start3A_476 = arith.constant 0 : i32
      %dma_start3A_477 = tpu.memref_slice %arg8[%dma_start3A_475, %dma_start3A_476] : memref<8x128xi32, #tpu.memory_space<vmem>> -> memref<1x128xi32, #tpu.memory_space<vmem>>
      %dma_start3A_478 = tpu.memref_squeeze %dma_start3A_477 : memref<1x128xi32, #tpu.memory_space<vmem>> -> memref<128xi32, #tpu.memory_space<vmem>>
      %dma_start3A_479 = arith.constant 0 : i32
      %dma_start3A_480 = arith.constant 0 : i32
      %dma_start3A_481 = tpu.memref_slice %arg11[%dma_start3A_479, %dma_start3A_480] : memref<10128x128xf32, #tpu.memory_space<vmem_shared>> -> memref<10128x128xf32, #tpu.memory_space<vmem_shared>>
      tpu.enqueue_indirect_dma source(%arg9 : memref<128x128xf32, #tpu.memory_space<vmem>>) target(%dma_start3A_481 : memref<10128x128xf32, #tpu.memory_space<vmem_shared>>) offsets(%dma_start3A_478 : memref<128xi32, #tpu.memory_space<vmem>>) semaphore(%arg14 : memref<!tpu.dma_semaphore, #tpu.memory_space<semaphore_mem>>) {add = true}
      %dma_wait3A_482 = arith.constant 0 : i32
      %dma_wait3A_483 = arith.constant 0 : i32
      %dma_wait3A_484 = tpu.memref_slice %arg7[%dma_wait3A_482, %dma_wait3A_483] : memref<8x128xi32, #tpu.memory_space<vmem>> -> memref<1x128xi32, #tpu.memory_space<vmem>>
      %dma_wait3A_485 = tpu.memref_squeeze %dma_wait3A_484 : memref<1x128xi32, #tpu.memory_space<vmem>> -> memref<128xi32, #tpu.memory_space<vmem>>
      %dma_wait3A_486 = arith.constant 0 : i32
      %dma_wait3A_487 = arith.constant 0 : i32
      %dma_wait3A_488 = tpu.memref_slice %arg11[%dma_wait3A_486, %dma_wait3A_487] : memref<10128x128xf32, #tpu.memory_space<vmem_shared>> -> memref<10128x128xf32, #tpu.memory_space<vmem_shared>>
      tpu.wait_indirect_dma semaphore(%arg15 : memref<!tpu.dma_semaphore, #tpu.memory_space<semaphore_mem>>) src(%arg10 : memref<128x128xf32, #tpu.memory_space<vmem>>) dst(%dma_wait3A_488 : memref<10128x128xf32, #tpu.memory_space<vmem_shared>>)
      %add3A_489 = arith.constant 1 : i32
      %add3A_490 = arith.addi %add3A_468, %add3A_489 : i32
      %dma_start3A_491 = arith.constant 0 : i32
      %dma_start3A_492 = tpu.memref_slice %arg6[%add3A_490, %dma_start3A_491] : memref<80x128xi32, #tpu.memory_space<vmem>> -> memref<1x128xi32, #tpu.memory_space<vmem>>
      %dma_start3A_493 = tpu.memref_squeeze %dma_start3A_492 : memref<1x128xi32, #tpu.memory_space<vmem>> -> memref<128xi32, #tpu.memory_space<vmem>>
      %dma_start3A_494 = arith.constant 0 : i32
      %dma_start3A_495 = arith.constant 0 : i32
      %dma_start3A_496 = tpu.memref_slice %arg2[%dma_start3A_494, %dma_start3A_495] : memref<10000x128xf32, #tpu.memory_space<hbm>> -> memref<10000x128xf32, #tpu.memory_space<hbm>>
      tpu.enqueue_indirect_dma source(%dma_start3A_496 : memref<10000x128xf32, #tpu.memory_space<hbm>>) target(%arg10 : memref<128x128xf32, #tpu.memory_space<vmem>>) offsets(%dma_start3A_493 : memref<128xi32, #tpu.memory_space<vmem>>) semaphore(%arg13 : memref<!tpu.dma_semaphore, #tpu.memory_space<semaphore_mem>>)
      %add3A_497 = arith.constant 1 : i32
      %add3A_498 = arith.addi %add3A_468, %add3A_497 : i32
      %dma_wait3A_499 = arith.constant 0 : i32
      %dma_wait3A_500 = tpu.memref_slice %arg6[%add3A_498, %dma_wait3A_499] : memref<80x128xi32, #tpu.memory_space<vmem>> -> memref<1x128xi32, #tpu.memory_space<vmem>>
      %dma_wait3A_501 = tpu.memref_squeeze %dma_wait3A_500 : memref<1x128xi32, #tpu.memory_space<vmem>> -> memref<128xi32, #tpu.memory_space<vmem>>
      %dma_wait3A_502 = arith.constant 0 : i32
      %dma_wait3A_503 = arith.constant 0 : i32
      %dma_wait3A_504 = tpu.memref_slice %arg2[%dma_wait3A_502, %dma_wait3A_503] : memref<10000x128xf32, #tpu.memory_space<hbm>> -> memref<10000x128xf32, #tpu.memory_space<hbm>>
      tpu.wait_indirect_dma semaphore(%arg13 : memref<!tpu.dma_semaphore, #tpu.memory_space<semaphore_mem>>) src(%dma_wait3A_504 : memref<10000x128xf32, #tpu.memory_space<hbm>>) dst(%arg10 : memref<128x128xf32, #tpu.memory_space<vmem>>)
      %dma_start3A_505 = arith.constant 5 : i32
      %dma_start3A_506 = arith.constant 0 : i32
      %dma_start3A_507 = tpu.memref_slice %arg8[%dma_start3A_505, %dma_start3A_506] : memref<8x128xi32, #tpu.memory_space<vmem>> -> memref<1x128xi32, #tpu.memory_space<vmem>>
      %dma_start3A_508 = tpu.memref_squeeze %dma_start3A_507 : memref<1x128xi32, #tpu.memory_space<vmem>> -> memref<128xi32, #tpu.memory_space<vmem>>
      %dma_start3A_509 = arith.constant 0 : i32
      %dma_start3A_510 = arith.constant 0 : i32
      %dma_start3A_511 = tpu.memref_slice %arg11[%dma_start3A_509, %dma_start3A_510] : memref<10128x128xf32, #tpu.memory_space<vmem_shared>> -> memref<10128x128xf32, #tpu.memory_space<vmem_shared>>
      tpu.enqueue_indirect_dma source(%arg10 : memref<128x128xf32, #tpu.memory_space<vmem>>) target(%dma_start3A_511 : memref<10128x128xf32, #tpu.memory_space<vmem_shared>>) offsets(%dma_start3A_508 : memref<128xi32, #tpu.memory_space<vmem>>) semaphore(%arg15 : memref<!tpu.dma_semaphore, #tpu.memory_space<semaphore_mem>>) {add = true}
      %dma_wait3A_512 = arith.constant 0 : i32
      %dma_wait3A_513 = arith.constant 0 : i32
      %dma_wait3A_514 = tpu.memref_slice %arg7[%dma_wait3A_512, %dma_wait3A_513] : memref<8x128xi32, #tpu.memory_space<vmem>> -> memref<1x128xi32, #tpu.memory_space<vmem>>
      %dma_wait3A_515 = tpu.memref_squeeze %dma_wait3A_514 : memref<1x128xi32, #tpu.memory_space<vmem>> -> memref<128xi32, #tpu.memory_space<vmem>>
      %dma_wait3A_516 = arith.constant 0 : i32
      %dma_wait3A_517 = arith.constant 0 : i32
      %dma_wait3A_518 = tpu.memref_slice %arg11[%dma_wait3A_516, %dma_wait3A_517] : memref<10128x128xf32, #tpu.memory_space<vmem_shared>> -> memref<10128x128xf32, #tpu.memory_space<vmem_shared>>
      tpu.wait_indirect_dma semaphore(%arg14 : memref<!tpu.dma_semaphore, #tpu.memory_space<semaphore_mem>>) src(%arg9 : memref<128x128xf32, #tpu.memory_space<vmem>>) dst(%dma_wait3A_518 : memref<10128x128xf32, #tpu.memory_space<vmem_shared>>)
      %add3A_519 = arith.constant 2 : i32
      %add3A_520 = arith.addi %add3A_468, %add3A_519 : i32
      %lt3A_521 = arith.constant 80 : i32
      %lt3A_522 = arith.cmpi slt, %add3A_520, %lt3A_521 : i32
      %convert_element_type3A_523 = arith.extui %lt3A_522 : i1 to i32
      %cond3A_524 = arith.constant 0 : i32
      %cond3A_525 = arith.cmpi ne, %convert_element_type3A_523, %cond3A_524 : i32
      scf.if %cond3A_525 {
        %add3A_587 = arith.constant 2 : i32
        %add3A_588 = arith.addi %add3A_468, %add3A_587 : i32
        %dma_start3A_589 = arith.constant 0 : i32
        %dma_start3A_590 = tpu.memref_slice %arg6[%add3A_588, %dma_start3A_589] : memref<80x128xi32, #tpu.memory_space<vmem>> -> memref<1x128xi32, #tpu.memory_space<vmem>>
        %dma_start3A_591 = tpu.memref_squeeze %dma_start3A_590 : memref<1x128xi32, #tpu.memory_space<vmem>> -> memref<128xi32, #tpu.memory_space<vmem>>
        %dma_start3A_592 = arith.constant 0 : i32
        %dma_start3A_593 = arith.constant 0 : i32
        %dma_start3A_594 = tpu.memref_slice %arg2[%dma_start3A_592, %dma_start3A_593] : memref<10000x128xf32, #tpu.memory_space<hbm>> -> memref<10000x128xf32, #tpu.memory_space<hbm>>
        tpu.enqueue_indirect_dma source(%dma_start3A_594 : memref<10000x128xf32, #tpu.memory_space<hbm>>) target(%arg9 : memref<128x128xf32, #tpu.memory_space<vmem>>) offsets(%dma_start3A_591 : memref<128xi32, #tpu.memory_space<vmem>>) semaphore(%arg12 : memref<!tpu.dma_semaphore, #tpu.memory_space<semaphore_mem>>)
      } else {
      }
      %mul3A_526 = arith.constant 16 : i32
      %mul3A_527 = arith.muli %mul3A_526, %scan3A_70 : i32
      %add3A_528 = arith.constant 14 : i32
      %add3A_529 = arith.addi %mul3A_527, %add3A_528 : i32
      %dma_wait3A_530 = arith.constant 0 : i32
      %dma_wait3A_531 = tpu.memref_slice %arg6[%add3A_529, %dma_wait3A_530] : memref<80x128xi32, #tpu.memory_space<vmem>> -> memref<1x128xi32, #tpu.memory_space<vmem>>
      %dma_wait3A_532 = tpu.memref_squeeze %dma_wait3A_531 : memref<1x128xi32, #tpu.memory_space<vmem>> -> memref<128xi32, #tpu.memory_space<vmem>>
      %dma_wait3A_533 = arith.constant 0 : i32
      %dma_wait3A_534 = arith.constant 0 : i32
      %dma_wait3A_535 = tpu.memref_slice %arg2[%dma_wait3A_533, %dma_wait3A_534] : memref<10000x128xf32, #tpu.memory_space<hbm>> -> memref<10000x128xf32, #tpu.memory_space<hbm>>
      tpu.wait_indirect_dma semaphore(%arg12 : memref<!tpu.dma_semaphore, #tpu.memory_space<semaphore_mem>>) src(%dma_wait3A_535 : memref<10000x128xf32, #tpu.memory_space<hbm>>) dst(%arg9 : memref<128x128xf32, #tpu.memory_space<vmem>>)
      %dma_start3A_536 = arith.constant 6 : i32
      %dma_start3A_537 = arith.constant 0 : i32
      %dma_start3A_538 = tpu.memref_slice %arg8[%dma_start3A_536, %dma_start3A_537] : memref<8x128xi32, #tpu.memory_space<vmem>> -> memref<1x128xi32, #tpu.memory_space<vmem>>
      %dma_start3A_539 = tpu.memref_squeeze %dma_start3A_538 : memref<1x128xi32, #tpu.memory_space<vmem>> -> memref<128xi32, #tpu.memory_space<vmem>>
      %dma_start3A_540 = arith.constant 0 : i32
      %dma_start3A_541 = arith.constant 0 : i32
      %dma_start3A_542 = tpu.memref_slice %arg11[%dma_start3A_540, %dma_start3A_541] : memref<10128x128xf32, #tpu.memory_space<vmem_shared>> -> memref<10128x128xf32, #tpu.memory_space<vmem_shared>>
      tpu.enqueue_indirect_dma source(%arg9 : memref<128x128xf32, #tpu.memory_space<vmem>>) target(%dma_start3A_542 : memref<10128x128xf32, #tpu.memory_space<vmem_shared>>) offsets(%dma_start3A_539 : memref<128xi32, #tpu.memory_space<vmem>>) semaphore(%arg14 : memref<!tpu.dma_semaphore, #tpu.memory_space<semaphore_mem>>) {add = true}
      %dma_wait3A_543 = arith.constant 0 : i32
      %dma_wait3A_544 = arith.constant 0 : i32
      %dma_wait3A_545 = tpu.memref_slice %arg7[%dma_wait3A_543, %dma_wait3A_544] : memref<8x128xi32, #tpu.memory_space<vmem>> -> memref<1x128xi32, #tpu.memory_space<vmem>>
      %dma_wait3A_546 = tpu.memref_squeeze %dma_wait3A_545 : memref<1x128xi32, #tpu.memory_space<vmem>> -> memref<128xi32, #tpu.memory_space<vmem>>
      %dma_wait3A_547 = arith.constant 0 : i32
      %dma_wait3A_548 = arith.constant 0 : i32
      %dma_wait3A_549 = tpu.memref_slice %arg11[%dma_wait3A_547, %dma_wait3A_548] : memref<10128x128xf32, #tpu.memory_space<vmem_shared>> -> memref<10128x128xf32, #tpu.memory_space<vmem_shared>>
      tpu.wait_indirect_dma semaphore(%arg15 : memref<!tpu.dma_semaphore, #tpu.memory_space<semaphore_mem>>) src(%arg10 : memref<128x128xf32, #tpu.memory_space<vmem>>) dst(%dma_wait3A_549 : memref<10128x128xf32, #tpu.memory_space<vmem_shared>>)
      %add3A_550 = arith.constant 1 : i32
      %add3A_551 = arith.addi %add3A_529, %add3A_550 : i32
      %dma_start3A_552 = arith.constant 0 : i32
      %dma_start3A_553 = tpu.memref_slice %arg6[%add3A_551, %dma_start3A_552] : memref<80x128xi32, #tpu.memory_space<vmem>> -> memref<1x128xi32, #tpu.memory_space<vmem>>
      %dma_start3A_554 = tpu.memref_squeeze %dma_start3A_553 : memref<1x128xi32, #tpu.memory_space<vmem>> -> memref<128xi32, #tpu.memory_space<vmem>>
      %dma_start3A_555 = arith.constant 0 : i32
      %dma_start3A_556 = arith.constant 0 : i32
      %dma_start3A_557 = tpu.memref_slice %arg2[%dma_start3A_555, %dma_start3A_556] : memref<10000x128xf32, #tpu.memory_space<hbm>> -> memref<10000x128xf32, #tpu.memory_space<hbm>>
      tpu.enqueue_indirect_dma source(%dma_start3A_557 : memref<10000x128xf32, #tpu.memory_space<hbm>>) target(%arg10 : memref<128x128xf32, #tpu.memory_space<vmem>>) offsets(%dma_start3A_554 : memref<128xi32, #tpu.memory_space<vmem>>) semaphore(%arg13 : memref<!tpu.dma_semaphore, #tpu.memory_space<semaphore_mem>>)
      %add3A_558 = arith.constant 1 : i32
      %add3A_559 = arith.addi %add3A_529, %add3A_558 : i32
      %dma_wait3A_560 = arith.constant 0 : i32
      %dma_wait3A_561 = tpu.memref_slice %arg6[%add3A_559, %dma_wait3A_560] : memref<80x128xi32, #tpu.memory_space<vmem>> -> memref<1x128xi32, #tpu.memory_space<vmem>>
      %dma_wait3A_562 = tpu.memref_squeeze %dma_wait3A_561 : memref<1x128xi32, #tpu.memory_space<vmem>> -> memref<128xi32, #tpu.memory_space<vmem>>
      %dma_wait3A_563 = arith.constant 0 : i32
      %dma_wait3A_564 = arith.constant 0 : i32
      %dma_wait3A_565 = tpu.memref_slice %arg2[%dma_wait3A_563, %dma_wait3A_564] : memref<10000x128xf32, #tpu.memory_space<hbm>> -> memref<10000x128xf32, #tpu.memory_space<hbm>>
      tpu.wait_indirect_dma semaphore(%arg13 : memref<!tpu.dma_semaphore, #tpu.memory_space<semaphore_mem>>) src(%dma_wait3A_565 : memref<10000x128xf32, #tpu.memory_space<hbm>>) dst(%arg10 : memref<128x128xf32, #tpu.memory_space<vmem>>)
      %dma_start3A_566 = arith.constant 7 : i32
      %dma_start3A_567 = arith.constant 0 : i32
      %dma_start3A_568 = tpu.memref_slice %arg8[%dma_start3A_566, %dma_start3A_567] : memref<8x128xi32, #tpu.memory_space<vmem>> -> memref<1x128xi32, #tpu.memory_space<vmem>>
      %dma_start3A_569 = tpu.memref_squeeze %dma_start3A_568 : memref<1x128xi32, #tpu.memory_space<vmem>> -> memref<128xi32, #tpu.memory_space<vmem>>
      %dma_start3A_570 = arith.constant 0 : i32
      %dma_start3A_571 = arith.constant 0 : i32
      %dma_start3A_572 = tpu.memref_slice %arg11[%dma_start3A_570, %dma_start3A_571] : memref<10128x128xf32, #tpu.memory_space<vmem_shared>> -> memref<10128x128xf32, #tpu.memory_space<vmem_shared>>
      tpu.enqueue_indirect_dma source(%arg10 : memref<128x128xf32, #tpu.memory_space<vmem>>) target(%dma_start3A_572 : memref<10128x128xf32, #tpu.memory_space<vmem_shared>>) offsets(%dma_start3A_569 : memref<128xi32, #tpu.memory_space<vmem>>) semaphore(%arg15 : memref<!tpu.dma_semaphore, #tpu.memory_space<semaphore_mem>>) {add = true}
      %dma_wait3A_573 = arith.constant 0 : i32
      %dma_wait3A_574 = arith.constant 0 : i32
      %dma_wait3A_575 = tpu.memref_slice %arg7[%dma_wait3A_573, %dma_wait3A_574] : memref<8x128xi32, #tpu.memory_space<vmem>> -> memref<1x128xi32, #tpu.memory_space<vmem>>
      %dma_wait3A_576 = tpu.memref_squeeze %dma_wait3A_575 : memref<1x128xi32, #tpu.memory_space<vmem>> -> memref<128xi32, #tpu.memory_space<vmem>>
      %dma_wait3A_577 = arith.constant 0 : i32
      %dma_wait3A_578 = arith.constant 0 : i32
      %dma_wait3A_579 = tpu.memref_slice %arg11[%dma_wait3A_577, %dma_wait3A_578] : memref<10128x128xf32, #tpu.memory_space<vmem_shared>> -> memref<10128x128xf32, #tpu.memory_space<vmem_shared>>
      tpu.wait_indirect_dma semaphore(%arg14 : memref<!tpu.dma_semaphore, #tpu.memory_space<semaphore_mem>>) src(%arg9 : memref<128x128xf32, #tpu.memory_space<vmem>>) dst(%dma_wait3A_579 : memref<10128x128xf32, #tpu.memory_space<vmem_shared>>)
      %add3A_580 = arith.constant 2 : i32
      %add3A_581 = arith.addi %add3A_529, %add3A_580 : i32
      %lt3A_582 = arith.constant 80 : i32
      %lt3A_583 = arith.cmpi slt, %add3A_581, %lt3A_582 : i32
      %convert_element_type3A_584 = arith.extui %lt3A_583 : i1 to i32
      %cond3A_585 = arith.constant 0 : i32
      %cond3A_586 = arith.cmpi ne, %convert_element_type3A_584, %cond3A_585 : i32
      scf.if %cond3A_586 {
        %add3A_587 = arith.constant 2 : i32
        %add3A_588 = arith.addi %add3A_529, %add3A_587 : i32
        %dma_start3A_589 = arith.constant 0 : i32
        %dma_start3A_590 = tpu.memref_slice %arg6[%add3A_588, %dma_start3A_589] : memref<80x128xi32, #tpu.memory_space<vmem>> -> memref<1x128xi32, #tpu.memory_space<vmem>>
        %dma_start3A_591 = tpu.memref_squeeze %dma_start3A_590 : memref<1x128xi32, #tpu.memory_space<vmem>> -> memref<128xi32, #tpu.memory_space<vmem>>
        %dma_start3A_592 = arith.constant 0 : i32
        %dma_start3A_593 = arith.constant 0 : i32
        %dma_start3A_594 = tpu.memref_slice %arg2[%dma_start3A_592, %dma_start3A_593] : memref<10000x128xf32, #tpu.memory_space<hbm>> -> memref<10000x128xf32, #tpu.memory_space<hbm>>
        tpu.enqueue_indirect_dma source(%dma_start3A_594 : memref<10000x128xf32, #tpu.memory_space<hbm>>) target(%arg9 : memref<128x128xf32, #tpu.memory_space<vmem>>) offsets(%dma_start3A_591 : memref<128xi32, #tpu.memory_space<vmem>>) semaphore(%arg12 : memref<!tpu.dma_semaphore, #tpu.memory_space<semaphore_mem>>)
      } else {
      }
    }
    %scan3A_54 = arith.constant 5 : i32
    %dma_wait3A_55 = arith.constant 0 : i32
    %dma_wait3A_56 = arith.constant 0 : i32
    %dma_wait3A_57 = tpu.memref_slice %arg7[%dma_wait3A_55, %dma_wait3A_56] : memref<8x128xi32, #tpu.memory_space<vmem>> -> memref<1x128xi32, #tpu.memory_space<vmem>>
    %dma_wait3A_58 = tpu.memref_squeeze %dma_wait3A_57 : memref<1x128xi32, #tpu.memory_space<vmem>> -> memref<128xi32, #tpu.memory_space<vmem>>
    %dma_wait3A_59 = arith.constant 0 : i32
    %dma_wait3A_60 = arith.constant 0 : i32
    %dma_wait3A_61 = tpu.memref_slice %arg11[%dma_wait3A_59, %dma_wait3A_60] : memref<10128x128xf32, #tpu.memory_space<vmem_shared>> -> memref<10128x128xf32, #tpu.memory_space<vmem_shared>>
    tpu.wait_indirect_dma semaphore(%arg15 : memref<!tpu.dma_semaphore, #tpu.memory_space<semaphore_mem>>) src(%arg10 : memref<128x128xf32, #tpu.memory_space<vmem>>) dst(%dma_wait3A_61 : memref<10128x128xf32, #tpu.memory_space<vmem_shared>>)
    %barrier3A_62 = arith.constant 0 : index
    tpu.barrier barrier_id(%barrier3A_62)
    %mul3A_63 = arith.constant 624 : i32
    %mul3A_64 = arith.muli %arg1, %mul3A_63 : i32
    "tpu.region"() ({
      %run_scoped3A = tpu.sem_alloc : memref<!tpu.dma_semaphore, #tpu.memory_space<semaphore_mem>>
      %dma_start3A_70 = arith.constant 0 : i32
      %dma_start3A_71 = arith.constant 0 : i32
      %dma_start3A_72 = tpu.memref_slice %arg5[%arg0, %dma_start3A_70, %dma_start3A_71] : memref<2x10000x128xf32, #tpu.memory_space<hbm>> -> memref<1x10000x128xf32, #tpu.memory_space<hbm>>
      %dma_start3A_73 = tpu.memref_squeeze %dma_start3A_72 : memref<1x10000x128xf32, #tpu.memory_space<hbm>> -> memref<10000x128xf32, #tpu.memory_space<hbm>>
      %dma_start3A_74 = arith.constant 0 : i32
      %dma_start3A_75 = tpu.memref_slice %dma_start3A_73[%mul3A_64, %dma_start3A_74] : memref<10000x128xf32, #tpu.memory_space<hbm>> -> memref<624x128xf32, #tpu.memory_space<hbm>>
      %dma_start3A_76 = arith.constant 0 : i32
      %dma_start3A_77 = tpu.memref_slice %arg11[%mul3A_64, %dma_start3A_76] : memref<10128x128xf32, #tpu.memory_space<vmem_shared>> -> memref<624x128xf32, #tpu.memory_space<vmem_shared>>
      tpu.enqueue_dma source(%dma_start3A_77 : memref<624x128xf32, #tpu.memory_space<vmem_shared>>) target(%dma_start3A_75 : memref<624x128xf32, #tpu.memory_space<hbm>>) target_semaphore(%run_scoped3A : memref<!tpu.dma_semaphore, #tpu.memory_space<semaphore_mem>>)
      %dma_wait3A_78 = arith.constant 0 : i32
      %dma_wait3A_79 = arith.constant 0 : i32
      %dma_wait3A_80 = tpu.memref_slice %arg5[%arg0, %dma_wait3A_78, %dma_wait3A_79] : memref<2x10000x128xf32, #tpu.memory_space<hbm>> -> memref<1x10000x128xf32, #tpu.memory_space<hbm>>
      %dma_wait3A_81 = tpu.memref_squeeze %dma_wait3A_80 : memref<1x10000x128xf32, #tpu.memory_space<hbm>> -> memref<10000x128xf32, #tpu.memory_space<hbm>>
      %dma_wait3A_82 = arith.constant 0 : i32
      %dma_wait3A_83 = tpu.memref_slice %dma_wait3A_81[%mul3A_64, %dma_wait3A_82] : memref<10000x128xf32, #tpu.memory_space<hbm>> -> memref<624x128xf32, #tpu.memory_space<hbm>>
      %dma_wait3A_84 = arith.constant 0 : i32
      %dma_wait3A_85 = tpu.memref_slice %arg11[%mul3A_64, %dma_wait3A_84] : memref<10128x128xf32, #tpu.memory_space<vmem_shared>> -> memref<624x128xf32, #tpu.memory_space<vmem_shared>>
      tpu.wait_dma2 semaphore(%run_scoped3A : memref<!tpu.dma_semaphore, #tpu.memory_space<semaphore_mem>>) src(%dma_wait3A_85 : memref<624x128xf32, #tpu.memory_space<vmem_shared>>) dst(%dma_wait3A_83 : memref<624x128xf32, #tpu.memory_space<hbm>>)
      tpu.yield
    }) : () -> ()
    %eq3A_65 = arith.constant 15 : i32
    %eq3A_66 = arith.cmpi eq, %arg1, %eq3A_65 : i32
    %convert_element_type3A_67 = arith.extui %eq3A_66 : i1 to i32
    %cond3A_68 = arith.constant 0 : i32
    %cond3A_69 = arith.cmpi ne, %convert_element_type3A_67, %cond3A_68 : i32
    scf.if %cond3A_69 {
      "tpu.region"() ({
        %run_scoped3A = tpu.sem_alloc : memref<!tpu.dma_semaphore, #tpu.memory_space<semaphore_mem>>
        %dma_start3A_70 = arith.constant 0 : i32
        %dma_start3A_71 = arith.constant 0 : i32
        %dma_start3A_72 = tpu.memref_slice %arg5[%arg0, %dma_start3A_70, %dma_start3A_71] : memref<2x10000x128xf32, #tpu.memory_space<hbm>> -> memref<1x10000x128xf32, #tpu.memory_space<hbm>>
        %dma_start3A_73 = tpu.memref_squeeze %dma_start3A_72 : memref<1x10000x128xf32, #tpu.memory_space<hbm>> -> memref<10000x128xf32, #tpu.memory_space<hbm>>
        %dma_start3A_74 = arith.constant 9984 : i32
        %dma_start3A_75 = arith.constant 0 : i32
        %dma_start3A_76 = tpu.memref_slice %dma_start3A_73[%dma_start3A_74, %dma_start3A_75] : memref<10000x128xf32, #tpu.memory_space<hbm>> -> memref<16x128xf32, #tpu.memory_space<hbm>>
        %dma_start3A_77 = arith.constant 9984 : i32
        %dma_start3A_78 = arith.constant 0 : i32
        %dma_start3A_79 = tpu.memref_slice %arg11[%dma_start3A_77, %dma_start3A_78] : memref<10128x128xf32, #tpu.memory_space<vmem_shared>> -> memref<16x128xf32, #tpu.memory_space<vmem_shared>>
        tpu.enqueue_dma source(%dma_start3A_79 : memref<16x128xf32, #tpu.memory_space<vmem_shared>>) target(%dma_start3A_76 : memref<16x128xf32, #tpu.memory_space<hbm>>) target_semaphore(%run_scoped3A : memref<!tpu.dma_semaphore, #tpu.memory_space<semaphore_mem>>)
        %dma_wait3A_80 = arith.constant 0 : i32
        %dma_wait3A_81 = arith.constant 0 : i32
        %dma_wait3A_82 = tpu.memref_slice %arg5[%arg0, %dma_wait3A_80, %dma_wait3A_81] : memref<2x10000x128xf32, #tpu.memory_space<hbm>> -> memref<1x10000x128xf32, #tpu.memory_space<hbm>>
        %dma_wait3A_83 = tpu.memref_squeeze %dma_wait3A_82 : memref<1x10000x128xf32, #tpu.memory_space<hbm>> -> memref<10000x128xf32, #tpu.memory_space<hbm>>
        %dma_wait3A_84 = arith.constant 9984 : i32
        %dma_wait3A_85 = arith.constant 0 : i32
        %dma_wait3A_86 = tpu.memref_slice %dma_wait3A_83[%dma_wait3A_84, %dma_wait3A_85] : memref<10000x128xf32, #tpu.memory_space<hbm>> -> memref<16x128xf32, #tpu.memory_space<hbm>>
        %dma_wait3A_87 = arith.constant 9984 : i32
        %dma_wait3A_88 = arith.constant 0 : i32
        %dma_wait3A_89 = tpu.memref_slice %arg11[%dma_wait3A_87, %dma_wait3A_88] : memref<10128x128xf32, #tpu.memory_space<vmem_shared>> -> memref<16x128xf32, #tpu.memory_space<vmem_shared>>
        tpu.wait_dma2 semaphore(%run_scoped3A : memref<!tpu.dma_semaphore, #tpu.memory_space<semaphore_mem>>) src(%dma_wait3A_89 : memref<16x128xf32, #tpu.memory_space<vmem_shared>>) dst(%dma_wait3A_86 : memref<16x128xf32, #tpu.memory_space<hbm>>)
        tpu.yield
      }) : () -> ()
    } else {
    }
    return
  }
}

#map = affine_map<(d0, d1) -> (0, 0, 0, 0)>
#map1 = affine_map<(d0, d1) -> (0)>
module attributes {stable_mosaic.version = 14 : i64} {
  func.func @_deg_kernel(%arg0: i32, %arg1: i32, %arg2: memref<2x32x80x128xi32, #tpu.memory_space<hbm>>, %arg3: memref<128xf32, #tpu.memory_space<hbm>>, %arg4: memref<624xf32, #tpu.memory_space<hbm>>, %arg5: memref<20000xf32, #tpu.memory_space<hbm>>, %arg6: memref<80x128xi32, #tpu.memory_space<vmem>>, %arg7: memref<128xf32, #tpu.memory_space<vmem>>, %arg8: memref<624xf32, #tpu.memory_space<vmem>>, %arg9: memref<10128xf32, #tpu.memory_space<vmem_shared>>) attributes {dimension_semantics = [#tpu.dimension_semantics<core_parallel>, #tpu.dimension_semantics<subcore_parallel>], iteration_bounds = array<i64: 2, 16>, scalar_prefetch = 0 : i64, scratch_operands = 4 : i64, tpu.core_type = #tpu.core_type<sc_vector_subcore>, window_params = [{transform_indices = #map}, {transform_indices = #map1}, {transform_indices = #map1}, {transform_indices = #map1}]} {
    %mul3A = arith.constant 16 : i32
    %mul3A_0 = arith.muli %arg0, %mul3A : i32
    %add3A = arith.addi %mul3A_0, %arg1 : i32
    %mul3A_1 = arith.constant 624 : i32
    %mul3A_2 = arith.muli %arg1, %mul3A_1 : i32
    "tpu.region"() ({
      %run_scoped3A_19 = tpu.sem_alloc : memref<!tpu.dma_semaphore, #tpu.memory_space<semaphore_mem>>
      tpu.enqueue_dma source(%arg4 : memref<624xf32, #tpu.memory_space<hbm>>) target(%arg8 : memref<624xf32, #tpu.memory_space<vmem>>) target_semaphore(%run_scoped3A_19 : memref<!tpu.dma_semaphore, #tpu.memory_space<semaphore_mem>>)
      tpu.wait_dma2 semaphore(%run_scoped3A_19 : memref<!tpu.dma_semaphore, #tpu.memory_space<semaphore_mem>>) src(%arg4 : memref<624xf32, #tpu.memory_space<hbm>>) dst(%arg8 : memref<624xf32, #tpu.memory_space<vmem>>)
      tpu.yield
    }) : () -> ()
    "tpu.region"() ({
      %run_scoped3A_19 = tpu.sem_alloc : memref<!tpu.dma_semaphore, #tpu.memory_space<semaphore_mem>>
      %dma_start3A = tpu.memref_slice %arg9[%mul3A_2] : memref<10128xf32, #tpu.memory_space<vmem_shared>> -> memref<624xf32, #tpu.memory_space<vmem_shared>>
      %dma_start3A_20 = tpu.memref_slice %arg9[%mul3A_2] : memref<10128xf32, #tpu.memory_space<vmem_shared>> -> memref<624xf32, #tpu.memory_space<vmem_shared>>
      tpu.enqueue_dma source(%arg8 : memref<624xf32, #tpu.memory_space<vmem>>) target(%dma_start3A_20 : memref<624xf32, #tpu.memory_space<vmem_shared>>) target_semaphore(%run_scoped3A_19 : memref<!tpu.dma_semaphore, #tpu.memory_space<semaphore_mem>>)
      %dma_wait3A = tpu.memref_slice %arg9[%mul3A_2] : memref<10128xf32, #tpu.memory_space<vmem_shared>> -> memref<624xf32, #tpu.memory_space<vmem_shared>>
      %dma_wait3A_21 = tpu.memref_slice %arg9[%mul3A_2] : memref<10128xf32, #tpu.memory_space<vmem_shared>> -> memref<624xf32, #tpu.memory_space<vmem_shared>>
      tpu.wait_dma2 semaphore(%run_scoped3A_19 : memref<!tpu.dma_semaphore, #tpu.memory_space<semaphore_mem>>) src(%arg8 : memref<624xf32, #tpu.memory_space<vmem>>) dst(%dma_wait3A_21 : memref<624xf32, #tpu.memory_space<vmem_shared>>)
      tpu.yield
    }) : () -> ()
    %eq3A = arith.constant 15 : i32
    %eq3A_3 = arith.cmpi eq, %arg1, %eq3A : i32
    %convert_element_type3A = arith.extui %eq3A_3 : i1 to i32
    %cond3A = arith.constant 0 : i32
    %cond3A_4 = arith.cmpi ne, %convert_element_type3A, %cond3A : i32
    scf.if %cond3A_4 {
      "tpu.region"() ({
        %run_scoped3A_19 = tpu.sem_alloc : memref<!tpu.dma_semaphore, #tpu.memory_space<semaphore_mem>>
        %dma_start3A = arith.constant 0 : i32
        %dma_start3A_20 = tpu.memref_slice %arg8[%dma_start3A] : memref<624xf32, #tpu.memory_space<vmem>> -> memref<144xf32, #tpu.memory_space<vmem>>
        %dma_start3A_21 = arith.constant 9984 : i32
        %dma_start3A_22 = tpu.memref_slice %arg9[%dma_start3A_21] : memref<10128xf32, #tpu.memory_space<vmem_shared>> -> memref<144xf32, #tpu.memory_space<vmem_shared>>
        %dma_start3A_23 = arith.constant 9984 : i32
        %dma_start3A_24 = tpu.memref_slice %arg9[%dma_start3A_23] : memref<10128xf32, #tpu.memory_space<vmem_shared>> -> memref<144xf32, #tpu.memory_space<vmem_shared>>
        %dma_start3A_25 = arith.constant 0 : i32
        %dma_start3A_26 = tpu.memref_slice %arg8[%dma_start3A_25] : memref<624xf32, #tpu.memory_space<vmem>> -> memref<144xf32, #tpu.memory_space<vmem>>
        tpu.enqueue_dma source(%dma_start3A_26 : memref<144xf32, #tpu.memory_space<vmem>>) target(%dma_start3A_24 : memref<144xf32, #tpu.memory_space<vmem_shared>>) target_semaphore(%run_scoped3A_19 : memref<!tpu.dma_semaphore, #tpu.memory_space<semaphore_mem>>)
        %dma_wait3A = arith.constant 0 : i32
        %dma_wait3A_27 = tpu.memref_slice %arg8[%dma_wait3A] : memref<624xf32, #tpu.memory_space<vmem>> -> memref<144xf32, #tpu.memory_space<vmem>>
        %dma_wait3A_28 = arith.constant 9984 : i32
        %dma_wait3A_29 = tpu.memref_slice %arg9[%dma_wait3A_28] : memref<10128xf32, #tpu.memory_space<vmem_shared>> -> memref<144xf32, #tpu.memory_space<vmem_shared>>
        %dma_wait3A_30 = arith.constant 9984 : i32
        %dma_wait3A_31 = tpu.memref_slice %arg9[%dma_wait3A_30] : memref<10128xf32, #tpu.memory_space<vmem_shared>> -> memref<144xf32, #tpu.memory_space<vmem_shared>>
        %dma_wait3A_32 = arith.constant 0 : i32
        %dma_wait3A_33 = tpu.memref_slice %arg8[%dma_wait3A_32] : memref<624xf32, #tpu.memory_space<vmem>> -> memref<144xf32, #tpu.memory_space<vmem>>
        tpu.wait_dma2 semaphore(%run_scoped3A_19 : memref<!tpu.dma_semaphore, #tpu.memory_space<semaphore_mem>>) src(%dma_wait3A_33 : memref<144xf32, #tpu.memory_space<vmem>>) dst(%dma_wait3A_31 : memref<144xf32, #tpu.memory_space<vmem_shared>>)
        tpu.yield
      }) : () -> ()
    } else {
    }
    "tpu.region"() ({
      %run_scoped3A_19 = tpu.sem_alloc : memref<!tpu.dma_semaphore, #tpu.memory_space<semaphore_mem>>
      tpu.enqueue_dma source(%arg3 : memref<128xf32, #tpu.memory_space<hbm>>) target(%arg7 : memref<128xf32, #tpu.memory_space<vmem>>) target_semaphore(%run_scoped3A_19 : memref<!tpu.dma_semaphore, #tpu.memory_space<semaphore_mem>>)
      tpu.wait_dma2 semaphore(%run_scoped3A_19 : memref<!tpu.dma_semaphore, #tpu.memory_space<semaphore_mem>>) src(%arg3 : memref<128xf32, #tpu.memory_space<hbm>>) dst(%arg7 : memref<128xf32, #tpu.memory_space<vmem>>)
      tpu.yield
    }) : () -> ()
    %run_scoped3A = arith.constant 1 : i32
    "tpu.region"() ({
      %run_scoped3A_19 = tpu.sem_alloc : memref<!tpu.dma_semaphore, #tpu.memory_space<semaphore_mem>>
      %dma_start3A = arith.constant 0 : i32
      %dma_start3A_20 = arith.constant 0 : i32
      %dma_start3A_21 = tpu.memref_slice %arg2[%run_scoped3A, %add3A, %dma_start3A, %dma_start3A_20] : memref<2x32x80x128xi32, #tpu.memory_space<hbm>> -> memref<1x1x80x128xi32, #tpu.memory_space<hbm>>
      %dma_start3A_22 = tpu.memref_squeeze %dma_start3A_21 : memref<1x1x80x128xi32, #tpu.memory_space<hbm>> -> memref<80x128xi32, #tpu.memory_space<hbm>>
      %dma_start3A_23 = arith.constant 0 : i32
      %dma_start3A_24 = arith.constant 0 : i32
      %dma_start3A_25 = tpu.memref_slice %arg2[%run_scoped3A, %add3A, %dma_start3A_23, %dma_start3A_24] : memref<2x32x80x128xi32, #tpu.memory_space<hbm>> -> memref<1x1x80x128xi32, #tpu.memory_space<hbm>>
      %dma_start3A_26 = tpu.memref_squeeze %dma_start3A_25 : memref<1x1x80x128xi32, #tpu.memory_space<hbm>> -> memref<80x128xi32, #tpu.memory_space<hbm>>
      tpu.enqueue_dma source(%dma_start3A_26 : memref<80x128xi32, #tpu.memory_space<hbm>>) target(%arg6 : memref<80x128xi32, #tpu.memory_space<vmem>>) target_semaphore(%run_scoped3A_19 : memref<!tpu.dma_semaphore, #tpu.memory_space<semaphore_mem>>)
      %dma_wait3A = arith.constant 0 : i32
      %dma_wait3A_27 = arith.constant 0 : i32
      %dma_wait3A_28 = tpu.memref_slice %arg2[%run_scoped3A, %add3A, %dma_wait3A, %dma_wait3A_27] : memref<2x32x80x128xi32, #tpu.memory_space<hbm>> -> memref<1x1x80x128xi32, #tpu.memory_space<hbm>>
      %dma_wait3A_29 = tpu.memref_squeeze %dma_wait3A_28 : memref<1x1x80x128xi32, #tpu.memory_space<hbm>> -> memref<80x128xi32, #tpu.memory_space<hbm>>
      %dma_wait3A_30 = arith.constant 0 : i32
      %dma_wait3A_31 = arith.constant 0 : i32
      %dma_wait3A_32 = tpu.memref_slice %arg2[%run_scoped3A, %add3A, %dma_wait3A_30, %dma_wait3A_31] : memref<2x32x80x128xi32, #tpu.memory_space<hbm>> -> memref<1x1x80x128xi32, #tpu.memory_space<hbm>>
      %dma_wait3A_33 = tpu.memref_squeeze %dma_wait3A_32 : memref<1x1x80x128xi32, #tpu.memory_space<hbm>> -> memref<80x128xi32, #tpu.memory_space<hbm>>
      tpu.wait_dma2 semaphore(%run_scoped3A_19 : memref<!tpu.dma_semaphore, #tpu.memory_space<semaphore_mem>>) src(%dma_wait3A_33 : memref<80x128xi32, #tpu.memory_space<hbm>>) dst(%arg6 : memref<80x128xi32, #tpu.memory_space<vmem>>)
      tpu.yield
    }) : () -> ()
    %barrier3A = arith.constant 0 : index
    tpu.barrier barrier_id(%barrier3A)
    %scan3A = arith.constant 0 : i32
    %scan3A_5 = arith.constant 0 : i32
    %scan3A_6 = arith.constant 80 : i32
    %scan3A_7 = arith.addi %scan3A_5, %scan3A_6 : i32
    %scan3A_8 = arith.constant 1 : i32
    scf.for %scan3A_19 = %scan3A_5 to %scan3A_7 step %scan3A_8  : i32 {
      "tpu.region"() ({
        %run_scoped3A_20 = tpu.sem_alloc : memref<!tpu.dma_semaphore, #tpu.memory_space<semaphore_mem>>
        %dma_start3A = arith.constant 0 : i32
        %dma_start3A_21 = tpu.memref_slice %arg6[%scan3A_19, %dma_start3A] : memref<80x128xi32, #tpu.memory_space<vmem>> -> memref<1x128xi32, #tpu.memory_space<vmem>>
        %dma_start3A_22 = tpu.memref_squeeze %dma_start3A_21 : memref<1x128xi32, #tpu.memory_space<vmem>> -> memref<128xi32, #tpu.memory_space<vmem>>
        %dma_start3A_23 = arith.constant 0 : i32
        %dma_start3A_24 = tpu.memref_slice %arg9[%dma_start3A_23] : memref<10128xf32, #tpu.memory_space<vmem_shared>> -> memref<10128xf32, #tpu.memory_space<vmem_shared>>
        tpu.enqueue_indirect_dma source(%arg7 : memref<128xf32, #tpu.memory_space<vmem>>) target(%dma_start3A_24 : memref<10128xf32, #tpu.memory_space<vmem_shared>>) offsets(%dma_start3A_22 : memref<128xi32, #tpu.memory_space<vmem>>) semaphore(%run_scoped3A_20 : memref<!tpu.dma_semaphore, #tpu.memory_space<semaphore_mem>>) {add = true}
        %dma_wait3A = arith.constant 0 : i32
        %dma_wait3A_25 = tpu.memref_slice %arg6[%scan3A_19, %dma_wait3A] : memref<80x128xi32, #tpu.memory_space<vmem>> -> memref<1x128xi32, #tpu.memory_space<vmem>>
        %dma_wait3A_26 = tpu.memref_squeeze %dma_wait3A_25 : memref<1x128xi32, #tpu.memory_space<vmem>> -> memref<128xi32, #tpu.memory_space<vmem>>
        %dma_wait3A_27 = arith.constant 0 : i32
        %dma_wait3A_28 = tpu.memref_slice %arg9[%dma_wait3A_27] : memref<10128xf32, #tpu.memory_space<vmem_shared>> -> memref<10128xf32, #tpu.memory_space<vmem_shared>>
        tpu.wait_indirect_dma semaphore(%run_scoped3A_20 : memref<!tpu.dma_semaphore, #tpu.memory_space<semaphore_mem>>) src(%arg7 : memref<128xf32, #tpu.memory_space<vmem>>) dst(%dma_wait3A_28 : memref<10128xf32, #tpu.memory_space<vmem_shared>>)
        tpu.yield
      }) : () -> ()
    }
    %scan3A_9 = arith.constant 80 : i32
    %barrier3A_10 = arith.constant 0 : index
    tpu.barrier barrier_id(%barrier3A_10)
    %mul3A_11 = arith.constant 10000 : i32
    %mul3A_12 = arith.muli %arg0, %mul3A_11 : i32
    %add3A_13 = arith.addi %mul3A_12, %mul3A_2 : i32
    "tpu.region"() ({
      %run_scoped3A_19 = tpu.sem_alloc : memref<!tpu.dma_semaphore, #tpu.memory_space<semaphore_mem>>
      %dma_start3A = tpu.memref_slice %arg9[%mul3A_2] : memref<10128xf32, #tpu.memory_space<vmem_shared>> -> memref<624xf32, #tpu.memory_space<vmem_shared>>
      %dma_start3A_20 = tpu.memref_slice %arg9[%mul3A_2] : memref<10128xf32, #tpu.memory_space<vmem_shared>> -> memref<624xf32, #tpu.memory_space<vmem_shared>>
      tpu.enqueue_dma source(%dma_start3A_20 : memref<624xf32, #tpu.memory_space<vmem_shared>>) target(%arg8 : memref<624xf32, #tpu.memory_space<vmem>>) target_semaphore(%run_scoped3A_19 : memref<!tpu.dma_semaphore, #tpu.memory_space<semaphore_mem>>)
      %dma_wait3A = tpu.memref_slice %arg9[%mul3A_2] : memref<10128xf32, #tpu.memory_space<vmem_shared>> -> memref<624xf32, #tpu.memory_space<vmem_shared>>
      %dma_wait3A_21 = tpu.memref_slice %arg9[%mul3A_2] : memref<10128xf32, #tpu.memory_space<vmem_shared>> -> memref<624xf32, #tpu.memory_space<vmem_shared>>
      tpu.wait_dma2 semaphore(%run_scoped3A_19 : memref<!tpu.dma_semaphore, #tpu.memory_space<semaphore_mem>>) src(%dma_wait3A_21 : memref<624xf32, #tpu.memory_space<vmem_shared>>) dst(%arg8 : memref<624xf32, #tpu.memory_space<vmem>>)
      tpu.yield
    }) : () -> ()
    "tpu.region"() ({
      %run_scoped3A_19 = tpu.sem_alloc : memref<!tpu.dma_semaphore, #tpu.memory_space<semaphore_mem>>
      %dma_start3A = tpu.memref_slice %arg5[%add3A_13] : memref<20000xf32, #tpu.memory_space<hbm>> -> memref<624xf32, #tpu.memory_space<hbm>>
      %dma_start3A_20 = tpu.memref_slice %arg5[%add3A_13] : memref<20000xf32, #tpu.memory_space<hbm>> -> memref<624xf32, #tpu.memory_space<hbm>>
      tpu.enqueue_dma source(%arg8 : memref<624xf32, #tpu.memory_space<vmem>>) target(%dma_start3A_20 : memref<624xf32, #tpu.memory_space<hbm>>) target_semaphore(%run_scoped3A_19 : memref<!tpu.dma_semaphore, #tpu.memory_space<semaphore_mem>>)
      %dma_wait3A = tpu.memref_slice %arg5[%add3A_13] : memref<20000xf32, #tpu.memory_space<hbm>> -> memref<624xf32, #tpu.memory_space<hbm>>
      %dma_wait3A_21 = tpu.memref_slice %arg5[%add3A_13] : memref<20000xf32, #tpu.memory_space<hbm>> -> memref<624xf32, #tpu.memory_space<hbm>>
      tpu.wait_dma2 semaphore(%run_scoped3A_19 : memref<!tpu.dma_semaphore, #tpu.memory_space<semaphore_mem>>) src(%arg8 : memref<624xf32, #tpu.memory_space<vmem>>) dst(%dma_wait3A_21 : memref<624xf32, #tpu.memory_space<hbm>>)
      tpu.yield
    }) : () -> ()
    %eq3A_14 = arith.constant 15 : i32
    %eq3A_15 = arith.cmpi eq, %arg1, %eq3A_14 : i32
    %convert_element_type3A_16 = arith.extui %eq3A_15 : i1 to i32
    %cond3A_17 = arith.constant 0 : i32
    %cond3A_18 = arith.cmpi ne, %convert_element_type3A_16, %cond3A_17 : i32
    scf.if %cond3A_18 {
      "tpu.region"() ({
        %run_scoped3A_23 = tpu.sem_alloc : memref<!tpu.dma_semaphore, #tpu.memory_space<semaphore_mem>>
        %dma_start3A = arith.constant 0 : i32
        %dma_start3A_24 = tpu.memref_slice %arg8[%dma_start3A] : memref<624xf32, #tpu.memory_space<vmem>> -> memref<16xf32, #tpu.memory_space<vmem>>
        %dma_start3A_25 = arith.constant 9984 : i32
        %dma_start3A_26 = tpu.memref_slice %arg9[%dma_start3A_25] : memref<10128xf32, #tpu.memory_space<vmem_shared>> -> memref<16xf32, #tpu.memory_space<vmem_shared>>
        %dma_start3A_27 = arith.constant 0 : i32
        %dma_start3A_28 = tpu.memref_slice %arg8[%dma_start3A_27] : memref<624xf32, #tpu.memory_space<vmem>> -> memref<16xf32, #tpu.memory_space<vmem>>
        %dma_start3A_29 = arith.constant 9984 : i32
        %dma_start3A_30 = tpu.memref_slice %arg9[%dma_start3A_29] : memref<10128xf32, #tpu.memory_space<vmem_shared>> -> memref<16xf32, #tpu.memory_space<vmem_shared>>
        tpu.enqueue_dma source(%dma_start3A_30 : memref<16xf32, #tpu.memory_space<vmem_shared>>) target(%dma_start3A_28 : memref<16xf32, #tpu.memory_space<vmem>>) target_semaphore(%run_scoped3A_23 : memref<!tpu.dma_semaphore, #tpu.memory_space<semaphore_mem>>)
        %dma_wait3A = arith.constant 0 : i32
        %dma_wait3A_31 = tpu.memref_slice %arg8[%dma_wait3A] : memref<624xf32, #tpu.memory_space<vmem>> -> memref<16xf32, #tpu.memory_space<vmem>>
        %dma_wait3A_32 = arith.constant 9984 : i32
        %dma_wait3A_33 = tpu.memref_slice %arg9[%dma_wait3A_32] : memref<10128xf32, #tpu.memory_space<vmem_shared>> -> memref<16xf32, #tpu.memory_space<vmem_shared>>
        %dma_wait3A_34 = arith.constant 0 : i32
        %dma_wait3A_35 = tpu.memref_slice %arg8[%dma_wait3A_34] : memref<624xf32, #tpu.memory_space<vmem>> -> memref<16xf32, #tpu.memory_space<vmem>>
        %dma_wait3A_36 = arith.constant 9984 : i32
        %dma_wait3A_37 = tpu.memref_slice %arg9[%dma_wait3A_36] : memref<10128xf32, #tpu.memory_space<vmem_shared>> -> memref<16xf32, #tpu.memory_space<vmem_shared>>
        tpu.wait_dma2 semaphore(%run_scoped3A_23 : memref<!tpu.dma_semaphore, #tpu.memory_space<semaphore_mem>>) src(%dma_wait3A_37 : memref<16xf32, #tpu.memory_space<vmem_shared>>) dst(%dma_wait3A_35 : memref<16xf32, #tpu.memory_space<vmem>>)
        tpu.yield
      }) : () -> ()
      %mul3A_19 = arith.constant 10000 : i32
      %mul3A_20 = arith.muli %arg0, %mul3A_19 : i32
      %add3A_21 = arith.constant 9984 : i32
      %add3A_22 = arith.addi %mul3A_20, %add3A_21 : i32
      "tpu.region"() ({
        %run_scoped3A_23 = tpu.sem_alloc : memref<!tpu.dma_semaphore, #tpu.memory_space<semaphore_mem>>
        %dma_start3A = arith.constant 0 : i32
        %dma_start3A_24 = tpu.memref_slice %arg8[%dma_start3A] : memref<624xf32, #tpu.memory_space<vmem>> -> memref<16xf32, #tpu.memory_space<vmem>>
        %dma_start3A_25 = tpu.memref_slice %arg5[%add3A_22] : memref<20000xf32, #tpu.memory_space<hbm>> -> memref<16xf32, #tpu.memory_space<hbm>>
        %dma_start3A_26 = tpu.memref_slice %arg5[%add3A_22] : memref<20000xf32, #tpu.memory_space<hbm>> -> memref<16xf32, #tpu.memory_space<hbm>>
        %dma_start3A_27 = arith.constant 0 : i32
        %dma_start3A_28 = tpu.memref_slice %arg8[%dma_start3A_27] : memref<624xf32, #tpu.memory_space<vmem>> -> memref<16xf32, #tpu.memory_space<vmem>>
        tpu.enqueue_dma source(%dma_start3A_28 : memref<16xf32, #tpu.memory_space<vmem>>) target(%dma_start3A_26 : memref<16xf32, #tpu.memory_space<hbm>>) target_semaphore(%run_scoped3A_23 : memref<!tpu.dma_semaphore, #tpu.memory_space<semaphore_mem>>)
        %dma_wait3A = arith.constant 0 : i32
        %dma_wait3A_29 = tpu.memref_slice %arg8[%dma_wait3A] : memref<624xf32, #tpu.memory_space<vmem>> -> memref<16xf32, #tpu.memory_space<vmem>>
        %dma_wait3A_30 = tpu.memref_slice %arg5[%add3A_22] : memref<20000xf32, #tpu.memory_space<hbm>> -> memref<16xf32, #tpu.memory_space<hbm>>
        %dma_wait3A_31 = tpu.memref_slice %arg5[%add3A_22] : memref<20000xf32, #tpu.memory_space<hbm>> -> memref<16xf32, #tpu.memory_space<hbm>>
        %dma_wait3A_32 = arith.constant 0 : i32
        %dma_wait3A_33 = tpu.memref_slice %arg8[%dma_wait3A_32] : memref<624xf32, #tpu.memory_space<vmem>> -> memref<16xf32, #tpu.memory_space<vmem>>
        tpu.wait_dma2 semaphore(%run_scoped3A_23 : memref<!tpu.dma_semaphore, #tpu.memory_space<semaphore_mem>>) src(%dma_wait3A_33 : memref<16xf32, #tpu.memory_space<vmem>>) dst(%dma_wait3A_31 : memref<16xf32, #tpu.memory_space<hbm>>)
        tpu.yield
      }) : () -> ()
    } else {
    }
    return
  }
}

module attributes {stable_mosaic.version = 14 : i64} {
  func.func @_tc_mm_body(%arg0: i32, %arg1: memref<5000x128xf32, #tpu.memory_space<vmem>>, %arg2: memref<128x128xf32, #tpu.memory_space<vmem>>, %arg3: memref<5000x128xf32, #tpu.memory_space<vmem>>) attributes {dimension_semantics = [#tpu.dimension_semantics<arbitrary>], iteration_bounds = array<i64: 2>, scalar_prefetch = 0 : i64, scratch_operands = 0 : i64, tpu.core_type = #tpu.core_type<tc>, window_params = [{transform_indices = @transform_0, window_bounds = array<i64: 5000, 128>}, {pipeline_mode = #tpu.pipeline_mode<synchronous>, transform_indices = @transform_1, window_bounds = array<i64: 128, 128>}, {transform_indices = @transform_2, window_bounds = array<i64: 5000, 128>}]} {
    %get3A = arith.constant 0 : index
    %get3A_0 = arith.constant 0 : index
    %get3A_1 = vector.load %arg1[%get3A, %get3A_0] : memref<5000x128xf32, #tpu.memory_space<vmem>>, vector<5000x128xf32>
    %get3A_2 = arith.constant 0 : index
    %get3A_3 = arith.constant 0 : index
    %get3A_4 = vector.load %arg2[%get3A_2, %get3A_3] : memref<128x128xf32, #tpu.memory_space<vmem>>, vector<128x128xf32>
    %dot_general3A = arith.constant dense<0.000000e+00> : vector<5000x128xf32>
    %dot_general3A_5 = tpu.matmul %get3A_1, %get3A_4, %dot_general3A {dimension_numbers = #tpu.dot_dimension_numbers<[1], [0], [0], [1], [0, 0, 1, 1], [], []>, transpose_lhs_hint = false} : vector<5000x128xf32>, vector<128x128xf32>, vector<5000x128xf32> -> vector<5000x128xf32>
    %swap3A = arith.constant 0 : index
    %swap3A_6 = arith.constant 0 : index
    %swap3A_7 = vector.load %arg3[%swap3A, %swap3A_6] : memref<5000x128xf32, #tpu.memory_space<vmem>>, vector<5000x128xf32>
    tpu.vector_store %arg3[%swap3A, %swap3A_6], %dot_general3A_5 {strides = array<i32>} : memref<5000x128xf32, #tpu.memory_space<vmem>>, vector<5000x128xf32>,
    return
  }
  func.func @transform_0(%arg0: i32) -> (i32, i32) {
    %c0_i32 = arith.constant 0 : i32
    %c0_i32_0 = arith.constant 0 : i32
    return %arg0, %c0_i32 : i32, i32
  }
  func.func @transform_1(%arg0: i32) -> (i32, i32) {
    %c0_i32 = arith.constant 0 : i32
    %c0_i32_0 = arith.constant 0 : i32
    %c0_i32_1 = arith.constant 0 : i32
    return %c0_i32, %c0_i32_0 : i32, i32
  }
  func.func @transform_2(%arg0: i32) -> (i32, i32) {
    %c0_i32 = arith.constant 0 : i32
    %c0_i32_0 = arith.constant 0 : i32
    return %arg0, %c0_i32 : i32, i32
  }
}

module attributes {stable_mosaic.version = 14 : i64} {
  func.func @_tc_scale_body(%arg0: i32, %arg1: memref<5000x128xf32, #tpu.memory_space<vmem>>, %arg2: memref<5000x1xf32, #tpu.memory_space<vmem>>, %arg3: memref<5000x128xf32, #tpu.memory_space<vmem>>) attributes {dimension_semantics = [#tpu.dimension_semantics<arbitrary>], iteration_bounds = array<i64: 2>, scalar_prefetch = 0 : i64, scratch_operands = 0 : i64, tpu.core_type = #tpu.core_type<tc>, window_params = [{transform_indices = @transform_0, window_bounds = array<i64: 5000, 128>}, {transform_indices = @transform_1, window_bounds = array<i64: 5000, 1>}, {transform_indices = @transform_2, window_bounds = array<i64: 5000, 128>}]} {
    %get3A = arith.constant 0 : index
    %get3A_0 = arith.constant 0 : index
    %get3A_1 = vector.load %arg1[%get3A, %get3A_0] : memref<5000x128xf32, #tpu.memory_space<vmem>>, vector<5000x128xf32>
    %get3A_2 = arith.constant 0 : index
    %get3A_3 = arith.constant 0 : index
    %get3A_4 = vector.load %arg2[%get3A_2, %get3A_3] : memref<5000x1xf32, #tpu.memory_space<vmem>>, vector<5000x1xf32>
    %add3A = arith.constant 1.000000e+00 : f32
    %add3A_5 = vector.broadcast %add3A : f32 to vector<5000x1xf32>
    %add3A_6 = arith.addf %get3A_4, %add3A_5 : vector<5000x1xf32>
    %rsqrt3A = math.rsqrt %add3A_6 : vector<5000x1xf32>
    %mul3A = vector.broadcast %rsqrt3A : vector<5000x1xf32> to vector<5000x128xf32>
    %mul3A_7 = arith.mulf %get3A_1, %mul3A : vector<5000x128xf32>
    %swap3A = arith.constant 0 : index
    %swap3A_8 = arith.constant 0 : index
    %swap3A_9 = vector.load %arg3[%swap3A, %swap3A_8] : memref<5000x128xf32, #tpu.memory_space<vmem>>, vector<5000x128xf32>
    tpu.vector_store %arg3[%swap3A, %swap3A_8], %mul3A_7 {strides = array<i32>} : memref<5000x128xf32, #tpu.memory_space<vmem>>, vector<5000x128xf32>,
    return
  }
  func.func @transform_0(%arg0: i32) -> (i32, i32) {
    %c0_i32 = arith.constant 0 : i32
    %c0_i32_0 = arith.constant 0 : i32
    return %arg0, %c0_i32 : i32, i32
  }
  func.func @transform_1(%arg0: i32) -> (i32, i32) {
    %c0_i32 = arith.constant 0 : i32
    %c0_i32_0 = arith.constant 0 : i32
    return %arg0, %c0_i32 : i32, i32
  }
  func.func @transform_2(%arg0: i32) -> (i32, i32) {
    %c0_i32 = arith.constant 0 : i32
    %c0_i32_0 = arith.constant 0 : i32
    return %arg0, %c0_i32 : i32, i32
  }
}

module attributes {stable_mosaic.version = 14 : i64} {
  func.func @_tc_mid_body(%arg0: i32, %arg1: memref<1x5000x128xf32, #tpu.memory_space<vmem>>, %arg2: memref<1x5000x128xf32, #tpu.memory_space<vmem>>, %arg3: memref<5000x128xf32, #tpu.memory_space<vmem>>, %arg4: memref<5000x1xf32, #tpu.memory_space<vmem>>, %arg5: memref<1x128xf32, #tpu.memory_space<vmem>>, %arg6: memref<128x128xf32, #tpu.memory_space<vmem>>, %arg7: memref<5000x128xf32, #tpu.memory_space<vmem>>) attributes {dimension_semantics = [#tpu.dimension_semantics<arbitrary>], iteration_bounds = array<i64: 2>, scalar_prefetch = 0 : i64, scratch_operands = 0 : i64, tpu.core_type = #tpu.core_type<tc>, window_params = [{transform_indices = @transform_0, window_bounds = array<i64: 1, 5000, 128>}, {transform_indices = @transform_1, window_bounds = array<i64: 1, 5000, 128>}, {transform_indices = @transform_2, window_bounds = array<i64: 5000, 128>}, {transform_indices = @transform_3, window_bounds = array<i64: 5000, 1>}, {pipeline_mode = #tpu.pipeline_mode<synchronous>, transform_indices = @transform_4, window_bounds = array<i64: 1, 128>}, {pipeline_mode = #tpu.pipeline_mode<synchronous>, transform_indices = @transform_5, window_bounds = array<i64: 128, 128>}, {transform_indices = @transform_6, window_bounds = array<i64: 5000, 128>}]} {
    %get3A = arith.constant 0 : index
    %get3A_0 = arith.constant 0 : index
    %get3A_1 = vector.load %arg4[%get3A, %get3A_0] : memref<5000x1xf32, #tpu.memory_space<vmem>>, vector<5000x1xf32>
    %add3A = arith.constant 1.000000e+00 : f32
    %add3A_2 = vector.broadcast %add3A : f32 to vector<5000x1xf32>
    %add3A_3 = arith.addf %get3A_1, %add3A_2 : vector<5000x1xf32>
    %rsqrt3A = math.rsqrt %add3A_3 : vector<5000x1xf32>
    %get3A_4 = arith.constant 0 : index
    %get3A_5 = arith.constant 0 : index
    %get3A_6 = arith.constant 0 : index
    %get3A_7 = vector.load %arg1[%get3A_4, %get3A_5, %get3A_6] : memref<1x5000x128xf32, #tpu.memory_space<vmem>>, vector<1x5000x128xf32>
    %get3A_8 = vector.shape_cast %get3A_7 : vector<1x5000x128xf32> to vector<5000x128xf32>
    %get3A_9 = arith.constant 0 : index
    %get3A_10 = arith.constant 0 : index
    %get3A_11 = arith.constant 0 : index
    %get3A_12 = vector.load %arg2[%get3A_9, %get3A_10, %get3A_11] : memref<1x5000x128xf32, #tpu.memory_space<vmem>>, vector<1x5000x128xf32>
    %get3A_13 = vector.shape_cast %get3A_12 : vector<1x5000x128xf32> to vector<5000x128xf32>
    %add3A_14 = arith.addf %get3A_8, %get3A_13 : vector<5000x128xf32>
    %get3A_15 = arith.constant 0 : index
    %get3A_16 = arith.constant 0 : index
    %get3A_17 = vector.load %arg3[%get3A_15, %get3A_16] : memref<5000x128xf32, #tpu.memory_space<vmem>>, vector<5000x128xf32>
    %add3A_18 = arith.addf %add3A_14, %get3A_17 : vector<5000x128xf32>
    %mul3A = vector.broadcast %rsqrt3A : vector<5000x1xf32> to vector<5000x128xf32>
    %mul3A_19 = arith.mulf %mul3A, %add3A_18 : vector<5000x128xf32>
    %get3A_20 = arith.constant 0 : index
    %get3A_21 = arith.constant 0 : index
    %get3A_22 = vector.load %arg5[%get3A_20, %get3A_21] : memref<1x128xf32, #tpu.memory_space<vmem>>, vector<1x128xf32>
    %add3A_23 = vector.broadcast %get3A_22 : vector<1x128xf32> to vector<5000x128xf32>
    %add3A_24 = arith.addf %mul3A_19, %add3A_23 : vector<5000x128xf32>
    %ge3A = arith.constant 0.000000e+00 : f32
    %ge3A_25 = vector.broadcast %ge3A : f32 to vector<5000x128xf32>
    %ge3A_26 = arith.cmpf oge, %add3A_24, %ge3A_25 : vector<5000x128xf32>
    %mul3A_27 = arith.constant 0.00999999977 : f32
    %mul3A_28 = vector.broadcast %mul3A_27 : f32 to vector<5000x128xf32>
    %mul3A_29 = arith.mulf %mul3A_28, %add3A_24 : vector<5000x128xf32>
    %select_n3A = arith.select %ge3A_26, %add3A_24, %mul3A_29 : vector<5000x128xi1>, vector<5000x128xf32>
    %get3A_30 = arith.constant 0 : index
    %get3A_31 = arith.constant 0 : index
    %get3A_32 = vector.load %arg6[%get3A_30, %get3A_31] : memref<128x128xf32, #tpu.memory_space<vmem>>, vector<128x128xf32>
    %dot_general3A = arith.constant dense<0.000000e+00> : vector<5000x128xf32>
    %dot_general3A_33 = tpu.matmul %select_n3A, %get3A_32, %dot_general3A {dimension_numbers = #tpu.dot_dimension_numbers<[1], [0], [0], [1], [0, 0, 1, 1], [], []>, transpose_lhs_hint = false} : vector<5000x128xf32>, vector<128x128xf32>, vector<5000x128xf32> -> vector<5000x128xf32>
    %mul3A_34 = vector.broadcast %rsqrt3A : vector<5000x1xf32> to vector<5000x128xf32>
    %mul3A_35 = arith.mulf %dot_general3A_33, %mul3A_34 : vector<5000x128xf32>
    %swap3A = arith.constant 0 : index
    %swap3A_36 = arith.constant 0 : index
    %swap3A_37 = vector.load %arg7[%swap3A, %swap3A_36] : memref<5000x128xf32, #tpu.memory_space<vmem>>, vector<5000x128xf32>
    tpu.vector_store %arg7[%swap3A, %swap3A_36], %mul3A_35 {strides = array<i32>} : memref<5000x128xf32, #tpu.memory_space<vmem>>, vector<5000x128xf32>,
    return
  }
  func.func @transform_0(%arg0: i32) -> (i32, i32, i32) {
    %c0_i32 = arith.constant 0 : i32
    %c0_i32_0 = arith.constant 0 : i32
    %c0_i32_1 = arith.constant 0 : i32
    return %c0_i32, %arg0, %c0_i32_0 : i32, i32, i32
  }
  func.func @transform_1(%arg0: i32) -> (i32, i32, i32) {
    %c1_i32 = arith.constant 1 : i32
    %c0_i32 = arith.constant 0 : i32
    %c0_i32_0 = arith.constant 0 : i32
    return %c1_i32, %arg0, %c0_i32 : i32, i32, i32
  }
  func.func @transform_2(%arg0: i32) -> (i32, i32) {
    %c0_i32 = arith.constant 0 : i32
    %c0_i32_0 = arith.constant 0 : i32
    return %arg0, %c0_i32 : i32, i32
  }
  func.func @transform_3(%arg0: i32) -> (i32, i32) {
    %c0_i32 = arith.constant 0 : i32
    %c0_i32_0 = arith.constant 0 : i32
    return %arg0, %c0_i32 : i32, i32
  }
  func.func @transform_4(%arg0: i32) -> (i32, i32) {
    %c0_i32 = arith.constant 0 : i32
    %c0_i32_0 = arith.constant 0 : i32
    %c0_i32_1 = arith.constant 0 : i32
    return %c0_i32, %c0_i32_0 : i32, i32
  }
  func.func @transform_5(%arg0: i32) -> (i32, i32) {
    %c0_i32 = arith.constant 0 : i32
    %c0_i32_0 = arith.constant 0 : i32
    %c0_i32_1 = arith.constant 0 : i32
    return %c0_i32, %c0_i32_0 : i32, i32
  }
  func.func @transform_6(%arg0: i32) -> (i32, i32) {
    %c0_i32 = arith.constant 0 : i32
    %c0_i32_0 = arith.constant 0 : i32
    return %arg0, %c0_i32 : i32, i32
  }
}

module attributes {stable_mosaic.version = 14 : i64} {
  func.func @_tc_last_body(%arg0: i32, %arg1: memref<1x5000x128xf32, #tpu.memory_space<vmem>>, %arg2: memref<1x5000x128xf32, #tpu.memory_space<vmem>>, %arg3: memref<5000x128xf32, #tpu.memory_space<vmem>>, %arg4: memref<5000x1xf32, #tpu.memory_space<vmem>>, %arg5: memref<1x128xf32, #tpu.memory_space<vmem>>, %arg6: memref<5000x128xf32, #tpu.memory_space<vmem>>) attributes {dimension_semantics = [#tpu.dimension_semantics<arbitrary>], iteration_bounds = array<i64: 2>, scalar_prefetch = 0 : i64, scratch_operands = 0 : i64, tpu.core_type = #tpu.core_type<tc>, window_params = [{transform_indices = @transform_0, window_bounds = array<i64: 1, 5000, 128>}, {transform_indices = @transform_1, window_bounds = array<i64: 1, 5000, 128>}, {transform_indices = @transform_2, window_bounds = array<i64: 5000, 128>}, {transform_indices = @transform_3, window_bounds = array<i64: 5000, 1>}, {pipeline_mode = #tpu.pipeline_mode<synchronous>, transform_indices = @transform_4, window_bounds = array<i64: 1, 128>}, {transform_indices = @transform_5, window_bounds = array<i64: 5000, 128>}]} {
    %get3A = arith.constant 0 : index
    %get3A_0 = arith.constant 0 : index
    %get3A_1 = vector.load %arg4[%get3A, %get3A_0] : memref<5000x1xf32, #tpu.memory_space<vmem>>, vector<5000x1xf32>
    %add3A = arith.constant 1.000000e+00 : f32
    %add3A_2 = vector.broadcast %add3A : f32 to vector<5000x1xf32>
    %add3A_3 = arith.addf %get3A_1, %add3A_2 : vector<5000x1xf32>
    %rsqrt3A = math.rsqrt %add3A_3 : vector<5000x1xf32>
    %get3A_4 = arith.constant 0 : index
    %get3A_5 = arith.constant 0 : index
    %get3A_6 = arith.constant 0 : index
    %get3A_7 = vector.load %arg1[%get3A_4, %get3A_5, %get3A_6] : memref<1x5000x128xf32, #tpu.memory_space<vmem>>, vector<1x5000x128xf32>
    %get3A_8 = vector.shape_cast %get3A_7 : vector<1x5000x128xf32> to vector<5000x128xf32>
    %get3A_9 = arith.constant 0 : index
    %get3A_10 = arith.constant 0 : index
    %get3A_11 = arith.constant 0 : index
    %get3A_12 = vector.load %arg2[%get3A_9, %get3A_10, %get3A_11] : memref<1x5000x128xf32, #tpu.memory_space<vmem>>, vector<1x5000x128xf32>
    %get3A_13 = vector.shape_cast %get3A_12 : vector<1x5000x128xf32> to vector<5000x128xf32>
    %add3A_14 = arith.addf %get3A_8, %get3A_13 : vector<5000x128xf32>
    %get3A_15 = arith.constant 0 : index
    %get3A_16 = arith.constant 0 : index
    %get3A_17 = vector.load %arg3[%get3A_15, %get3A_16] : memref<5000x128xf32, #tpu.memory_space<vmem>>, vector<5000x128xf32>
    %add3A_18 = arith.addf %add3A_14, %get3A_17 : vector<5000x128xf32>
    %mul3A = vector.broadcast %rsqrt3A : vector<5000x1xf32> to vector<5000x128xf32>
    %mul3A_19 = arith.mulf %mul3A, %add3A_18 : vector<5000x128xf32>
    %get3A_20 = arith.constant 0 : index
    %get3A_21 = arith.constant 0 : index
    %get3A_22 = vector.load %arg5[%get3A_20, %get3A_21] : memref<1x128xf32, #tpu.memory_space<vmem>>, vector<1x128xf32>
    %add3A_23 = vector.broadcast %get3A_22 : vector<1x128xf32> to vector<5000x128xf32>
    %add3A_24 = arith.addf %mul3A_19, %add3A_23 : vector<5000x128xf32>
    %ge3A = arith.constant 0.000000e+00 : f32
    %ge3A_25 = vector.broadcast %ge3A : f32 to vector<5000x128xf32>
    %ge3A_26 = arith.cmpf oge, %add3A_24, %ge3A_25 : vector<5000x128xf32>
    %mul3A_27 = arith.constant 0.00999999977 : f32
    %mul3A_28 = vector.broadcast %mul3A_27 : f32 to vector<5000x128xf32>
    %mul3A_29 = arith.mulf %mul3A_28, %add3A_24 : vector<5000x128xf32>
    %select_n3A = arith.select %ge3A_26, %add3A_24, %mul3A_29 : vector<5000x128xi1>, vector<5000x128xf32>
    %swap3A = arith.constant 0 : index
    %swap3A_30 = arith.constant 0 : index
    %swap3A_31 = vector.load %arg6[%swap3A, %swap3A_30] : memref<5000x128xf32, #tpu.memory_space<vmem>>, vector<5000x128xf32>
    tpu.vector_store %arg6[%swap3A, %swap3A_30], %select_n3A {strides = array<i32>} : memref<5000x128xf32, #tpu.memory_space<vmem>>, vector<5000x128xf32>,
    return
  }
  func.func @transform_0(%arg0: i32) -> (i32, i32, i32) {
    %c0_i32 = arith.constant 0 : i32
    %c0_i32_0 = arith.constant 0 : i32
    %c0_i32_1 = arith.constant 0 : i32
    return %c0_i32, %arg0, %c0_i32_0 : i32, i32, i32
  }
  func.func @transform_1(%arg0: i32) -> (i32, i32, i32) {
    %c1_i32 = arith.constant 1 : i32
    %c0_i32 = arith.constant 0 : i32
    %c0_i32_0 = arith.constant 0 : i32
    return %c1_i32, %arg0, %c0_i32 : i32, i32, i32
  }
  func.func @transform_2(%arg0: i32) -> (i32, i32) {
    %c0_i32 = arith.constant 0 : i32
    %c0_i32_0 = arith.constant 0 : i32
    return %arg0, %c0_i32 : i32, i32
  }
  func.func @transform_3(%arg0: i32) -> (i32, i32) {
    %c0_i32 = arith.constant 0 : i32
    %c0_i32_0 = arith.constant 0 : i32
    return %arg0, %c0_i32 : i32, i32
  }
  func.func @transform_4(%arg0: i32) -> (i32, i32) {
    %c0_i32 = arith.constant 0 : i32
    %c0_i32_0 = arith.constant 0 : i32
    %c0_i32_1 = arith.constant 0 : i32
    return %c0_i32, %c0_i32_0 : i32, i32
  }
  func.func @transform_5(%arg0: i32) -> (i32, i32) {
    %c0_i32 = arith.constant 0 : i32
    %c0_i32_0 = arith.constant 0 : i32
    return %arg0, %c0_i32 : i32, i32
  }
}

</mosaic_0001>

<sc_bundles>
// kernel: kernel.12.cloned.1.call-start
scs
__scs_entry_jumppad:
0x0: {  	(pc) =	sbr.rel $0x88, $3  }
0x1: {  	(tag) =	ssettag $0x0;
	lr =	simm.s32 $0x1  }
0x2: {  	[smem:$0x3F9B] =	sst lr;
	_ =	strace $0xD0000000  }
0x3: {  	_ = 	snop  }
0x4: {  	_ = 	snop  }
0x5: {  	_ = 	snop  }
0x6: {  	_ = 	snop  }
0x7: {  	_ = 	snop  }
__scs_overlays_trampoline_lowered:
0x8: {  	[smem:$0x3FAA] =	sst s0  }
0x9: {  	[smem:$0x3FAB] =	sst s1  }
0xa: {  	[smem:$0x3FAC] =	sst s2  }
0xb: {  	[smem:$0x3FAD] =	sst s3  }
0xc: {  	[smem:$0x3FAE] =	sst s4  }
0xd: {  	[smem:$0x3FAF] =	sst s5  }
0xe: {  	[smem:$0x3FB0] =	sst s6  }
0xf: {  	[smem:$0x3FB1] =	sst s7  }
0x10: {  	[smem:$0x3FB2] =	sst s8  }
0x11: {  	[smem:$0x3FB3] =	sst s9;
	s0 =	simm.s32 @!p0 $0x0  }
0x12: {  	s1 =	sld [smem:$0x3F99];
	s0 =	simm.s32 @p0 $0x1  }
0x13: {  	[smem:$0x3FB4] =	sst s0;
	s0 =	simm.s32 @!p1 $0x0  }
0x14: {  	s2 =	sld [smem:$0x3F98];
	s0 =	simm.s32 @p1 $0x1  }
0x15: {  	[smem:$0x3FB5] =	sst s0;
	s0 =	simm.s32 @!p2 $0x0  }
0x16: {  	s3 =	sld [smem:$0x3FDB];
	s0 =	simm.s32 @p2 $0x1  }
0x17: {  	s4 =	simm.s32 $0x1BF5;
	[smem:$0x3FB7] =	sst s0  }
0x18: {  	s0 =	sld [smem:$0x3F9A];
	_ =	swait.ge [sflag:s4], $0x0  }
0x19: {  	s7 =	sld [smem:$0x3F9B]  }
0x1a: {  	s8 =	sadd.s32 $0xFFFFE003, lr  }
0x1b: {  	s9 =	sadd.s32 $0xFFFFFEF7, lr;
	s5 =	simm.s32 $0xFFFFFFFF;
	p2 =	slt.u32 s8, $0xFFFFF086  }
0x1c: {  	p1 =	slt.u32 s9, $0xF7A;
	s5 =	simm.s32 @!p2 $0x0  }
0x1d: {  	s5 =	simm.s32 @p1 $0x1;
	p0 =	seq.s32 s7, s2  }
0x1e: {  	s7 =	smul.u32 @!p0 $0xF7A, s2;
	p2 =	seq.s32 @!p0 s5, $0x0  }
0x1f: {  	s9 =	smul.u32 $0xF7A, s1;
	s8 =	simm.s32 @!p0 $0x1BF5;
	p2 =	por !p2, p0  }
0x20: {  	[sflag:s8] =	ssyncset.s32 @!p0 $0xFFFFF086;
	s6 =	sadd.s32 @!p0 s3, s7;
	s7 =	simm.s32 @!p0 $0x108  }
0x21: {  	s3 =	sadd.s32 s3, s9;
	s6 =	sadd.s32 @!p0 $0x88, s6;
	s7 =	simm.s32 @p2 $0x1082  }
0x22: {  	[simem:s7], [sflag:s8] =	dma.local @!p0 [hbm:s6], $0xF7A  }
0x23: {  	s9 =	sor.u32 $0xD0000000, s2;
	s6 =	simm.s32 $0x108;
	_ =	swait.ge @!p0 [sflag:s8], $0x0  }
0x24: {  	s3 =	sadd.s32 $0x88, s3;
	s6 =	simm.s32 @!p1 $0x1082;
	[sflag:s4] =	ssyncset.s32 $0xFFFFF086  }
0x25: {  	[simem:s6], [sflag:s4] =	dma.local [hbm:s3], $0xF7A  }
0x26: {  	[smem:$0x3F9B] =	sst s1;
	(tag) =	ssettag s2;
	_ =	strace s9  }
0x27: {  	s1 =	sld [smem:$0x3FAB]  }
0x28: {  	s2 =	sld [smem:$0x3FAC]  }
0x29: {  	s4 =	sld [smem:$0x3FAE]  }
0x2a: {  	p0 =	seq.s32 s5, $0x0;
	s5 =	sld [smem:$0x3FAF]  }
0x2b: {  	s6 =	sld [smem:$0x3FB0]  }
0x2c: {  	s7 =	sld [smem:$0x3FB1]  }
0x2d: {  	s3 =	simm.s32 $0x108;
	s8 =	sld [smem:$0x3FB2]  }
0x2e: {  	s3 =	simm.s32 @!p0 $0x1082;
	s9 =	sld [smem:$0x3FB3]  }
0x2f: {  	lr =	sadd.s32 s0, s3;
	s0 =	sld [smem:$0x3FAA]  }
0x30: {  	s3 =	sld [smem:$0x3FAD]  }
0x31: {  	[smem:$0x3FB6] =	sst s10  }
0x32: {  	s10 =	sld [smem:$0x3FB4];
	_ =	sdelay $0x3  }
0x33: {  	p0 =	seq.s32 s10, $0x1;
	s10 =	sld [smem:$0x3FB6];
	_ =	sdelay $0x3  }
0x34: {  	[smem:$0x3FB6] =	sst s10  }
0x35: {  	s10 =	sld [smem:$0x3FB5];
	_ =	sdelay $0x3  }
0x36: {  	p1 =	seq.s32 s10, $0x1;
	s10 =	sld [smem:$0x3FB6];
	_ =	sdelay $0x3  }
0x37: {  	[smem:$0x3FB6] =	sst s10  }
0x38: {  	s10 =	sld [smem:$0x3FB7]  }
0x39: {  	_ = 	snop;
	(pc) =	sbr.ind lr, $3  }
0x3a: {  	_ = 	snop  }
0x3b: {  	_ = 	snop  }
0x3c: {  	p2 =	seq.s32 s10, $0x1;
	s10 =	sld [smem:$0x3FB6]  }
0x3d: {  	_ =	shalt  }
0x3e: {  	_ =	shalt  }
0x3f: {  	_ =	shalt  }
0x40: {  	_ =	shalt  }
0x41: {  	_ =	shalt  }
0x42: {  	_ =	shalt  }
0x43: {  	_ =	shalt  }
0x44: {  	_ =	shalt  }
0x45: {  	_ =	shalt  }
0x46: {  	_ =	shalt  }
0x47: {  	_ =	shalt  }
0x48: {  	_ =	shalt  }
0x49: {  	_ =	shalt  }
0x4a: {  	_ =	shalt  }
0x4b: {  	_ =	shalt  }
0x4c: {  	_ =	shalt  }
0x4d: {  	_ =	shalt  }
0x4e: {  	_ =	shalt  }
0x4f: {  	_ =	shalt  }
0x50: {  	_ =	shalt  }
0x51: {  	_ =	shalt  }
0x52: {  	_ =	shalt  }
0x53: {  	_ =	shalt  }
0x54: {  	_ =	shalt  }
0x55: {  	_ =	shalt  }
0x56: {  	_ =	shalt  }
0x57: {  	_ =	shalt  }
0x58: {  	_ =	shalt  }
0x59: {  	_ =	shalt  }
0x5a: {  	_ =	shalt  }
0x5b: {  	_ =	shalt  }
0x5c: {  	_ =	shalt  }
0x5d: {  	_ =	shalt  }
0x5e: {  	_ =	shalt  }
0x5f: {  	_ =	shalt  }
0x60: {  	_ =	shalt  }
0x61: {  	_ =	shalt  }
0x62: {  	_ =	shalt  }
0x63: {  	_ =	shalt  }
0x64: {  	_ =	shalt  }
0x65: {  	_ =	shalt  }
0x66: {  	_ =	shalt  }
0x67: {  	_ =	shalt  }
0x68: {  	_ =	shalt  }
0x69: {  	_ =	shalt  }
0x6a: {  	_ =	shalt  }
0x6b: {  	_ =	shalt  }
0x6c: {  	_ =	shalt  }
0x6d: {  	_ =	shalt  }
0x6e: {  	_ =	shalt  }
0x6f: {  	_ =	shalt  }
0x70: {  	_ =	shalt  }
0x71: {  	_ =	shalt  }
0x72: {  	_ =	shalt  }
0x73: {  	_ =	shalt  }
0x74: {  	_ =	shalt  }
0x75: {  	_ =	shalt  }
0x76: {  	_ =	shalt  }
0x77: {  	_ =	shalt  }
0x78: {  	_ =	shalt  }
0x79: {  	_ =	shalt  }
0x7a: {  	_ =	shalt  }
0x7b: {  	_ =	shalt  }
0x7c: {  	_ =	shalt  }
0x7d: {  	_ =	shalt  }
0x7e: {  	_ =	shalt  }
0x7f: {  	_ =	shalt  }
0x80: {  	_ =	shalt  }
0x81: {  	_ =	shalt  }
0x82: {  	_ =	shalt  }
0x83: {  	_ =	shalt  }
0x84: {  	_ =	shalt  }
0x85: {  	_ =	shalt  }
0x86: {  	_ =	shalt  }
0x87: {  	_ =	shalt  }
.Lfunc_end0:
.L_simem_size_0:
called_computation.1_lowered:
.L_overlay_start_0:
0x88: {  	s2 =	sld [smem:$0x3FD9]  }
0x89: {  	s3 =	sld [smem:$0x3FFE];
	_ =	sdelay $0x1  }
0x8a: {  	s1 =	srdreg.scid  }
0x8b: {  	s0 =	sand.u32 $0x1, s1  }
0x8c: {  	s17 =	sshll.u32 s0, $0xA;
	s2 =	sadd.s32 s3, s2  }
0x8d: {  	s2 =	sadd.s32 s2, s17  }
0x8e: {  	[smem:$0x3FC2] =	sst s2  }
0x8f: {  	_ = 	snop  }
0x90: {  	s2 =	sld [smem:$0x3FD0];
	(tm) =	ssettm $0x1  }
0x91: {  	s18 =	sld [smem:$0x3FFB];
	_ =	sdelay $0x3  }
0x92: {  	_ =	strace s18  }
0x93: {  	s3 =	sld [smem:$0x3FFC];
	_ =	sdelay $0x3  }
0x94: {  	_ =	strace s3  }
0x95: {  	s3 =	sld [smem:$0x3FFD];
	_ =	sdelay $0x3  }
0x96: {  	_ =	strace s3  }
0x97: {  	_ =	strace $0x8FFFFFFF  }
0x98: {  	s19 =	sld [smem:$0x3FDB];
	_ =	sdelay $0x1  }
0x99: {  	s4 =	simm.s32 $_scs_section_size  }
0x9a: {  	s5 =	simm.s32 $_size__tile_overlayer_lowered;
	s6 =	simm.s32 $_tile_overlayer_lowered  }
0x9b: {  	s22 =	simm.s32 $0x1BFF;
	s21 =	sshll.u32 s6, $0x1;
	s3 =	sadd.s32 s4, s19  }
0x9c: {  	s7 =	simm.s32 $0x0;
	s20 =	sshll.u32 s5, $0x1;
	s5 =	sadd.s32 s21, s3  }
0x9d: {  	[timem:s7], [sflag:s22] =	dma.local [hbm:s5], s20  }
0x9e: {  	_ =	swait.ge [sflag:s22], s20  }
0x9f: {  	s4 =	ssub.s32 $0x0, s20;
	[sflag:s22] =	ssyncset.done $0x0  }
0xa0: {  	[sflag:s22] =	ssyncadd.s32 s4;
	_ =	sdelay $0x1  }
0xa1: {  	s23 =	simm.s32 $0x1B8B  }
0xa2: {  	_ =	swait.ge [sflag:s23], $0x1  }
0xa3: {  	[sflag:s23] =	ssyncset.done $0x0  }
0xa4: {  	s25 =	simm.s32 $0x1B8E;
	s24 =	sld [smem:$0x3FFE];
	[sflag:s23] =	ssyncadd.s32 $0xFFFFFFFF  }
0xa5: {  	s26 =	simm.s32 $execute0_lowered;
	[smem:$0x3FD2] =	sst s25  }
0xa6: {  	s5 =	sshll.u32 s26, $0x1;
	_ =	strace $0x80000049;
	[dreg:$0x1] =	wrdreg $0xFFFFFFFF  }
0xa7: {  	s28 =	simm.s32 $_size_execute0_lowered;
	s3 =	sadd.s32 s3, s5;
	[dreg:$0x0] =	wrdreg $0x0  }
0xa8: {  	s5 =	sshll.u32 s28, $0x1;
	[dreg:$0x2] =	wrdreg s3  }
0xa9: {  	[dreg:$0x3] =	wrdreg s5  }
0xaa: {  	[dreg:$0x4] =	wrdreg $0xC0  }
0xab: {  	_ =	task [dreg:s7], $0x5FFFF  }
0xac: {  	[dreg:$0x1] =	wrdreg $0xFFFFFFFF  }
0xad: {  	[dreg:$0x0] =	wrdreg $0x60  }
0xae: {  	[dreg:$0x2] =	wrdreg s2  }
0xaf: {  	[dreg:$0x3] =	wrdreg s24  }
0xb0: {  	[dreg:$0x4] =	wrdreg $0xB0000  }
0xb1: {  	[dreg:$0x5] =	wrdreg $0x9  }
0xb2: {  	_ =	task.clear_ibuf [dreg:s7], $0x6FFFF;
	_ =	strace $0x90000049  }
0xb3: {  	s29 =	simm.s32 $0x9;
	_ =	strace $0x8000004B  }
0xb4: {  	_ =	swait.ge [sflag:s29], $0x1  }
0xb5: {  	[sflag:s29] =	ssyncadd.s32 $0xFFFFFFFF  }
0xb6: {  	_ =	strace $0x9000004B  }
0xb7: {  	_ =	sfence  }
0xb8: {  	s30 =	sld [smem:$0x0];
	_ =	sdelay $0x2  }
0xb9: {  	s31 =	sshll.u32 s1, $0xD;
	s1 =	sshrl.u32 s1, $0x2  }
0xba: {  	s3 =	sand.u32 $0x4000, s31;
	s1 =	sadd.s32 s1, s30  }
0xbb: {  	s0 =	sor.u32 s3, s0;
	s1 =	sshll.u32 s1, $0x11  }
0xbc: {  	s0 =	sor.u32 s1, s0  }
0xbd: {  	s0 =	sadd.s32 $0x8F2B, s0  }
0xbe: {  	[sflag:s0] =	ssyncadd.remote.s32 $0x1  }
0xbf: {  	_ =	sfence.sel $0xFFFF  }
0xc0: {  	[dreg:$0x0] =	wrdreg $0xFFFFFFFF;
	(pc) =	sbr.abs _section_cstart, $3  }
0xc1: {  	[dreg:$0x1] =	wrdreg $0xFFFFFFFF  }
0xc2: {  	_ =	task.clear_ibuf [dreg:s7], $0x2FFFF;
	_ =	strace $0x9FFFFFFF  }
0xc3: {  	(tm) =	ssettm $0x7FFFFFFF  }
tec
execute0_lowered:
.L_overlay_start_1:
0x0: {  	(tag) =	ssettag $0x1  }
0x1: {  	s1 =	rddreg [dreg:$0x0]  }
0x2: {  	s0 =	rddreg [dreg:$0x1]  }
0x3: {  	s2 =	rddreg [dreg:$0x2]  }
0x4: {  	s3 =	simm.s32 $0x0;
	s4 =	srdreg.scid;
	s11 =	stileid.u32  }
0x5: {  	s17 =	simm.s32 $0x3;
	s18 =	simm.s32 $0x1;
	s19 =	simm.s32 $0x2  }
0x6: {  	s20 =	simm.s32 $0x80;
	s21 =	simm.s32 $0x3000;
	s22 =	simm.s32 $0x2C00  }
0x7: {  	s28 =	simm.s32 $0x4;
	s29 =	simm.s32 $0x2980;
	s30 =	simm.s32 $0x2A00  }
0x8: {  	s31 =	simm.s32 $0x2A80;
	[smem:$0x7FF] =	sst s3;
	s9 =	smul.u32 $0x4E000, s11  }
0x9: {  	s5 =	sadd.s32 $0x2600, s0;
	s10 =	sadd.s32 $0x16600, s0;
	s14 =	smul.u32 $0x2800, s11  }
0xa: {  	s4 =	sand.u32 $0x1, s4;
	s24 =	smul.u32 $0x2700, s11;
	p0 =	sne.s32 s11, $0xF  }
0xb: {  	_ =	strace $0x8000004A;
	[dreg:$0x4] =	wrdreg s10;
	s6 =	smul.u32 $0x27100, s4  }
0xc: {  	s7 =	sshll.u32 s4, $0x4;
	s8 =	ssub.s32 $0x2, s4;
	s4 =	smul.u32 $0x28000, s4  }
0xd: {  	s10 =	sshll.u32 s11, $0x6;
	s7 =	sor.u32 s11, s7;
	s12 =	sshrl.u32 s8, $0x1  }
0xe: {  	s13 =	sshrl.u32 s9, $0x2;
	[dreg:$0x5] =	wrdreg s10;
	s10 =	sor.u32 $0x1C03, s10  }
0xf: {  	s9 =	simm.s32 $0x2D00;
	s11 =	simm.s32 $0x2E80;
	s0 =	sadd.s32 s6, s0  }
0x10: {  	s7 =	smul.u32 $0x2800, s7;
	s6 =	ssub.s32 s8, s12;
	s8 =	sadd.s32 s13, s2  }
0x11: {  	[dreg:$0x6] =	wrdreg s10;
	s4 =	sadd.s32 s14, s4;
	s10 =	simm.s32 $0x2F00  }
0x12: {  	s12 =	simm.s32 $0x2F80;
	s13 =	simm.s32 $0x0;
	s15 =	sadd.s32 $0x18E00, s0  }
0x13: {  	s23 =	sadd.s32 $0x50800, s4;
	s4 =	sadd.s32 $0x50400, s4;
	s6 =	smax.u32 s6, $0x1  }
0x14: {  	s14 =	sshrl.u32 s8, $0x3;
	s8 =	simm.s32 $0x2E00;
	s7 =	sshrl.u32 s7, $0x3  }
0x15: {  	s0 =	sshrl.u32 s23, $0x3;
	s4 =	sshrl.u32 s4, $0x3;
	[dreg:$0xa] =	wrdreg s6  }
0x16: {  	s23 =	simm.s32 $0x7000;
	[dreg:$0x9] =	wrdreg s15;
	s26 =	sadd.s32 s24, s15  }
0x17: {  	s15 =	simm.s32 $0x5;
	s6 =	simm.s32 $0x2D80;
	[dreg:$0xd] =	wrdreg s14  }
0x18: {  	s24 =	simm.s32 $0x0;
	s7 =	sadd.s32 s5, s7;
	[dreg:$0xf] =	wrdreg s26  }
.Ltmp0:
0x19: {  	s0 =	sadd.s32 s0, s5;
	[dreg:$0x7] =	wrdreg s7;
	(pc) =	sbr.rel .LBB2_1-.Ltmp0, $4  }
0x1a: {  	s25 =	sadd.s32 s4, s5;
	s7 =	sadd.s32 $0xA000, s7;
	[dreg:$0xb] =	wrdreg s0  }
0x1b: {  	s26 =	simm.s32 $0x2900;
	[dreg:$0x8] =	wrdreg s7;
	s7 =	sadd.s32 $0x138000, s2  }
0x1c: {  	s4 =	simm.s32 $0x2B80;
	[dreg:$0xc] =	wrdreg s25;
	s16 =	sshrl.u32 @!p0 s7, $0x3  }
0x1d: {  	s0 =	simm.s32 $0x2B00;
	s7 =	simm.s32 $0x2C80;
	[dreg:$0xe] =	wrdreg s16  }
.LBB2_4:
0x1e: {  	_ =	swait.ge [sflag:s28], $0x4000  }
0x1f: {  	[sflag:s28] =	ssyncset.done $0x0  }
0x20: {  	[sflag:s28] =	ssyncadd.s32 $0xFFFFC000  }
0x21: {  	[bflag:$0x0] =	sbarrier.arrive $0xFFFF  }
0x22: {  	s3 =	rddreg [dreg:$0x5]  }
0x23: {  	s14 =	rddreg [dreg:$0xd]  }
0x24: {  	s16 =	simm.s32 $0x6;
	s5 =	rddreg [dreg:$0xf];
	s3 =	sor.u32 $0x1C06, s3  }
0x25: {  	[hbm:s5], [sflag:s3] =	dma.local [spmem:s14], $0x2700  }
0x26: {  	_ =	swait.ge [sflag:s16], $0x2700  }
0x27: {  	[sflag:s16] =	ssyncset.done $0x0;
	s5 =	rddreg [dreg:$0x9]  }
0x28: {  	[sflag:s16] =	ssyncadd.s32 $0xFFFFD900;
	s5 =	sadd.s32 @!p0 $0x27000, s5;
	s16 =	rddreg [dreg:$0xe]  }
0x29: {  	[hbm:s5], [sflag:s3] =	dma.local @!p0 [spmem:s16], $0x100  }
0x2a: {  	s3 =	simm.s32 @!p0 $0x6  }
0x2b: {  	_ =	swait.ge @!p0 [sflag:s3], $0x100  }
0x2c: {  	s13 =	rddreg [dreg:$0x10]  }
0x2d: {  	s25 =	rddreg [dreg:$0xa];
	s13 =	sadd.s32 $0x1, s13  }
0x2e: {  	p1 =	sne.s32 s13, s25  }
.Ltmp1:
0x2f: {  	_ = 	snop;
	(pc) =	sbr.rel @!p1 .LBB2_5-.Ltmp1, $3  }
0x30: {  	_ =	sdelay $0x1  }
0x31: {  	[sflag:s3] =	ssyncset.done @!p0 $0x0  }
0x32: {  	[sflag:s3] =	ssyncadd.s32 @!p0 $0xFFFFFF00  }
.LBB2_1:
0x33: {  	[dreg:$0x10] =	wrdreg s13  }
0x34: {  	s13 =	rddreg [dreg:$0x4]  }
0x35: {  	s3 =	rddreg [dreg:$0x6]  }
0x36: {  	[spmem:s14], [sflag:s3] =	dma.local [hbm:s13], $0x2700  }
0x37: {  	s3 =	simm.s32 $0x0;
	s5 =	rddreg [dreg:$0x7]  }
0x38: {  	[tilespmem:s3], [sflag:$0x1] =	stream.linear.gather [hbm4b:s5+s3], $0x2800, $0x38;
	[tilespmem:$0x1EC80] =	vst v63  }
0x39: {  	s25 =	simm.s32 $0x2800;
	s14 =	rddreg [dreg:$0x8];
	s5 =	simm.s32 @!p0 $0x1FC4  }
0x3a: {  	[tilespmem:s25], [sflag:$0x2] =	stream.linear.gather [hbm4b:s14+s3], $0x400, $0x38;
	[tilespmem:$0x1EC80] =	vst v63  }
0x3b: {  	[spmem:s16], [sflag:s5] =	dma.local @!p0 [hbm:s13], $0x900  }
0x3c: {  	s5 =	simm.s32 @!p0 $0x4  }
0x3d: {  	_ =	swait.ge @!p0 [sflag:s5], $0x900  }
0x3e: {  	[sflag:s5] =	ssyncset.done @!p0 $0x0  }
0x3f: {  	[sflag:s5] =	ssyncadd.s32 @!p0 $0xFFFFF700  }
0x40: {  	_ =	swait.ge [sflag:s17], $0x2700  }
0x41: {  	[sflag:s17] =	ssyncset.done $0x0  }
0x42: {  	[sflag:s17] =	ssyncadd.s32 $0xFFFFD900  }
0x43: {  	_ =	swait.ge [sflag:s18], $0x2800  }
0x44: {  	[sflag:s18] =	ssyncset.done $0x0  }
0x45: {  	[sflag:s18] =	ssyncadd.s32 $0xFFFFD800  }
0x46: {  	_ =	swait.ge [sflag:s19], $0x400  }
0x47: {  	[sflag:s19] =	ssyncset.done $0x0  }
0x48: {  	[sflag:s19] =	ssyncadd.s32 $0xFFFFFC00  }
0x49: {  	[bflag:$0x0] =	sbarrier.arrive $0xFFFF  }
0x4a: {  	[tilespmem:s21], [sflag:$0x1] =	stream.indirect.gather [hbm4b:s1+s20], $0x80, s3, s20, $0xb8;
	[tilespmem:$0x1EC80] =	vst v63  }
0x4b: {  	s13 =	rddreg [dreg:$0xc]  }
0x4c: {  	s14 =	simm.s32 $0x0;
	s5 =	rddreg [dreg:$0xb]  }
.LBB2_2:
0x4d: {  	p1 =	seq.s32 s14, $0x0  }
0x4e: {  	s16 =	simm.s32 @p1 $0x1  }
0x4f: {  	_ =	swait.ge @p1 [sflag:s16], $0x4000  }
0x50: {  	s25 =	simm.s32 @p1 $0x2800;
	[sflag:s16] =	ssyncset.done @p1 $0x0  }
0x51: {  	s3 =	simm.s32 @p1 $0x3000;
	[sflag:s16] =	ssyncadd.s32 @p1 $0xFFFFC000;
	s16 =	simm.s32 @p1 $0x80  }
0x52: {  	[spmem:s2] =	stream.indirect.scatter.add.f32 @p1 [tilespmem:s3], [sflag:$0x3], $0x80, s25, s16, $0xb8;
	[tilespmem:$0x1EC80] =	vst v63  }
0x53: {  	s3 =	simm.s32 @!p1 $0x5  }
0x54: {  	_ =	swait.ge @!p1 [sflag:s3], $0x400  }
0x55: {  	[sflag:s3] =	ssyncset.done @!p1 $0x0  }
0x56: {  	[sflag:s3] =	ssyncadd.s32 @!p1 $0xFFFFFC00;
	s3 =	simm.s32 @!p1 $0x1  }
0x57: {  	_ =	swait.ge @!p1 [sflag:s3], $0x4000  }
0x58: {  	s16 =	simm.s32 @!p1 $0x2800;
	[sflag:s3] =	ssyncset.done @!p1 $0x0  }
0x59: {  	s25 =	simm.s32 @!p1 $0x3000;
	[sflag:s3] =	ssyncadd.s32 @!p1 $0xFFFFC000;
	s3 =	simm.s32 @!p1 $0x80  }
0x5a: {  	[spmem:s2] =	stream.indirect.scatter.add.f32 @!p1 [tilespmem:s25], [sflag:$0x3], $0x80, s16, s3, $0xb8;
	[tilespmem:$0x1EC80] =	vst v63  }
0x5b: {  	s3 =	simm.s32 @!p1 $0x4  }
0x5c: {  	_ =	swait.ge @!p1 [sflag:s3], $0x4000  }
0x5d: {  	[sflag:s3] =	ssyncset.done @!p1 $0x0  }
0x5e: {  	s16 =	sshra.s32 s14, $0x2;
	[sflag:s3] =	ssyncadd.s32 @!p1 $0xFFFFC000  }
0x5f: {  	[tilespmem:s22], [sflag:$0x5] =	stream.linear.gather [hbm4b:s13+s24], $0x400, $0x38;
	[tilespmem:$0x1EC80] =	vst v63  }
0x60: {  	s25 =	sadd.s32 $0x80, s16  }
0x61: {  	[tilespmem:s23], [sflag:$0x2] =	stream.indirect.gather [hbm4b:s1+s20], $0x80, s25, s20, $0xb8;
	[tilespmem:$0x1EC80] =	vst v63  }
0x62: {  	_ =	swait.ge [sflag:s19], $0x4000  }
0x63: {  	[sflag:s19] =	ssyncset.done $0x0  }
0x64: {  	s25 =	simm.s32 $0x2880;
	[sflag:s19] =	ssyncadd.s32 $0xFFFFC000  }
0x65: {  	[spmem:s2] =	stream.indirect.scatter.add.f32 [tilespmem:s23], [sflag:$0x4], $0x80, s25, s20, $0xb8;
	[tilespmem:$0x1EC80] =	vst v63  }
0x66: {  	_ =	swait.ge [sflag:s17], $0x4000  }
0x67: {  	[sflag:s17] =	ssyncset.done $0x0  }
0x68: {  	s25 =	sadd.s32 $0x100, s16;
	[sflag:s17] =	ssyncadd.s32 $0xFFFFC000  }
0x69: {  	[tilespmem:s21], [sflag:$0x1] =	stream.indirect.gather [hbm4b:s1+s20], $0x80, s25, s20, $0xb8;
	[tilespmem:$0x1EC80] =	vst v63  }
0x6a: {  	_ =	swait.ge [sflag:s18], $0x4000  }
0x6b: {  	[sflag:s18] =	ssyncset.done $0x0  }
0x6c: {  	[sflag:s18] =	ssyncadd.s32 $0xFFFFC000  }
0x6d: {  	[spmem:s2] =	stream.indirect.scatter.add.f32 [tilespmem:s21], [sflag:$0x3], $0x80, s26, s20, $0xb8;
	[tilespmem:$0x1EC80] =	vst v63  }
0x6e: {  	_ =	swait.ge [sflag:s28], $0x4000  }
0x6f: {  	[sflag:s28] =	ssyncset.done $0x0  }
0x70: {  	s25 =	sadd.s32 $0x180, s16;
	[sflag:s28] =	ssyncadd.s32 $0xFFFFC000  }
0x71: {  	[tilespmem:s23], [sflag:$0x2] =	stream.indirect.gather [hbm4b:s1+s20], $0x80, s25, s20, $0xb8;
	[tilespmem:$0x1EC80] =	vst v63  }
0x72: {  	_ =	swait.ge [sflag:s19], $0x4000  }
0x73: {  	[sflag:s19] =	ssyncset.done $0x0  }
0x74: {  	[sflag:s19] =	ssyncadd.s32 $0xFFFFC000  }
0x75: {  	[spmem:s2] =	stream.indirect.scatter.add.f32 [tilespmem:s23], [sflag:$0x4], $0x80, s29, s20, $0xb8;
	[tilespmem:$0x1EC80] =	vst v63  }
0x76: {  	_ =	swait.ge [sflag:s17], $0x4000  }
0x77: {  	[sflag:s17] =	ssyncset.done $0x0  }
0x78: {  	s25 =	sadd.s32 $0x200, s16;
	[sflag:s17] =	ssyncadd.s32 $0xFFFFC000  }
0x79: {  	[tilespmem:s21], [sflag:$0x1] =	stream.indirect.gather [hbm4b:s1+s20], $0x80, s25, s20, $0xb8;
	[tilespmem:$0x1EC80] =	vst v63  }
0x7a: {  	_ =	swait.ge [sflag:s18], $0x4000  }
0x7b: {  	[sflag:s18] =	ssyncset.done $0x0  }
0x7c: {  	[sflag:s18] =	ssyncadd.s32 $0xFFFFC000  }
0x7d: {  	[spmem:s2] =	stream.indirect.scatter.add.f32 [tilespmem:s21], [sflag:$0x3], $0x80, s30, s20, $0xb8;
	[tilespmem:$0x1EC80] =	vst v63  }
0x7e: {  	_ =	swait.ge [sflag:s28], $0x4000  }
0x7f: {  	[sflag:s28] =	ssyncset.done $0x0  }
0x80: {  	s25 =	sadd.s32 $0x280, s16;
	[sflag:s28] =	ssyncadd.s32 $0xFFFFC000  }
0x81: {  	[tilespmem:s23], [sflag:$0x2] =	stream.indirect.gather [hbm4b:s1+s20], $0x80, s25, s20, $0xb8;
	[tilespmem:$0x1EC80] =	vst v63  }
0x82: {  	_ =	swait.ge [sflag:s19], $0x4000  }
0x83: {  	[sflag:s19] =	ssyncset.done $0x0  }
0x84: {  	[sflag:s19] =	ssyncadd.s32 $0xFFFFC000  }
0x85: {  	[spmem:s2] =	stream.indirect.scatter.add.f32 [tilespmem:s23], [sflag:$0x4], $0x80, s31, s20, $0xb8;
	[tilespmem:$0x1EC80] =	vst v63  }
0x86: {  	_ =	swait.ge [sflag:s17], $0x4000  }
0x87: {  	[sflag:s17] =	ssyncset.done $0x0  }
0x88: {  	s25 =	sadd.s32 $0x300, s16;
	[sflag:s17] =	ssyncadd.s32 $0xFFFFC000  }
0x89: {  	[tilespmem:s21], [sflag:$0x1] =	stream.indirect.gather [hbm4b:s1+s20], $0x80, s25, s20, $0xb8;
	[tilespmem:$0x1EC80] =	vst v63  }
0x8a: {  	_ =	swait.ge [sflag:s18], $0x4000  }
0x8b: {  	[sflag:s18] =	ssyncset.done $0x0  }
0x8c: {  	[sflag:s18] =	ssyncadd.s32 $0xFFFFC000  }
0x8d: {  	[spmem:s2] =	stream.indirect.scatter.add.f32 [tilespmem:s21], [sflag:$0x3], $0x80, s0, s20, $0xb8;
	[tilespmem:$0x1EC80] =	vst v63  }
0x8e: {  	_ =	swait.ge [sflag:s28], $0x4000  }
0x8f: {  	[sflag:s28] =	ssyncset.done $0x0  }
0x90: {  	s25 =	sadd.s32 $0x380, s16;
	[sflag:s28] =	ssyncadd.s32 $0xFFFFC000  }
0x91: {  	[tilespmem:s23], [sflag:$0x2] =	stream.indirect.gather [hbm4b:s1+s20], $0x80, s25, s20, $0xb8;
	[tilespmem:$0x1EC80] =	vst v63  }
0x92: {  	_ =	swait.ge [sflag:s19], $0x4000  }
0x93: {  	[sflag:s19] =	ssyncset.done $0x0  }
0x94: {  	[sflag:s19] =	ssyncadd.s32 $0xFFFFC000  }
0x95: {  	[spmem:s2] =	stream.indirect.scatter.add.f32 [tilespmem:s23], [sflag:$0x4], $0x80, s4, s20, $0xb8;
	[tilespmem:$0x1EC80] =	vst v63  }
0x96: {  	_ =	swait.ge [sflag:s17], $0x4000  }
0x97: {  	[sflag:s17] =	ssyncset.done $0x0  }
0x98: {  	s25 =	sadd.s32 $0x400, s16;
	[sflag:s17] =	ssyncadd.s32 $0xFFFFC000  }
0x99: {  	[tilespmem:s21], [sflag:$0x1] =	stream.indirect.gather [hbm4b:s1+s20], $0x80, s25, s20, $0xb8;
	[tilespmem:$0x1EC80] =	vst v63  }
0x9a: {  	_ =	swait.ge [sflag:s15], $0x400  }
0x9b: {  	[sflag:s15] =	ssyncset.done $0x0  }
0x9c: {  	[sflag:s15] =	ssyncadd.s32 $0xFFFFFC00  }
0x9d: {  	_ =	swait.ge [sflag:s18], $0x4000  }
0x9e: {  	[sflag:s18] =	ssyncset.done $0x0  }
0x9f: {  	[sflag:s18] =	ssyncadd.s32 $0xFFFFC000  }
0xa0: {  	[spmem:s2] =	stream.indirect.scatter.add.f32 [tilespmem:s21], [sflag:$0x3], $0x80, s22, s20, $0xb8;
	[tilespmem:$0x1EC80] =	vst v63  }
0xa1: {  	_ =	swait.ge [sflag:s28], $0x4000  }
0xa2: {  	p1 =	seq.s32 s14, $0x8000;
	[sflag:s28] =	ssyncset.done $0x0  }
0xa3: {  	s3 =	simm.s32 @!p1 $0x0;
	s25 =	simm.s32 @!p1 $0x2800;
	[sflag:s28] =	ssyncadd.s32 $0xFFFFC000  }
0xa4: {  	[tilespmem:s25], [sflag:$0x5] =	stream.linear.gather @!p1 [hbm4b:s5+s3], $0x400, $0x38;
	[tilespmem:$0x1EC80] =	vst v63  }
0xa5: {  	s25 =	sadd.s32 $0x480, s16  }
0xa6: {  	[tilespmem:s23], [sflag:$0x2] =	stream.indirect.gather [hbm4b:s1+s20], $0x80, s25, s20, $0xb8;
	[tilespmem:$0x1EC80] =	vst v63  }
0xa7: {  	_ =	swait.ge [sflag:s19], $0x4000  }
0xa8: {  	[sflag:s19] =	ssyncset.done $0x0  }
0xa9: {  	[sflag:s19] =	ssyncadd.s32 $0xFFFFC000  }
0xaa: {  	[spmem:s2] =	stream.indirect.scatter.add.f32 [tilespmem:s23], [sflag:$0x4], $0x80, s7, s20, $0xb8;
	[tilespmem:$0x1EC80] =	vst v63  }
0xab: {  	_ =	swait.ge [sflag:s17], $0x4000  }
0xac: {  	[sflag:s17] =	ssyncset.done $0x0  }
0xad: {  	s25 =	sadd.s32 $0x500, s16;
	[sflag:s17] =	ssyncadd.s32 $0xFFFFC000  }
0xae: {  	[tilespmem:s21], [sflag:$0x1] =	stream.indirect.gather [hbm4b:s1+s20], $0x80, s25, s20, $0xb8;
	[tilespmem:$0x1EC80] =	vst v63  }
0xaf: {  	_ =	swait.ge [sflag:s18], $0x4000  }
0xb0: {  	[sflag:s18] =	ssyncset.done $0x0  }
0xb1: {  	[sflag:s18] =	ssyncadd.s32 $0xFFFFC000  }
0xb2: {  	[spmem:s2] =	stream.indirect.scatter.add.f32 [tilespmem:s21], [sflag:$0x3], $0x80, s9, s20, $0xb8;
	[tilespmem:$0x1EC80] =	vst v63  }
0xb3: {  	_ =	swait.ge [sflag:s28], $0x4000  }
0xb4: {  	[sflag:s28] =	ssyncset.done $0x0  }
0xb5: {  	s25 =	sadd.s32 $0x580, s16;
	[sflag:s28] =	ssyncadd.s32 $0xFFFFC000  }
0xb6: {  	[tilespmem:s23], [sflag:$0x2] =	stream.indirect.gather [hbm4b:s1+s20], $0x80, s25, s20, $0xb8;
	[tilespmem:$0x1EC80] =	vst v63  }
0xb7: {  	_ =	swait.ge [sflag:s19], $0x4000  }
0xb8: {  	[sflag:s19] =	ssyncset.done $0x0  }
0xb9: {  	[sflag:s19] =	ssyncadd.s32 $0xFFFFC000  }
0xba: {  	[spmem:s2] =	stream.indirect.scatter.add.f32 [tilespmem:s23], [sflag:$0x4], $0x80, s6, s20, $0xb8;
	[tilespmem:$0x1EC80] =	vst v63  }
0xbb: {  	_ =	swait.ge [sflag:s17], $0x4000  }
0xbc: {  	[sflag:s17] =	ssyncset.done $0x0  }
0xbd: {  	s25 =	sadd.s32 $0x600, s16;
	[sflag:s17] =	ssyncadd.s32 $0xFFFFC000  }
0xbe: {  	[tilespmem:s21], [sflag:$0x1] =	stream.indirect.gather [hbm4b:s1+s20], $0x80, s25, s20, $0xb8;
	[tilespmem:$0x1EC80] =	vst v63  }
0xbf: {  	_ =	swait.ge [sflag:s18], $0x4000  }
0xc0: {  	[sflag:s18] =	ssyncset.done $0x0  }
0xc1: {  	[sflag:s18] =	ssyncadd.s32 $0xFFFFC000  }
0xc2: {  	[spmem:s2] =	stream.indirect.scatter.add.f32 [tilespmem:s21], [sflag:$0x3], $0x80, s8, s20, $0xb8;
	[tilespmem:$0x1EC80] =	vst v63  }
0xc3: {  	_ =	swait.ge [sflag:s28], $0x4000  }
0xc4: {  	[sflag:s28] =	ssyncset.done $0x0  }
0xc5: {  	s25 =	sadd.s32 $0x680, s16;
	[sflag:s28] =	ssyncadd.s32 $0xFFFFC000  }
0xc6: {  	[tilespmem:s23], [sflag:$0x2] =	stream.indirect.gather [hbm4b:s1+s20], $0x80, s25, s20, $0xb8;
	[tilespmem:$0x1EC80] =	vst v63  }
0xc7: {  	_ =	swait.ge [sflag:s19], $0x4000  }
0xc8: {  	[sflag:s19] =	ssyncset.done $0x0  }
0xc9: {  	[sflag:s19] =	ssyncadd.s32 $0xFFFFC000  }
0xca: {  	[spmem:s2] =	stream.indirect.scatter.add.f32 [tilespmem:s23], [sflag:$0x4], $0x80, s11, s20, $0xb8;
	[tilespmem:$0x1EC80] =	vst v63  }
0xcb: {  	_ =	swait.ge [sflag:s17], $0x4000  }
0xcc: {  	[sflag:s17] =	ssyncset.done $0x0  }
0xcd: {  	s25 =	sadd.s32 $0x700, s16;
	[sflag:s17] =	ssyncadd.s32 $0xFFFFC000  }
0xce: {  	[tilespmem:s21], [sflag:$0x1] =	stream.indirect.gather [hbm4b:s1+s20], $0x80, s25, s20, $0xb8;
	[tilespmem:$0x1EC80] =	vst v63  }
0xcf: {  	_ =	swait.ge [sflag:s18], $0x4000  }
0xd0: {  	[sflag:s18] =	ssyncset.done $0x0  }
0xd1: {  	[sflag:s18] =	ssyncadd.s32 $0xFFFFC000  }
0xd2: {  	[spmem:s2] =	stream.indirect.scatter.add.f32 [tilespmem:s21], [sflag:$0x3], $0x80, s10, s20, $0xb8;
	[tilespmem:$0x1EC80] =	vst v63  }
0xd3: {  	_ =	swait.ge [sflag:s28], $0x4000  }
0xd4: {  	[sflag:s28] =	ssyncset.done $0x0  }
0xd5: {  	s25 =	sadd.s32 $0x780, s16;
	[sflag:s28] =	ssyncadd.s32 $0xFFFFC000  }
0xd6: {  	[tilespmem:s23], [sflag:$0x2] =	stream.indirect.gather [hbm4b:s1+s20], $0x80, s25, s20, $0xb8;
	[tilespmem:$0x1EC80] =	vst v63  }
0xd7: {  	_ =	swait.ge [sflag:s19], $0x4000  }
0xd8: {  	[sflag:s19] =	ssyncset.done $0x0  }
.Ltmp2:
0xd9: {  	[sflag:s19] =	ssyncadd.s32 $0xFFFFC000;
	(pc) =	sbr.rel @p1 .LBB2_4-.Ltmp2, $4  }
0xda: {  	[spmem:s2] =	stream.indirect.scatter.add.f32 [tilespmem:s23], [sflag:$0x4], $0x80, s12, s20, $0xb8;
	[tilespmem:$0x1EC80] =	vst v63  }
0xdb: {  	_ =	swait.ge [sflag:s17], $0x4000  }
0xdc: {  	[sflag:s17] =	ssyncset.done $0x0  }
0xdd: {  	[sflag:s17] =	ssyncadd.s32 $0xFFFFC000  }
.Ltmp3:
0xde: {  	(pc) =	sbr.rel .LBB2_2-.Ltmp3, $4  }
0xdf: {  	_ = 	snop  }
0xe0: {  	s3 =	sadd.s32 $0x800, s16  }
0xe1: {  	s14 =	sadd.s32 $0x2000, s14;
	s5 =	sadd.s32 $0x100, s5;
	s13 =	sadd.s32 $0x100, s13  }
0xe2: {  	[tilespmem:s21], [sflag:$0x1] =	stream.indirect.gather [hbm4b:s1+s20], $0x80, s3, s20, $0xb8;
	[tilespmem:$0x1EC80] =	vst v63  }
.LBB2_5:
0xe3: {  	_ =	sfence.sel $0x180000  }
0xe4: {  	[bflag:$0x0] =	sbarrier.arrive $0xFFFF  }
0xe5: {  	_ =	strace $0x9000004A  }
0xe6: {  	s0 =	stileid.u32;
	[bflag:$0x2] =	sbarrier.arrive $0xFFFF  }
0xe7: {  	p0 =	sne.s32 s0, $0x0;
	s0 =	rddreg [dreg:$0x3]  }
0xe8: {  	s0 =	sadd.s32 @!p0 $0x100000, s0  }
0xe9: {  	[sflag:s0] =	ssyncadd.tile.s32 @!p0 $0x1;
	_ =	shalt  }
.Lfunc_end2:
_tile_overlayer_lowered:
.L_overlay_start_2:
0xea: {  	(tag) =	ssettag $0x2  }
0xeb: {  	s0 =	rddreg [dreg:$0x0];
	s2 =	stileid.u32  }
0xec: {  	s1 =	rddreg [dreg:$0x1];
	p0 =	sne.s32 s2, $0x0  }
0xed: {  	s3 =	rddreg [dreg:$0x2];
	[bflag:$0x3] =	sbarrier.arrive $0xFFFF;
	s2 =	simm.s32 @!p0 $0x1C06  }
0xee: {  	[timem:s3], [sflag:s2] =	dma.local @!p0 [hbm:s0], s1  }
0xef: {  	s0 =	simm.s32 @!p0 $0x6  }
0xf0: {  	_ =	swait.ge @!p0 [sflag:s0], s1  }
0xf1: {  	s1 =	ssub.s32 @!p0 $0x0, s1;
	[sflag:s0] =	ssyncset.done @!p0 $0x0  }
0xf2: {  	[sflag:s0] =	ssyncadd.s32 @!p0 s1  }
0xf3: {  	[bflag:$0x3] =	sbarrier.arrive $0xFFFF  }
0xf4: {  	_ =	shalt  }

// kernel: kernel.15.cloned.1.call-start
scs
__scs_entry_jumppad:
0x0: {  	(pc) =	sbr.rel $0x88, $3  }
0x1: {  	(tag) =	ssettag $0x0;
	lr =	simm.s32 $0x1  }
0x2: {  	[smem:$0x3F9B] =	sst lr;
	_ =	strace $0xD0000000  }
0x3: {  	_ = 	snop  }
0x4: {  	_ = 	snop  }
0x5: {  	_ = 	snop  }
0x6: {  	_ = 	snop  }
0x7: {  	_ = 	snop  }
__scs_overlays_trampoline_lowered:
0x8: {  	[smem:$0x3FAA] =	sst s0  }
0x9: {  	[smem:$0x3FAB] =	sst s1  }
0xa: {  	[smem:$0x3FAC] =	sst s2  }
0xb: {  	[smem:$0x3FAD] =	sst s3  }
0xc: {  	[smem:$0x3FAE] =	sst s4  }
0xd: {  	[smem:$0x3FAF] =	sst s5  }
0xe: {  	[smem:$0x3FB0] =	sst s6  }
0xf: {  	[smem:$0x3FB1] =	sst s7  }
0x10: {  	[smem:$0x3FB2] =	sst s8  }
0x11: {  	[smem:$0x3FB3] =	sst s9;
	s0 =	simm.s32 @!p0 $0x0  }
0x12: {  	s1 =	sld [smem:$0x3F99];
	s0 =	simm.s32 @p0 $0x1  }
0x13: {  	[smem:$0x3FB4] =	sst s0;
	s0 =	simm.s32 @!p1 $0x0  }
0x14: {  	s2 =	sld [smem:$0x3F98];
	s0 =	simm.s32 @p1 $0x1  }
0x15: {  	[smem:$0x3FB5] =	sst s0;
	s0 =	simm.s32 @!p2 $0x0  }
0x16: {  	s3 =	sld [smem:$0x3FDB];
	s0 =	simm.s32 @p2 $0x1  }
0x17: {  	s4 =	simm.s32 $0x1BF5;
	[smem:$0x3FB7] =	sst s0  }
0x18: {  	s0 =	sld [smem:$0x3F9A];
	_ =	swait.ge [sflag:s4], $0x0  }
0x19: {  	s7 =	sld [smem:$0x3F9B]  }
0x1a: {  	s8 =	sadd.s32 $0xFFFFE003, lr  }
0x1b: {  	s9 =	sadd.s32 $0xFFFFFEF7, lr;
	s5 =	simm.s32 $0xFFFFFFFF;
	p2 =	slt.u32 s8, $0xFFFFF086  }
0x1c: {  	p1 =	slt.u32 s9, $0xF7A;
	s5 =	simm.s32 @!p2 $0x0  }
0x1d: {  	s5 =	simm.s32 @p1 $0x1;
	p0 =	seq.s32 s7, s2  }
0x1e: {  	s7 =	smul.u32 @!p0 $0xF7A, s2;
	p2 =	seq.s32 @!p0 s5, $0x0  }
0x1f: {  	s9 =	smul.u32 $0xF7A, s1;
	s8 =	simm.s32 @!p0 $0x1BF5;
	p2 =	por !p2, p0  }
0x20: {  	[sflag:s8] =	ssyncset.s32 @!p0 $0xFFFFF086;
	s6 =	sadd.s32 @!p0 s3, s7;
	s7 =	simm.s32 @!p0 $0x108  }
0x21: {  	s3 =	sadd.s32 s3, s9;
	s6 =	sadd.s32 @!p0 $0x88, s6;
	s7 =	simm.s32 @p2 $0x1082  }
0x22: {  	[simem:s7], [sflag:s8] =	dma.local @!p0 [hbm:s6], $0xF7A  }
0x23: {  	s9 =	sor.u32 $0xD0000000, s2;
	s6 =	simm.s32 $0x108;
	_ =	swait.ge @!p0 [sflag:s8], $0x0  }
0x24: {  	s3 =	sadd.s32 $0x88, s3;
	s6 =	simm.s32 @!p1 $0x1082;
	[sflag:s4] =	ssyncset.s32 $0xFFFFF086  }
0x25: {  	[simem:s6], [sflag:s4] =	dma.local [hbm:s3], $0xF7A  }
0x26: {  	[smem:$0x3F9B] =	sst s1;
	(tag) =	ssettag s2;
	_ =	strace s9  }
0x27: {  	s1 =	sld [smem:$0x3FAB]  }
0x28: {  	s2 =	sld [smem:$0x3FAC]  }
0x29: {  	s4 =	sld [smem:$0x3FAE]  }
0x2a: {  	p0 =	seq.s32 s5, $0x0;
	s5 =	sld [smem:$0x3FAF]  }
0x2b: {  	s6 =	sld [smem:$0x3FB0]  }
0x2c: {  	s7 =	sld [smem:$0x3FB1]  }
0x2d: {  	s3 =	simm.s32 $0x108;
	s8 =	sld [smem:$0x3FB2]  }
0x2e: {  	s3 =	simm.s32 @!p0 $0x1082;
	s9 =	sld [smem:$0x3FB3]  }
0x2f: {  	lr =	sadd.s32 s0, s3;
	s0 =	sld [smem:$0x3FAA]  }
0x30: {  	s3 =	sld [smem:$0x3FAD]  }
0x31: {  	[smem:$0x3FB6] =	sst s10  }
0x32: {  	s10 =	sld [smem:$0x3FB4];
	_ =	sdelay $0x3  }
0x33: {  	p0 =	seq.s32 s10, $0x1;
	s10 =	sld [smem:$0x3FB6];
	_ =	sdelay $0x3  }
0x34: {  	[smem:$0x3FB6] =	sst s10  }
0x35: {  	s10 =	sld [smem:$0x3FB5];
	_ =	sdelay $0x3  }
0x36: {  	p1 =	seq.s32 s10, $0x1;
	s10 =	sld [smem:$0x3FB6];
	_ =	sdelay $0x3  }
0x37: {  	[smem:$0x3FB6] =	sst s10  }
0x38: {  	s10 =	sld [smem:$0x3FB7]  }
0x39: {  	_ = 	snop;
	(pc) =	sbr.ind lr, $3  }
0x3a: {  	_ = 	snop  }
0x3b: {  	_ = 	snop  }
0x3c: {  	p2 =	seq.s32 s10, $0x1;
	s10 =	sld [smem:$0x3FB6]  }
0x3d: {  	_ =	shalt  }
0x3e: {  	_ =	shalt  }
0x3f: {  	_ =	shalt  }
0x40: {  	_ =	shalt  }
0x41: {  	_ =	shalt  }
0x42: {  	_ =	shalt  }
0x43: {  	_ =	shalt  }
0x44: {  	_ =	shalt  }
0x45: {  	_ =	shalt  }
0x46: {  	_ =	shalt  }
0x47: {  	_ =	shalt  }
0x48: {  	_ =	shalt  }
0x49: {  	_ =	shalt  }
0x4a: {  	_ =	shalt  }
0x4b: {  	_ =	shalt  }
0x4c: {  	_ =	shalt  }
0x4d: {  	_ =	shalt  }
0x4e: {  	_ =	shalt  }
0x4f: {  	_ =	shalt  }
0x50: {  	_ =	shalt  }
0x51: {  	_ =	shalt  }
0x52: {  	_ =	shalt  }
0x53: {  	_ =	shalt  }
0x54: {  	_ =	shalt  }
0x55: {  	_ =	shalt  }
0x56: {  	_ =	shalt  }
0x57: {  	_ =	shalt  }
0x58: {  	_ =	shalt  }
0x59: {  	_ =	shalt  }
0x5a: {  	_ =	shalt  }
0x5b: {  	_ =	shalt  }
0x5c: {  	_ =	shalt  }
0x5d: {  	_ =	shalt  }
0x5e: {  	_ =	shalt  }
0x5f: {  	_ =	shalt  }
0x60: {  	_ =	shalt  }
0x61: {  	_ =	shalt  }
0x62: {  	_ =	shalt  }
0x63: {  	_ =	shalt  }
0x64: {  	_ =	shalt  }
0x65: {  	_ =	shalt  }
0x66: {  	_ =	shalt  }
0x67: {  	_ =	shalt  }
0x68: {  	_ =	shalt  }
0x69: {  	_ =	shalt  }
0x6a: {  	_ =	shalt  }
0x6b: {  	_ =	shalt  }
0x6c: {  	_ =	shalt  }
0x6d: {  	_ =	shalt  }
0x6e: {  	_ =	shalt  }
0x6f: {  	_ =	shalt  }
0x70: {  	_ =	shalt  }
0x71: {  	_ =	shalt  }
0x72: {  	_ =	shalt  }
0x73: {  	_ =	shalt  }
0x74: {  	_ =	shalt  }
0x75: {  	_ =	shalt  }
0x76: {  	_ =	shalt  }
0x77: {  	_ =	shalt  }
0x78: {  	_ =	shalt  }
0x79: {  	_ =	shalt  }
0x7a: {  	_ =	shalt  }
0x7b: {  	_ =	shalt  }
0x7c: {  	_ =	shalt  }
0x7d: {  	_ =	shalt  }
0x7e: {  	_ =	shalt  }
0x7f: {  	_ =	shalt  }
0x80: {  	_ =	shalt  }
0x81: {  	_ =	shalt  }
0x82: {  	_ =	shalt  }
0x83: {  	_ =	shalt  }
0x84: {  	_ =	shalt  }
0x85: {  	_ =	shalt  }
0x86: {  	_ =	shalt  }
0x87: {  	_ =	shalt  }
.Lfunc_end0:
.L_simem_size_0:
called_computation.2_lowered:
.L_overlay_start_0:
0x88: {  	s2 =	sld [smem:$0x3FD9]  }
0x89: {  	s3 =	sld [smem:$0x3FFE];
	_ =	sdelay $0x1  }
0x8a: {  	s1 =	srdreg.scid  }
0x8b: {  	s0 =	sand.u32 $0x1, s1  }
0x8c: {  	s17 =	sshll.u32 s0, $0xA;
	s2 =	sadd.s32 s3, s2  }
0x8d: {  	s2 =	sadd.s32 s2, s17  }
0x8e: {  	[smem:$0x3FC2] =	sst s2  }
0x8f: {  	_ = 	snop  }
0x90: {  	s2 =	sld [smem:$0x3FD0];
	(tm) =	ssettm $0x1  }
0x91: {  	s18 =	sld [smem:$0x3FFB];
	_ =	sdelay $0x3  }
0x92: {  	_ =	strace s18  }
0x93: {  	s3 =	sld [smem:$0x3FFC];
	_ =	sdelay $0x3  }
0x94: {  	_ =	strace s3  }
0x95: {  	s3 =	sld [smem:$0x3FFD];
	_ =	sdelay $0x3  }
0x96: {  	_ =	strace s3  }
0x97: {  	_ =	strace $0x8FFFFFFF  }
0x98: {  	s19 =	sld [smem:$0x3FDB];
	_ =	sdelay $0x1  }
0x99: {  	s4 =	simm.s32 $_scs_section_size  }
0x9a: {  	s5 =	simm.s32 $_size__tile_overlayer_lowered;
	s6 =	simm.s32 $_tile_overlayer_lowered  }
0x9b: {  	s22 =	simm.s32 $0x1BFF;
	s21 =	sshll.u32 s6, $0x1;
	s3 =	sadd.s32 s4, s19  }
0x9c: {  	s7 =	simm.s32 $0x0;
	s20 =	sshll.u32 s5, $0x1;
	s5 =	sadd.s32 s21, s3  }
0x9d: {  	[timem:s7], [sflag:s22] =	dma.local [hbm:s5], s20  }
0x9e: {  	_ =	swait.ge [sflag:s22], s20  }
0x9f: {  	s4 =	ssub.s32 $0x0, s20;
	[sflag:s22] =	ssyncset.done $0x0  }
0xa0: {  	[sflag:s22] =	ssyncadd.s32 s4;
	_ =	sdelay $0x1  }
0xa1: {  	s23 =	simm.s32 $0x1B8B  }
0xa2: {  	_ =	swait.ge [sflag:s23], $0x1  }
0xa3: {  	[sflag:s23] =	ssyncset.done $0x0  }
0xa4: {  	s25 =	simm.s32 $0x1B8E;
	s24 =	sld [smem:$0x3FFE];
	[sflag:s23] =	ssyncadd.s32 $0xFFFFFFFF  }
0xa5: {  	s26 =	simm.s32 $execute0_lowered;
	[smem:$0x3FD2] =	sst s25  }
0xa6: {  	s5 =	sshll.u32 s26, $0x1;
	_ =	strace $0x8000004C;
	[dreg:$0x1] =	wrdreg $0xFFFFFFFF  }
0xa7: {  	s28 =	simm.s32 $_size_execute0_lowered;
	s3 =	sadd.s32 s3, s5;
	[dreg:$0x0] =	wrdreg $0x0  }
0xa8: {  	s5 =	sshll.u32 s28, $0x1;
	[dreg:$0x2] =	wrdreg s3  }
0xa9: {  	[dreg:$0x3] =	wrdreg s5  }
0xaa: {  	[dreg:$0x4] =	wrdreg $0xC0  }
0xab: {  	_ =	task [dreg:s7], $0x5FFFF  }
0xac: {  	[dreg:$0x1] =	wrdreg $0xFFFFFFFF  }
0xad: {  	[dreg:$0x0] =	wrdreg $0x60  }
0xae: {  	[dreg:$0x2] =	wrdreg s2  }
0xaf: {  	[dreg:$0x3] =	wrdreg s24  }
0xb0: {  	[dreg:$0x4] =	wrdreg $0xB0000  }
0xb1: {  	[dreg:$0x5] =	wrdreg $0x9  }
0xb2: {  	_ =	task.clear_ibuf [dreg:s7], $0x6FFFF;
	_ =	strace $0x9000004C  }
0xb3: {  	s29 =	simm.s32 $0x9;
	_ =	strace $0x8000004E  }
0xb4: {  	_ =	swait.ge [sflag:s29], $0x1  }
0xb5: {  	[sflag:s29] =	ssyncadd.s32 $0xFFFFFFFF  }
0xb6: {  	_ =	strace $0x9000004E  }
0xb7: {  	_ =	sfence  }
0xb8: {  	s30 =	sld [smem:$0x0];
	_ =	sdelay $0x2  }
0xb9: {  	s31 =	sshll.u32 s1, $0xD;
	s1 =	sshrl.u32 s1, $0x2  }
0xba: {  	s3 =	sand.u32 $0x4000, s31;
	s1 =	sadd.s32 s1, s30  }
0xbb: {  	s0 =	sor.u32 s3, s0;
	s1 =	sshll.u32 s1, $0x11  }
0xbc: {  	s0 =	sor.u32 s1, s0  }
0xbd: {  	s0 =	sadd.s32 $0x8F2B, s0  }
0xbe: {  	[sflag:s0] =	ssyncadd.remote.s32 $0x1  }
0xbf: {  	_ =	sfence.sel $0xFFFF  }
0xc0: {  	[dreg:$0x0] =	wrdreg $0xFFFFFFFF;
	(pc) =	sbr.abs _section_cstart, $3  }
0xc1: {  	[dreg:$0x1] =	wrdreg $0xFFFFFFFF  }
0xc2: {  	_ =	task.clear_ibuf [dreg:s7], $0x2FFFF;
	_ =	strace $0x9FFFFFFF  }
0xc3: {  	(tm) =	ssettm $0x7FFFFFFF  }
tec
execute0_lowered:
.L_overlay_start_1:
0x0: {  	(tag) =	ssettag $0x1  }
0x1: {  	s1 =	rddreg [dreg:$0x0]  }
0x2: {  	s0 =	rddreg [dreg:$0x1]  }
0x3: {  	s2 =	rddreg [dreg:$0x2]  }
0x4: {  	s3 =	simm.s32 $0x0;
	s4 =	srdreg.scid;
	s11 =	stileid.u32  }
0x5: {  	s17 =	simm.s32 $0x3;
	s18 =	simm.s32 $0x1;
	s19 =	simm.s32 $0x2  }
0x6: {  	s20 =	simm.s32 $0x80;
	s21 =	simm.s32 $0x3000;
	s22 =	simm.s32 $0x2C00  }
0x7: {  	s28 =	simm.s32 $0x4;
	s29 =	simm.s32 $0x2980;
	s30 =	simm.s32 $0x2A00  }
0x8: {  	s31 =	simm.s32 $0x2A80;
	[smem:$0x7FF] =	sst s3;
	s9 =	smul.u32 $0x4E000, s11  }
0x9: {  	s5 =	sadd.s32 $0x2600, s0;
	s10 =	sadd.s32 $0x16600, s0;
	s14 =	smul.u32 $0x2800, s11  }
0xa: {  	s4 =	sand.u32 $0x1, s4;
	s24 =	smul.u32 $0x2700, s11;
	p0 =	sne.s32 s11, $0xF  }
0xb: {  	_ =	strace $0x8000004D;
	[dreg:$0x4] =	wrdreg s10;
	s6 =	smul.u32 $0x27100, s4  }
0xc: {  	s7 =	sshll.u32 s4, $0x4;
	s8 =	ssub.s32 $0x2, s4;
	s4 =	smul.u32 $0x28000, s4  }
0xd: {  	s10 =	sshll.u32 s11, $0x6;
	s7 =	sor.u32 s11, s7;
	s12 =	sshrl.u32 s8, $0x1  }
0xe: {  	s13 =	sshrl.u32 s9, $0x2;
	[dreg:$0x5] =	wrdreg s10;
	s10 =	sor.u32 $0x1C03, s10  }
0xf: {  	s9 =	simm.s32 $0x2D00;
	s11 =	simm.s32 $0x2E80;
	s0 =	sadd.s32 s6, s0  }
0x10: {  	s7 =	smul.u32 $0x2800, s7;
	s6 =	ssub.s32 s8, s12;
	s8 =	sadd.s32 s13, s2  }
0x11: {  	[dreg:$0x6] =	wrdreg s10;
	s4 =	sadd.s32 s14, s4;
	s10 =	simm.s32 $0x2F00  }
0x12: {  	s12 =	simm.s32 $0x2F80;
	s13 =	simm.s32 $0x0;
	s15 =	sadd.s32 $0x18E00, s0  }
0x13: {  	s23 =	sadd.s32 $0x50800, s4;
	s4 =	sadd.s32 $0x50400, s4;
	s6 =	smax.u32 s6, $0x1  }
0x14: {  	s14 =	sshrl.u32 s8, $0x3;
	s8 =	simm.s32 $0x2E00;
	s7 =	sshrl.u32 s7, $0x3  }
0x15: {  	s0 =	sshrl.u32 s23, $0x3;
	s4 =	sshrl.u32 s4, $0x3;
	[dreg:$0xa] =	wrdreg s6  }
0x16: {  	s23 =	simm.s32 $0x7000;
	[dreg:$0x9] =	wrdreg s15;
	s26 =	sadd.s32 s24, s15  }
0x17: {  	s15 =	simm.s32 $0x5;
	s6 =	simm.s32 $0x2D80;
	[dreg:$0xd] =	wrdreg s14  }
0x18: {  	s24 =	simm.s32 $0x0;
	s7 =	sadd.s32 s5, s7;
	[dreg:$0xf] =	wrdreg s26  }
.Ltmp0:
0x19: {  	s0 =	sadd.s32 s0, s5;
	[dreg:$0x7] =	wrdreg s7;
	(pc) =	sbr.rel .LBB2_1-.Ltmp0, $4  }
0x1a: {  	s25 =	sadd.s32 s4, s5;
	s7 =	sadd.s32 $0xA000, s7;
	[dreg:$0xb] =	wrdreg s0  }
0x1b: {  	s26 =	simm.s32 $0x2900;
	[dreg:$0x8] =	wrdreg s7;
	s7 =	sadd.s32 $0x138000, s2  }
0x1c: {  	s4 =	simm.s32 $0x2B80;
	[dreg:$0xc] =	wrdreg s25;
	s16 =	sshrl.u32 @!p0 s7, $0x3  }
0x1d: {  	s0 =	simm.s32 $0x2B00;
	s7 =	simm.s32 $0x2C80;
	[dreg:$0xe] =	wrdreg s16  }
.LBB2_4:
0x1e: {  	_ =	swait.ge [sflag:s28], $0x4000  }
0x1f: {  	[sflag:s28] =	ssyncset.done $0x0  }
0x20: {  	[sflag:s28] =	ssyncadd.s32 $0xFFFFC000  }
0x21: {  	[bflag:$0x0] =	sbarrier.arrive $0xFFFF  }
0x22: {  	s3 =	rddreg [dreg:$0x5]  }
0x23: {  	s14 =	rddreg [dreg:$0xd]  }
0x24: {  	s16 =	simm.s32 $0x6;
	s5 =	rddreg [dreg:$0xf];
	s3 =	sor.u32 $0x1C06, s3  }
0x25: {  	[hbm:s5], [sflag:s3] =	dma.local [spmem:s14], $0x2700  }
0x26: {  	_ =	swait.ge [sflag:s16], $0x2700  }
0x27: {  	[sflag:s16] =	ssyncset.done $0x0;
	s5 =	rddreg [dreg:$0x9]  }
0x28: {  	[sflag:s16] =	ssyncadd.s32 $0xFFFFD900;
	s5 =	sadd.s32 @!p0 $0x27000, s5;
	s16 =	rddreg [dreg:$0xe]  }
0x29: {  	[hbm:s5], [sflag:s3] =	dma.local @!p0 [spmem:s16], $0x100  }
0x2a: {  	s3 =	simm.s32 @!p0 $0x6  }
0x2b: {  	_ =	swait.ge @!p0 [sflag:s3], $0x100  }
0x2c: {  	s13 =	rddreg [dreg:$0x10]  }
0x2d: {  	s25 =	rddreg [dreg:$0xa];
	s13 =	sadd.s32 $0x1, s13  }
0x2e: {  	p1 =	sne.s32 s13, s25  }
.Ltmp1:
0x2f: {  	_ = 	snop;
	(pc) =	sbr.rel @!p1 .LBB2_5-.Ltmp1, $3  }
0x30: {  	_ =	sdelay $0x1  }
0x31: {  	[sflag:s3] =	ssyncset.done @!p0 $0x0  }
0x32: {  	[sflag:s3] =	ssyncadd.s32 @!p0 $0xFFFFFF00  }
.LBB2_1:
0x33: {  	[dreg:$0x10] =	wrdreg s13  }
0x34: {  	s13 =	rddreg [dreg:$0x4]  }
0x35: {  	s3 =	rddreg [dreg:$0x6]  }
0x36: {  	[spmem:s14], [sflag:s3] =	dma.local [hbm:s13], $0x2700  }
0x37: {  	s3 =	simm.s32 $0x0;
	s5 =	rddreg [dreg:$0x7]  }
0x38: {  	[tilespmem:s3], [sflag:$0x1] =	stream.linear.gather [hbm4b:s5+s3], $0x2800, $0x38;
	[tilespmem:$0x1EC80] =	vst v63  }
0x39: {  	s25 =	simm.s32 $0x2800;
	s14 =	rddreg [dreg:$0x8];
	s5 =	simm.s32 @!p0 $0x1FC4  }
0x3a: {  	[tilespmem:s25], [sflag:$0x2] =	stream.linear.gather [hbm4b:s14+s3], $0x400, $0x38;
	[tilespmem:$0x1EC80] =	vst v63  }
0x3b: {  	[spmem:s16], [sflag:s5] =	dma.local @!p0 [hbm:s13], $0x900  }
0x3c: {  	s5 =	simm.s32 @!p0 $0x4  }
0x3d: {  	_ =	swait.ge @!p0 [sflag:s5], $0x900  }
0x3e: {  	[sflag:s5] =	ssyncset.done @!p0 $0x0  }
0x3f: {  	[sflag:s5] =	ssyncadd.s32 @!p0 $0xFFFFF700  }
0x40: {  	_ =	swait.ge [sflag:s17], $0x2700  }
0x41: {  	[sflag:s17] =	ssyncset.done $0x0  }
0x42: {  	[sflag:s17] =	ssyncadd.s32 $0xFFFFD900  }
0x43: {  	_ =	swait.ge [sflag:s18], $0x2800  }
0x44: {  	[sflag:s18] =	ssyncset.done $0x0  }
0x45: {  	[sflag:s18] =	ssyncadd.s32 $0xFFFFD800  }
0x46: {  	_ =	swait.ge [sflag:s19], $0x400  }
0x47: {  	[sflag:s19] =	ssyncset.done $0x0  }
0x48: {  	[sflag:s19] =	ssyncadd.s32 $0xFFFFFC00  }
0x49: {  	[bflag:$0x0] =	sbarrier.arrive $0xFFFF  }
0x4a: {  	[tilespmem:s21], [sflag:$0x1] =	stream.indirect.gather [hbm4b:s1+s20], $0x80, s3, s20, $0xb8;
	[tilespmem:$0x1EC80] =	vst v63  }
0x4b: {  	s13 =	rddreg [dreg:$0xc]  }
0x4c: {  	s14 =	simm.s32 $0x0;
	s5 =	rddreg [dreg:$0xb]  }
.LBB2_2:
0x4d: {  	p1 =	seq.s32 s14, $0x0  }
0x4e: {  	s16 =	simm.s32 @p1 $0x1  }
0x4f: {  	_ =	swait.ge @p1 [sflag:s16], $0x4000  }
0x50: {  	s25 =	simm.s32 @p1 $0x2800;
	[sflag:s16] =	ssyncset.done @p1 $0x0  }
0x51: {  	s3 =	simm.s32 @p1 $0x3000;
	[sflag:s16] =	ssyncadd.s32 @p1 $0xFFFFC000;
	s16 =	simm.s32 @p1 $0x80  }
0x52: {  	[spmem:s2] =	stream.indirect.scatter.add.f32 @p1 [tilespmem:s3], [sflag:$0x3], $0x80, s25, s16, $0xb8;
	[tilespmem:$0x1EC80] =	vst v63  }
0x53: {  	s3 =	simm.s32 @!p1 $0x5  }
0x54: {  	_ =	swait.ge @!p1 [sflag:s3], $0x400  }
0x55: {  	[sflag:s3] =	ssyncset.done @!p1 $0x0  }
0x56: {  	[sflag:s3] =	ssyncadd.s32 @!p1 $0xFFFFFC00;
	s3 =	simm.s32 @!p1 $0x1  }
0x57: {  	_ =	swait.ge @!p1 [sflag:s3], $0x4000  }
0x58: {  	s16 =	simm.s32 @!p1 $0x2800;
	[sflag:s3] =	ssyncset.done @!p1 $0x0  }
0x59: {  	s25 =	simm.s32 @!p1 $0x3000;
	[sflag:s3] =	ssyncadd.s32 @!p1 $0xFFFFC000;
	s3 =	simm.s32 @!p1 $0x80  }
0x5a: {  	[spmem:s2] =	stream.indirect.scatter.add.f32 @!p1 [tilespmem:s25], [sflag:$0x3], $0x80, s16, s3, $0xb8;
	[tilespmem:$0x1EC80] =	vst v63  }
0x5b: {  	s3 =	simm.s32 @!p1 $0x4  }
0x5c: {  	_ =	swait.ge @!p1 [sflag:s3], $0x4000  }
0x5d: {  	[sflag:s3] =	ssyncset.done @!p1 $0x0  }
0x5e: {  	s16 =	sshra.s32 s14, $0x2;
	[sflag:s3] =	ssyncadd.s32 @!p1 $0xFFFFC000  }
0x5f: {  	[tilespmem:s22], [sflag:$0x5] =	stream.linear.gather [hbm4b:s13+s24], $0x400, $0x38;
	[tilespmem:$0x1EC80] =	vst v63  }
0x60: {  	s25 =	sadd.s32 $0x80, s16  }
0x61: {  	[tilespmem:s23], [sflag:$0x2] =	stream.indirect.gather [hbm4b:s1+s20], $0x80, s25, s20, $0xb8;
	[tilespmem:$0x1EC80] =	vst v63  }
0x62: {  	_ =	swait.ge [sflag:s19], $0x4000  }
0x63: {  	[sflag:s19] =	ssyncset.done $0x0  }
0x64: {  	s25 =	simm.s32 $0x2880;
	[sflag:s19] =	ssyncadd.s32 $0xFFFFC000  }
0x65: {  	[spmem:s2] =	stream.indirect.scatter.add.f32 [tilespmem:s23], [sflag:$0x4], $0x80, s25, s20, $0xb8;
	[tilespmem:$0x1EC80] =	vst v63  }
0x66: {  	_ =	swait.ge [sflag:s17], $0x4000  }
0x67: {  	[sflag:s17] =	ssyncset.done $0x0  }
0x68: {  	s25 =	sadd.s32 $0x100, s16;
	[sflag:s17] =	ssyncadd.s32 $0xFFFFC000  }
0x69: {  	[tilespmem:s21], [sflag:$0x1] =	stream.indirect.gather [hbm4b:s1+s20], $0x80, s25, s20, $0xb8;
	[tilespmem:$0x1EC80] =	vst v63  }
0x6a: {  	_ =	swait.ge [sflag:s18], $0x4000  }
0x6b: {  	[sflag:s18] =	ssyncset.done $0x0  }
0x6c: {  	[sflag:s18] =	ssyncadd.s32 $0xFFFFC000  }
0x6d: {  	[spmem:s2] =	stream.indirect.scatter.add.f32 [tilespmem:s21], [sflag:$0x3], $0x80, s26, s20, $0xb8;
	[tilespmem:$0x1EC80] =	vst v63  }
0x6e: {  	_ =	swait.ge [sflag:s28], $0x4000  }
0x6f: {  	[sflag:s28] =	ssyncset.done $0x0  }
0x70: {  	s25 =	sadd.s32 $0x180, s16;
	[sflag:s28] =	ssyncadd.s32 $0xFFFFC000  }
0x71: {  	[tilespmem:s23], [sflag:$0x2] =	stream.indirect.gather [hbm4b:s1+s20], $0x80, s25, s20, $0xb8;
	[tilespmem:$0x1EC80] =	vst v63  }
0x72: {  	_ =	swait.ge [sflag:s19], $0x4000  }
0x73: {  	[sflag:s19] =	ssyncset.done $0x0  }
0x74: {  	[sflag:s19] =	ssyncadd.s32 $0xFFFFC000  }
0x75: {  	[spmem:s2] =	stream.indirect.scatter.add.f32 [tilespmem:s23], [sflag:$0x4], $0x80, s29, s20, $0xb8;
	[tilespmem:$0x1EC80] =	vst v63  }
0x76: {  	_ =	swait.ge [sflag:s17], $0x4000  }
0x77: {  	[sflag:s17] =	ssyncset.done $0x0  }
0x78: {  	s25 =	sadd.s32 $0x200, s16;
	[sflag:s17] =	ssyncadd.s32 $0xFFFFC000  }
0x79: {  	[tilespmem:s21], [sflag:$0x1] =	stream.indirect.gather [hbm4b:s1+s20], $0x80, s25, s20, $0xb8;
	[tilespmem:$0x1EC80] =	vst v63  }
0x7a: {  	_ =	swait.ge [sflag:s18], $0x4000  }
0x7b: {  	[sflag:s18] =	ssyncset.done $0x0  }
0x7c: {  	[sflag:s18] =	ssyncadd.s32 $0xFFFFC000  }
0x7d: {  	[spmem:s2] =	stream.indirect.scatter.add.f32 [tilespmem:s21], [sflag:$0x3], $0x80, s30, s20, $0xb8;
	[tilespmem:$0x1EC80] =	vst v63  }
0x7e: {  	_ =	swait.ge [sflag:s28], $0x4000  }
0x7f: {  	[sflag:s28] =	ssyncset.done $0x0  }
0x80: {  	s25 =	sadd.s32 $0x280, s16;
	[sflag:s28] =	ssyncadd.s32 $0xFFFFC000  }
0x81: {  	[tilespmem:s23], [sflag:$0x2] =	stream.indirect.gather [hbm4b:s1+s20], $0x80, s25, s20, $0xb8;
	[tilespmem:$0x1EC80] =	vst v63  }
0x82: {  	_ =	swait.ge [sflag:s19], $0x4000  }
0x83: {  	[sflag:s19] =	ssyncset.done $0x0  }
0x84: {  	[sflag:s19] =	ssyncadd.s32 $0xFFFFC000  }
0x85: {  	[spmem:s2] =	stream.indirect.scatter.add.f32 [tilespmem:s23], [sflag:$0x4], $0x80, s31, s20, $0xb8;
	[tilespmem:$0x1EC80] =	vst v63  }
0x86: {  	_ =	swait.ge [sflag:s17], $0x4000  }
0x87: {  	[sflag:s17] =	ssyncset.done $0x0  }
0x88: {  	s25 =	sadd.s32 $0x300, s16;
	[sflag:s17] =	ssyncadd.s32 $0xFFFFC000  }
0x89: {  	[tilespmem:s21], [sflag:$0x1] =	stream.indirect.gather [hbm4b:s1+s20], $0x80, s25, s20, $0xb8;
	[tilespmem:$0x1EC80] =	vst v63  }
0x8a: {  	_ =	swait.ge [sflag:s18], $0x4000  }
0x8b: {  	[sflag:s18] =	ssyncset.done $0x0  }
0x8c: {  	[sflag:s18] =	ssyncadd.s32 $0xFFFFC000  }
0x8d: {  	[spmem:s2] =	stream.indirect.scatter.add.f32 [tilespmem:s21], [sflag:$0x3], $0x80, s0, s20, $0xb8;
	[tilespmem:$0x1EC80] =	vst v63  }
0x8e: {  	_ =	swait.ge [sflag:s28], $0x4000  }
0x8f: {  	[sflag:s28] =	ssyncset.done $0x0  }
0x90: {  	s25 =	sadd.s32 $0x380, s16;
	[sflag:s28] =	ssyncadd.s32 $0xFFFFC000  }
0x91: {  	[tilespmem:s23], [sflag:$0x2] =	stream.indirect.gather [hbm4b:s1+s20], $0x80, s25, s20, $0xb8;
	[tilespmem:$0x1EC80] =	vst v63  }
0x92: {  	_ =	swait.ge [sflag:s19], $0x4000  }
0x93: {  	[sflag:s19] =	ssyncset.done $0x0  }
0x94: {  	[sflag:s19] =	ssyncadd.s32 $0xFFFFC000  }
0x95: {  	[spmem:s2] =	stream.indirect.scatter.add.f32 [tilespmem:s23], [sflag:$0x4], $0x80, s4, s20, $0xb8;
	[tilespmem:$0x1EC80] =	vst v63  }
0x96: {  	_ =	swait.ge [sflag:s17], $0x4000  }
0x97: {  	[sflag:s17] =	ssyncset.done $0x0  }
0x98: {  	s25 =	sadd.s32 $0x400, s16;
	[sflag:s17] =	ssyncadd.s32 $0xFFFFC000  }
0x99: {  	[tilespmem:s21], [sflag:$0x1] =	stream.indirect.gather [hbm4b:s1+s20], $0x80, s25, s20, $0xb8;
	[tilespmem:$0x1EC80] =	vst v63  }
0x9a: {  	_ =	swait.ge [sflag:s15], $0x400  }
0x9b: {  	[sflag:s15] =	ssyncset.done $0x0  }
0x9c: {  	[sflag:s15] =	ssyncadd.s32 $0xFFFFFC00  }
0x9d: {  	_ =	swait.ge [sflag:s18], $0x4000  }
0x9e: {  	[sflag:s18] =	ssyncset.done $0x0  }
0x9f: {  	[sflag:s18] =	ssyncadd.s32 $0xFFFFC000  }
0xa0: {  	[spmem:s2] =	stream.indirect.scatter.add.f32 [tilespmem:s21], [sflag:$0x3], $0x80, s22, s20, $0xb8;
	[tilespmem:$0x1EC80] =	vst v63  }
0xa1: {  	_ =	swait.ge [sflag:s28], $0x4000  }
0xa2: {  	p1 =	seq.s32 s14, $0x8000;
	[sflag:s28] =	ssyncset.done $0x0  }
0xa3: {  	s3 =	simm.s32 @!p1 $0x0;
	s25 =	simm.s32 @!p1 $0x2800;
	[sflag:s28] =	ssyncadd.s32 $0xFFFFC000  }
0xa4: {  	[tilespmem:s25], [sflag:$0x5] =	stream.linear.gather @!p1 [hbm4b:s5+s3], $0x400, $0x38;
	[tilespmem:$0x1EC80] =	vst v63  }
0xa5: {  	s25 =	sadd.s32 $0x480, s16  }
0xa6: {  	[tilespmem:s23], [sflag:$0x2] =	stream.indirect.gather [hbm4b:s1+s20], $0x80, s25, s20, $0xb8;
	[tilespmem:$0x1EC80] =	vst v63  }
0xa7: {  	_ =	swait.ge [sflag:s19], $0x4000  }
0xa8: {  	[sflag:s19] =	ssyncset.done $0x0  }
0xa9: {  	[sflag:s19] =	ssyncadd.s32 $0xFFFFC000  }
0xaa: {  	[spmem:s2] =	stream.indirect.scatter.add.f32 [tilespmem:s23], [sflag:$0x4], $0x80, s7, s20, $0xb8;
	[tilespmem:$0x1EC80] =	vst v63  }
0xab: {  	_ =	swait.ge [sflag:s17], $0x4000  }
0xac: {  	[sflag:s17] =	ssyncset.done $0x0  }
0xad: {  	s25 =	sadd.s32 $0x500, s16;
	[sflag:s17] =	ssyncadd.s32 $0xFFFFC000  }
0xae: {  	[tilespmem:s21], [sflag:$0x1] =	stream.indirect.gather [hbm4b:s1+s20], $0x80, s25, s20, $0xb8;
	[tilespmem:$0x1EC80] =	vst v63  }
0xaf: {  	_ =	swait.ge [sflag:s18], $0x4000  }
0xb0: {  	[sflag:s18] =	ssyncset.done $0x0  }
0xb1: {  	[sflag:s18] =	ssyncadd.s32 $0xFFFFC000  }
0xb2: {  	[spmem:s2] =	stream.indirect.scatter.add.f32 [tilespmem:s21], [sflag:$0x3], $0x80, s9, s20, $0xb8;
	[tilespmem:$0x1EC80] =	vst v63  }
0xb3: {  	_ =	swait.ge [sflag:s28], $0x4000  }
0xb4: {  	[sflag:s28] =	ssyncset.done $0x0  }
0xb5: {  	s25 =	sadd.s32 $0x580, s16;
	[sflag:s28] =	ssyncadd.s32 $0xFFFFC000  }
0xb6: {  	[tilespmem:s23], [sflag:$0x2] =	stream.indirect.gather [hbm4b:s1+s20], $0x80, s25, s20, $0xb8;
	[tilespmem:$0x1EC80] =	vst v63  }
0xb7: {  	_ =	swait.ge [sflag:s19], $0x4000  }
0xb8: {  	[sflag:s19] =	ssyncset.done $0x0  }
0xb9: {  	[sflag:s19] =	ssyncadd.s32 $0xFFFFC000  }
0xba: {  	[spmem:s2] =	stream.indirect.scatter.add.f32 [tilespmem:s23], [sflag:$0x4], $0x80, s6, s20, $0xb8;
	[tilespmem:$0x1EC80] =	vst v63  }
0xbb: {  	_ =	swait.ge [sflag:s17], $0x4000  }
0xbc: {  	[sflag:s17] =	ssyncset.done $0x0  }
0xbd: {  	s25 =	sadd.s32 $0x600, s16;
	[sflag:s17] =	ssyncadd.s32 $0xFFFFC000  }
0xbe: {  	[tilespmem:s21], [sflag:$0x1] =	stream.indirect.gather [hbm4b:s1+s20], $0x80, s25, s20, $0xb8;
	[tilespmem:$0x1EC80] =	vst v63  }
0xbf: {  	_ =	swait.ge [sflag:s18], $0x4000  }
0xc0: {  	[sflag:s18] =	ssyncset.done $0x0  }
0xc1: {  	[sflag:s18] =	ssyncadd.s32 $0xFFFFC000  }
0xc2: {  	[spmem:s2] =	stream.indirect.scatter.add.f32 [tilespmem:s21], [sflag:$0x3], $0x80, s8, s20, $0xb8;
	[tilespmem:$0x1EC80] =	vst v63  }
0xc3: {  	_ =	swait.ge [sflag:s28], $0x4000  }
0xc4: {  	[sflag:s28] =	ssyncset.done $0x0  }
0xc5: {  	s25 =	sadd.s32 $0x680, s16;
	[sflag:s28] =	ssyncadd.s32 $0xFFFFC000  }
0xc6: {  	[tilespmem:s23], [sflag:$0x2] =	stream.indirect.gather [hbm4b:s1+s20], $0x80, s25, s20, $0xb8;
	[tilespmem:$0x1EC80] =	vst v63  }
0xc7: {  	_ =	swait.ge [sflag:s19], $0x4000  }
0xc8: {  	[sflag:s19] =	ssyncset.done $0x0  }
0xc9: {  	[sflag:s19] =	ssyncadd.s32 $0xFFFFC000  }
0xca: {  	[spmem:s2] =	stream.indirect.scatter.add.f32 [tilespmem:s23], [sflag:$0x4], $0x80, s11, s20, $0xb8;
	[tilespmem:$0x1EC80] =	vst v63  }
0xcb: {  	_ =	swait.ge [sflag:s17], $0x4000  }
0xcc: {  	[sflag:s17] =	ssyncset.done $0x0  }
0xcd: {  	s25 =	sadd.s32 $0x700, s16;
	[sflag:s17] =	ssyncadd.s32 $0xFFFFC000  }
0xce: {  	[tilespmem:s21], [sflag:$0x1] =	stream.indirect.gather [hbm4b:s1+s20], $0x80, s25, s20, $0xb8;
	[tilespmem:$0x1EC80] =	vst v63  }
0xcf: {  	_ =	swait.ge [sflag:s18], $0x4000  }
0xd0: {  	[sflag:s18] =	ssyncset.done $0x0  }
0xd1: {  	[sflag:s18] =	ssyncadd.s32 $0xFFFFC000  }
0xd2: {  	[spmem:s2] =	stream.indirect.scatter.add.f32 [tilespmem:s21], [sflag:$0x3], $0x80, s10, s20, $0xb8;
	[tilespmem:$0x1EC80] =	vst v63  }
0xd3: {  	_ =	swait.ge [sflag:s28], $0x4000  }
0xd4: {  	[sflag:s28] =	ssyncset.done $0x0  }
0xd5: {  	s25 =	sadd.s32 $0x780, s16;
	[sflag:s28] =	ssyncadd.s32 $0xFFFFC000  }
0xd6: {  	[tilespmem:s23], [sflag:$0x2] =	stream.indirect.gather [hbm4b:s1+s20], $0x80, s25, s20, $0xb8;
	[tilespmem:$0x1EC80] =	vst v63  }
0xd7: {  	_ =	swait.ge [sflag:s19], $0x4000  }
0xd8: {  	[sflag:s19] =	ssyncset.done $0x0  }
.Ltmp2:
0xd9: {  	[sflag:s19] =	ssyncadd.s32 $0xFFFFC000;
	(pc) =	sbr.rel @p1 .LBB2_4-.Ltmp2, $4  }
0xda: {  	[spmem:s2] =	stream.indirect.scatter.add.f32 [tilespmem:s23], [sflag:$0x4], $0x80, s12, s20, $0xb8;
	[tilespmem:$0x1EC80] =	vst v63  }
0xdb: {  	_ =	swait.ge [sflag:s17], $0x4000  }
0xdc: {  	[sflag:s17] =	ssyncset.done $0x0  }
0xdd: {  	[sflag:s17] =	ssyncadd.s32 $0xFFFFC000  }
.Ltmp3:
0xde: {  	(pc) =	sbr.rel .LBB2_2-.Ltmp3, $4  }
0xdf: {  	_ = 	snop  }
0xe0: {  	s3 =	sadd.s32 $0x800, s16  }
0xe1: {  	s14 =	sadd.s32 $0x2000, s14;
	s5 =	sadd.s32 $0x100, s5;
	s13 =	sadd.s32 $0x100, s13  }
0xe2: {  	[tilespmem:s21], [sflag:$0x1] =	stream.indirect.gather [hbm4b:s1+s20], $0x80, s3, s20, $0xb8;
	[tilespmem:$0x1EC80] =	vst v63  }
.LBB2_5:
0xe3: {  	_ =	sfence.sel $0x180000  }
0xe4: {  	[bflag:$0x0] =	sbarrier.arrive $0xFFFF  }
0xe5: {  	_ =	strace $0x9000004D  }
0xe6: {  	s0 =	stileid.u32;
	[bflag:$0x2] =	sbarrier.arrive $0xFFFF  }
0xe7: {  	p0 =	sne.s32 s0, $0x0;
	s0 =	rddreg [dreg:$0x3]  }
0xe8: {  	s0 =	sadd.s32 @!p0 $0x100000, s0  }
0xe9: {  	[sflag:s0] =	ssyncadd.tile.s32 @!p0 $0x1;
	_ =	shalt  }
.Lfunc_end2:
_tile_overlayer_lowered:
.L_overlay_start_2:
0xea: {  	(tag) =	ssettag $0x2  }
0xeb: {  	s0 =	rddreg [dreg:$0x0];
	s2 =	stileid.u32  }
0xec: {  	s1 =	rddreg [dreg:$0x1];
	p0 =	sne.s32 s2, $0x0  }
0xed: {  	s3 =	rddreg [dreg:$0x2];
	[bflag:$0x3] =	sbarrier.arrive $0xFFFF;
	s2 =	simm.s32 @!p0 $0x1C06  }
0xee: {  	[timem:s3], [sflag:s2] =	dma.local @!p0 [hbm:s0], s1  }
0xef: {  	s0 =	simm.s32 @!p0 $0x6  }
0xf0: {  	_ =	swait.ge @!p0 [sflag:s0], s1  }
0xf1: {  	s1 =	ssub.s32 @!p0 $0x0, s1;
	[sflag:s0] =	ssyncset.done @!p0 $0x0  }
0xf2: {  	[sflag:s0] =	ssyncadd.s32 @!p0 s1  }
0xf3: {  	[bflag:$0x3] =	sbarrier.arrive $0xFFFF  }
0xf4: {  	_ =	shalt  }

// kernel: kernel.9.cloned.1.call-start
scs
__scs_entry_jumppad:
0x0: {  	(pc) =	sbr.rel $0x88, $3  }
0x1: {  	(tag) =	ssettag $0x0;
	lr =	simm.s32 $0x1  }
0x2: {  	[smem:$0x3F9B] =	sst lr;
	_ =	strace $0xD0000000  }
0x3: {  	_ = 	snop  }
0x4: {  	_ = 	snop  }
0x5: {  	_ = 	snop  }
0x6: {  	_ = 	snop  }
0x7: {  	_ = 	snop  }
__scs_overlays_trampoline_lowered:
0x8: {  	[smem:$0x3FAA] =	sst s0  }
0x9: {  	[smem:$0x3FAB] =	sst s1  }
0xa: {  	[smem:$0x3FAC] =	sst s2  }
0xb: {  	[smem:$0x3FAD] =	sst s3  }
0xc: {  	[smem:$0x3FAE] =	sst s4  }
0xd: {  	[smem:$0x3FAF] =	sst s5  }
0xe: {  	[smem:$0x3FB0] =	sst s6  }
0xf: {  	[smem:$0x3FB1] =	sst s7  }
0x10: {  	[smem:$0x3FB2] =	sst s8  }
0x11: {  	[smem:$0x3FB3] =	sst s9;
	s0 =	simm.s32 @!p0 $0x0  }
0x12: {  	s1 =	sld [smem:$0x3F99];
	s0 =	simm.s32 @p0 $0x1  }
0x13: {  	[smem:$0x3FB4] =	sst s0;
	s0 =	simm.s32 @!p1 $0x0  }
0x14: {  	s2 =	sld [smem:$0x3F98];
	s0 =	simm.s32 @p1 $0x1  }
0x15: {  	[smem:$0x3FB5] =	sst s0;
	s0 =	simm.s32 @!p2 $0x0  }
0x16: {  	s3 =	sld [smem:$0x3FDB];
	s0 =	simm.s32 @p2 $0x1  }
0x17: {  	s4 =	simm.s32 $0x1BF5;
	[smem:$0x3FB7] =	sst s0  }
0x18: {  	s0 =	sld [smem:$0x3F9A];
	_ =	swait.ge [sflag:s4], $0x0  }
0x19: {  	s7 =	sld [smem:$0x3F9B]  }
0x1a: {  	s8 =	sadd.s32 $0xFFFFE003, lr  }
0x1b: {  	s9 =	sadd.s32 $0xFFFFFEF7, lr;
	s5 =	simm.s32 $0xFFFFFFFF;
	p2 =	slt.u32 s8, $0xFFFFF086  }
0x1c: {  	p1 =	slt.u32 s9, $0xF7A;
	s5 =	simm.s32 @!p2 $0x0  }
0x1d: {  	s5 =	simm.s32 @p1 $0x1;
	p0 =	seq.s32 s7, s2  }
0x1e: {  	s7 =	smul.u32 @!p0 $0xF7A, s2;
	p2 =	seq.s32 @!p0 s5, $0x0  }
0x1f: {  	s9 =	smul.u32 $0xF7A, s1;
	s8 =	simm.s32 @!p0 $0x1BF5;
	p2 =	por !p2, p0  }
0x20: {  	[sflag:s8] =	ssyncset.s32 @!p0 $0xFFFFF086;
	s6 =	sadd.s32 @!p0 s3, s7;
	s7 =	simm.s32 @!p0 $0x108  }
0x21: {  	s3 =	sadd.s32 s3, s9;
	s6 =	sadd.s32 @!p0 $0x88, s6;
	s7 =	simm.s32 @p2 $0x1082  }
0x22: {  	[simem:s7], [sflag:s8] =	dma.local @!p0 [hbm:s6], $0xF7A  }
0x23: {  	s9 =	sor.u32 $0xD0000000, s2;
	s6 =	simm.s32 $0x108;
	_ =	swait.ge @!p0 [sflag:s8], $0x0  }
0x24: {  	s3 =	sadd.s32 $0x88, s3;
	s6 =	simm.s32 @!p1 $0x1082;
	[sflag:s4] =	ssyncset.s32 $0xFFFFF086  }
0x25: {  	[simem:s6], [sflag:s4] =	dma.local [hbm:s3], $0xF7A  }
0x26: {  	[smem:$0x3F9B] =	sst s1;
	(tag) =	ssettag s2;
	_ =	strace s9  }
0x27: {  	s1 =	sld [smem:$0x3FAB]  }
0x28: {  	s2 =	sld [smem:$0x3FAC]  }
0x29: {  	s4 =	sld [smem:$0x3FAE]  }
0x2a: {  	p0 =	seq.s32 s5, $0x0;
	s5 =	sld [smem:$0x3FAF]  }
0x2b: {  	s6 =	sld [smem:$0x3FB0]  }
0x2c: {  	s7 =	sld [smem:$0x3FB1]  }
0x2d: {  	s3 =	simm.s32 $0x108;
	s8 =	sld [smem:$0x3FB2]  }
0x2e: {  	s3 =	simm.s32 @!p0 $0x1082;
	s9 =	sld [smem:$0x3FB3]  }
0x2f: {  	lr =	sadd.s32 s0, s3;
	s0 =	sld [smem:$0x3FAA]  }
0x30: {  	s3 =	sld [smem:$0x3FAD]  }
0x31: {  	[smem:$0x3FB6] =	sst s10  }
0x32: {  	s10 =	sld [smem:$0x3FB4];
	_ =	sdelay $0x3  }
0x33: {  	p0 =	seq.s32 s10, $0x1;
	s10 =	sld [smem:$0x3FB6];
	_ =	sdelay $0x3  }
0x34: {  	[smem:$0x3FB6] =	sst s10  }
0x35: {  	s10 =	sld [smem:$0x3FB5];
	_ =	sdelay $0x3  }
0x36: {  	p1 =	seq.s32 s10, $0x1;
	s10 =	sld [smem:$0x3FB6];
	_ =	sdelay $0x3  }
0x37: {  	[smem:$0x3FB6] =	sst s10  }
0x38: {  	s10 =	sld [smem:$0x3FB7]  }
0x39: {  	_ = 	snop;
	(pc) =	sbr.ind lr, $3  }
0x3a: {  	_ = 	snop  }
0x3b: {  	_ = 	snop  }
0x3c: {  	p2 =	seq.s32 s10, $0x1;
	s10 =	sld [smem:$0x3FB6]  }
0x3d: {  	_ =	shalt  }
0x3e: {  	_ =	shalt  }
0x3f: {  	_ =	shalt  }
0x40: {  	_ =	shalt  }
0x41: {  	_ =	shalt  }
0x42: {  	_ =	shalt  }
0x43: {  	_ =	shalt  }
0x44: {  	_ =	shalt  }
0x45: {  	_ =	shalt  }
0x46: {  	_ =	shalt  }
0x47: {  	_ =	shalt  }
0x48: {  	_ =	shalt  }
0x49: {  	_ =	shalt  }
0x4a: {  	_ =	shalt  }
0x4b: {  	_ =	shalt  }
0x4c: {  	_ =	shalt  }
0x4d: {  	_ =	shalt  }
0x4e: {  	_ =	shalt  }
0x4f: {  	_ =	shalt  }
0x50: {  	_ =	shalt  }
0x51: {  	_ =	shalt  }
0x52: {  	_ =	shalt  }
0x53: {  	_ =	shalt  }
0x54: {  	_ =	shalt  }
0x55: {  	_ =	shalt  }
0x56: {  	_ =	shalt  }
0x57: {  	_ =	shalt  }
0x58: {  	_ =	shalt  }
0x59: {  	_ =	shalt  }
0x5a: {  	_ =	shalt  }
0x5b: {  	_ =	shalt  }
0x5c: {  	_ =	shalt  }
0x5d: {  	_ =	shalt  }
0x5e: {  	_ =	shalt  }
0x5f: {  	_ =	shalt  }
0x60: {  	_ =	shalt  }
0x61: {  	_ =	shalt  }
0x62: {  	_ =	shalt  }
0x63: {  	_ =	shalt  }
0x64: {  	_ =	shalt  }
0x65: {  	_ =	shalt  }
0x66: {  	_ =	shalt  }
0x67: {  	_ =	shalt  }
0x68: {  	_ =	shalt  }
0x69: {  	_ =	shalt  }
0x6a: {  	_ =	shalt  }
0x6b: {  	_ =	shalt  }
0x6c: {  	_ =	shalt  }
0x6d: {  	_ =	shalt  }
0x6e: {  	_ =	shalt  }
0x6f: {  	_ =	shalt  }
0x70: {  	_ =	shalt  }
0x71: {  	_ =	shalt  }
0x72: {  	_ =	shalt  }
0x73: {  	_ =	shalt  }
0x74: {  	_ =	shalt  }
0x75: {  	_ =	shalt  }
0x76: {  	_ =	shalt  }
0x77: {  	_ =	shalt  }
0x78: {  	_ =	shalt  }
0x79: {  	_ =	shalt  }
0x7a: {  	_ =	shalt  }
0x7b: {  	_ =	shalt  }
0x7c: {  	_ =	shalt  }
0x7d: {  	_ =	shalt  }
0x7e: {  	_ =	shalt  }
0x7f: {  	_ =	shalt  }
0x80: {  	_ =	shalt  }
0x81: {  	_ =	shalt  }
0x82: {  	_ =	shalt  }
0x83: {  	_ =	shalt  }
0x84: {  	_ =	shalt  }
0x85: {  	_ =	shalt  }
0x86: {  	_ =	shalt  }
0x87: {  	_ =	shalt  }
.Lfunc_end0:
.L_simem_size_0:
called_computation_lowered:
.L_overlay_start_0:
0x88: {  	s2 =	sld [smem:$0x3FD9]  }
0x89: {  	s3 =	sld [smem:$0x3FFE];
	_ =	sdelay $0x1  }
0x8a: {  	s1 =	srdreg.scid  }
0x8b: {  	s0 =	sand.u32 $0x1, s1  }
0x8c: {  	s17 =	sshll.u32 s0, $0xA;
	s2 =	sadd.s32 s3, s2  }
0x8d: {  	s2 =	sadd.s32 s2, s17  }
0x8e: {  	[smem:$0x3FC2] =	sst s2  }
0x8f: {  	_ = 	snop  }
0x90: {  	s2 =	sld [smem:$0x3FD0];
	(tm) =	ssettm $0x1  }
0x91: {  	s18 =	sld [smem:$0x3FFB];
	_ =	sdelay $0x3  }
0x92: {  	_ =	strace s18  }
0x93: {  	s3 =	sld [smem:$0x3FFC];
	_ =	sdelay $0x3  }
0x94: {  	_ =	strace s3  }
0x95: {  	s3 =	sld [smem:$0x3FFD];
	_ =	sdelay $0x3  }
0x96: {  	_ =	strace s3  }
0x97: {  	_ =	strace $0x8FFFFFFF  }
0x98: {  	s19 =	sld [smem:$0x3FDB];
	_ =	sdelay $0x1  }
0x99: {  	s4 =	simm.s32 $_scs_section_size  }
0x9a: {  	s5 =	simm.s32 $_size__tile_overlayer_lowered;
	s6 =	simm.s32 $_tile_overlayer_lowered  }
0x9b: {  	s22 =	simm.s32 $0x1BFF;
	s21 =	sshll.u32 s6, $0x1;
	s3 =	sadd.s32 s4, s19  }
0x9c: {  	s7 =	simm.s32 $0x0;
	s20 =	sshll.u32 s5, $0x1;
	s5 =	sadd.s32 s21, s3  }
0x9d: {  	[timem:s7], [sflag:s22] =	dma.local [hbm:s5], s20  }
0x9e: {  	_ =	swait.ge [sflag:s22], s20  }
0x9f: {  	s4 =	ssub.s32 $0x0, s20;
	[sflag:s22] =	ssyncset.done $0x0  }
0xa0: {  	[sflag:s22] =	ssyncadd.s32 s4;
	_ =	sdelay $0x1  }
0xa1: {  	s23 =	simm.s32 $0x1B8B  }
0xa2: {  	_ =	swait.ge [sflag:s23], $0x1  }
0xa3: {  	[sflag:s23] =	ssyncset.done $0x0  }
0xa4: {  	s25 =	simm.s32 $0x1B8E;
	s24 =	sld [smem:$0x3FFE];
	[sflag:s23] =	ssyncadd.s32 $0xFFFFFFFF  }
0xa5: {  	s26 =	simm.s32 $execute0_lowered;
	[smem:$0x3FD2] =	sst s25  }
0xa6: {  	s5 =	sshll.u32 s26, $0x1;
	_ =	strace $0x80000046;
	[dreg:$0x1] =	wrdreg $0xFFFFFFFF  }
0xa7: {  	s28 =	simm.s32 $_size_execute0_lowered;
	s3 =	sadd.s32 s3, s5;
	[dreg:$0x0] =	wrdreg $0x0  }
0xa8: {  	s5 =	sshll.u32 s28, $0x1;
	[dreg:$0x2] =	wrdreg s3  }
0xa9: {  	[dreg:$0x3] =	wrdreg s5  }
0xaa: {  	[dreg:$0x4] =	wrdreg $0xC0  }
0xab: {  	_ =	task [dreg:s7], $0x5FFFF  }
0xac: {  	[dreg:$0x1] =	wrdreg $0xFFFFFFFF  }
0xad: {  	[dreg:$0x0] =	wrdreg $0x60  }
0xae: {  	[dreg:$0x2] =	wrdreg s24  }
0xaf: {  	[dreg:$0x3] =	wrdreg s2  }
0xb0: {  	[dreg:$0x4] =	wrdreg $0x2B000  }
0xb1: {  	[dreg:$0x5] =	wrdreg $0x9  }
0xb2: {  	_ =	task.clear_ibuf [dreg:s7], $0x6FFFF;
	_ =	strace $0x90000046  }
0xb3: {  	s29 =	simm.s32 $0x9;
	_ =	strace $0x80000048  }
0xb4: {  	_ =	swait.ge [sflag:s29], $0x1  }
0xb5: {  	[sflag:s29] =	ssyncadd.s32 $0xFFFFFFFF  }
0xb6: {  	_ =	strace $0x90000048  }
0xb7: {  	_ =	sfence  }
0xb8: {  	s30 =	sld [smem:$0x0];
	_ =	sdelay $0x2  }
0xb9: {  	s31 =	sshll.u32 s1, $0xD;
	s1 =	sshrl.u32 s1, $0x2  }
0xba: {  	s3 =	sand.u32 $0x4000, s31;
	s1 =	sadd.s32 s1, s30  }
0xbb: {  	s0 =	sor.u32 s3, s0;
	s1 =	sshll.u32 s1, $0x11  }
0xbc: {  	s0 =	sor.u32 s1, s0  }
0xbd: {  	s0 =	sadd.s32 $0x8F2B, s0  }
0xbe: {  	[sflag:s0] =	ssyncadd.remote.s32 $0x1  }
0xbf: {  	_ =	sfence.sel $0xFFFF  }
0xc0: {  	[dreg:$0x0] =	wrdreg $0xFFFFFFFF;
	(pc) =	sbr.abs _section_cstart, $3  }
0xc1: {  	[dreg:$0x1] =	wrdreg $0xFFFFFFFF  }
0xc2: {  	_ =	task.clear_ibuf [dreg:s7], $0x2FFFF;
	_ =	strace $0x9FFFFFFF  }
0xc3: {  	(tm) =	ssettm $0x7FFFFFFF  }
tec
execute0_lowered:
.L_overlay_start_1:
0x0: {  	(tag) =	ssettag $0x1  }
0x1: {  	s8 =	rddreg [dreg:$0x0]  }
0x2: {  	s9 =	rddreg [dreg:$0x1]  }
0x3: {  	s1 =	rddreg [dreg:$0x2]  }
0x4: {  	s0 =	rddreg [dreg:$0x3];
	s2 =	simm.s32 $0x0  }
0x5: {  	s3 =	srdreg.scid;
	s14 =	simm.s32 $0x2800;
	s15 =	simm.s32 $0x80  }
0x6: {  	[smem:$0x7FF] =	sst s2;
	s6 =	sand.u32 $0x1, s3;
	s3 =	stileid.u32  }
0x7: {  	s16 =	simm.s32 $0x0;
	_ =	strace $0x80000047;
	s10 =	smul.u32 $0x270, s3  }
0x8: {  	s4 =	sshll.u32 s6, $0x4;
	s7 =	ssub.s32 $0x2, s6;
	s13 =	smul.u32 $0x2710, s6  }
0x9: {  	p0 =	sne.s32 s3, $0xF;
	s5 =	sor.u32 s3, s4;
	s4 =	sadd.s32 $0x16600, s8  }
0xa: {  	s11 =	sshrl.u32 s7, $0x1;
	s12 =	smul.u32 $0x2800, s5;
	s5 =	sadd.s32 $0x16800, s8  }
0xb: {  	s11 =	ssub.s32 s7, s11;
	s6 =	sadd.s32 s10, s1;
	s7 =	sadd.s32 $0x2700, s1  }
0xc: {  	s10 =	sadd.s32 s10, s13;
	s31 =	sshrl.u32 s13, $0x3;
	s13 =	simm.s32 $0x1  }
0xd: {  	s10 =	sshrl.u32 s10, $0x3;
	s11 =	smax.u32 s11, $0x1;
	s12 =	sshrl.u32 s12, $0x3  }
0xe: {  	s8 =	sadd.s32 s8, s12;
	s12 =	sadd.s32 s9, s31;
	s9 =	sadd.s32 s9, s10  }
0xf: {  	s8 =	sadd.s32 $0xC600, s8;
	s10 =	sadd.s32 $0x4E0, s12;
	s12 =	simm.s32 $0x2880  }
.LBB2_1:
0x10: {  	[tilespmem:s12], [sflag:$0x1] =	stream.linear.gather [hbm4b:s5+s2], $0x280, $0x38;
	[tilespmem:$0x2D80] =	vst v63  }
0x11: {  	_ =	swait.ge [sflag:s13], $0x280  }
0x12: {  	[sflag:s13] =	ssyncset.done $0x0  }
0x13: {  	[sflag:s13] =	ssyncadd.s32 $0xFFFFFD80  }
0x14: {  	[spmem:s6] =	stream.linear.scatter [tilespmem:s12], [sflag:$0x1], $0x270, $0x38;
	[tilespmem:$0x2D80] =	vst v63  }
0x15: {  	_ =	swait.ge [sflag:s13], $0x270  }
0x16: {  	[sflag:s13] =	ssyncset.done $0x0  }
0x17: {  	s17 =	simm.s32 @!p0 $0x2880;
	[sflag:s13] =	ssyncadd.s32 $0xFFFFFD90  }
0x18: {  	[spmem:s7] =	stream.linear.scatter @!p0 [tilespmem:s17], [sflag:$0x1], $0x90, $0x38;
	[tilespmem:$0x2D80] =	vst v63  }
0x19: {  	s17 =	simm.s32 @!p0 $0x1  }
0x1a: {  	_ =	swait.ge @!p0 [sflag:s17], $0x90  }
0x1b: {  	[sflag:s17] =	ssyncset.done @!p0 $0x0  }
0x1c: {  	[sflag:s17] =	ssyncadd.s32 @!p0 $0xFFFFFF70  }
0x1d: {  	[tilespmem:s14], [sflag:$0x1] =	stream.linear.gather [hbm4b:s4+s2], $0x80, $0x38;
	[tilespmem:$0x2D80] =	vst v63  }
0x1e: {  	_ =	swait.ge [sflag:s13], $0x80  }
0x1f: {  	[sflag:s13] =	ssyncset.done $0x0  }
0x20: {  	[sflag:s13] =	ssyncadd.s32 $0xFFFFFF80  }
0x21: {  	[tilespmem:s2], [sflag:$0x1] =	stream.linear.gather [hbm4b:s8+s2], $0x2800, $0x38;
	[tilespmem:$0x2D80] =	vst v63  }
0x22: {  	_ =	swait.ge [sflag:s13], $0x2800  }
0x23: {  	[sflag:s13] =	ssyncset.done $0x0  }
0x24: {  	[sflag:s13] =	ssyncadd.s32 $0xFFFFD800  }
0x25: {  	s31 =	simm.s32 $0x0;
	[bflag:$0x0] =	sbarrier.arrive $0xFFFF  }
0x26: {  	[spmem:s1] =	stream.indirect.scatter.add.f32 [tilespmem:s14], [sflag:$0x1], $0x1, s31, s15, $0xb8;
	[tilespmem:$0x2D80] =	vst v63  }
0x27: {  	_ =	swait.ge [sflag:s13], $0x80  }
0x28: {  	s17 =	simm.s32 $0x200;
	[sflag:s13] =	ssyncset.done $0x0  }
.LBB2_2:
0x29: {  	s18 =	sshra.s32 s17, $0x2;
	[sflag:s13] =	ssyncadd.s32 $0xFFFFFF80;
	p1 =	sne.s32 s17, $0x9E00  }
0x2a: {  	[spmem:s1] =	stream.indirect.scatter.add.f32 [tilespmem:s14], [sflag:$0x1], $0x1, s18, s15, $0xb8;
	[tilespmem:$0x2D80] =	vst v63  }
.Ltmp0:
0x2b: {  	_ = 	snop;
	(pc) =	sbr.rel @p1 .LBB2_2-.Ltmp0, $4  }
0x2c: {  	_ = 	snop  }
0x2d: {  	s17 =	sadd.s32 $0x200, s17  }
0x2e: {  	_ =	swait.ge [sflag:s13], $0x80  }
0x2f: {  	[sflag:s13] =	ssyncset.done $0x0  }
0x30: {  	[sflag:s13] =	ssyncadd.s32 $0xFFFFFF80  }
0x31: {  	[bflag:$0x0] =	sbarrier.arrive $0xFFFF  }
0x32: {  	[tilespmem:s12], [sflag:$0x1] =	stream.linear.gather [spmem:s6], $0x270, $0x38;
	[tilespmem:$0x2D80] =	vst v63  }
0x33: {  	_ =	swait.ge [sflag:s13], $0x270  }
0x34: {  	[sflag:s13] =	ssyncset.done $0x0  }
0x35: {  	[sflag:s13] =	ssyncadd.s32 $0xFFFFFD90  }
0x36: {  	[hbm4b:s9+s2] =	stream.linear.scatter [tilespmem:s12], [sflag:$0x1], $0x270, $0x38;
	[tilespmem:$0x2D80] =	vst v63  }
0x37: {  	_ =	swait.ge [sflag:s13], $0x270  }
0x38: {  	[sflag:s13] =	ssyncset.done $0x0  }
0x39: {  	s17 =	simm.s32 @!p0 $0x2880;
	s18 =	simm.s32 @!p0 $0x1;
	[sflag:s13] =	ssyncadd.s32 $0xFFFFFD90  }
0x3a: {  	[tilespmem:s17], [sflag:$0x1] =	stream.linear.gather @!p0 [spmem:s7], $0x10, $0x38;
	[tilespmem:$0x2D80] =	vst v63  }
0x3b: {  	s16 =	sadd.s32 $0x1, s16;
	_ =	swait.ge @!p0 [sflag:s18], $0x10  }
0x3c: {  	p1 =	sne.s32 s16, s11;
	[sflag:s18] =	ssyncset.done @!p0 $0x0  }
.Ltmp1:
0x3d: {  	s19 =	simm.s32 @!p0 $0x0;
	[sflag:s18] =	ssyncadd.s32 @!p0 $0xFFFFFFF0;
	(pc) =	sbr.rel @p1 .LBB2_1-.Ltmp1, $4  }
0x3e: {  	[hbm4b:s10+s19] =	stream.linear.scatter @!p0 [tilespmem:s17], [sflag:$0x1], $0x10, $0x38;
	[tilespmem:$0x2D80] =	vst v63  }
0x3f: {  	_ =	swait.ge @!p0 [sflag:s18], $0x10  }
0x40: {  	[sflag:s18] =	ssyncset.done @!p0 $0x0  }
0x41: {  	[sflag:s18] =	ssyncadd.s32 @!p0 $0xFFFFFFF0  }
0x42: {  	_ =	sfence.sel $0x180000  }
0x43: {  	[bflag:$0x0] =	sbarrier.arrive $0xFFFF  }
0x44: {  	p0 =	sne.s32 s3, $0x0;
	_ =	strace $0x90000047  }
0x45: {  	s0 =	sadd.s32 @!p0 $0x100000, s0;
	[bflag:$0x2] =	sbarrier.arrive $0xFFFF  }
0x46: {  	[sflag:s0] =	ssyncadd.tile.s32 @!p0 $0x1;
	_ =	shalt  }
.Lfunc_end2:
_tile_overlayer_lowered:
.L_overlay_start_2:
0x47: {  	(tag) =	ssettag $0x2  }
0x48: {  	s0 =	rddreg [dreg:$0x0];
	s2 =	stileid.u32  }
0x49: {  	s1 =	rddreg [dreg:$0x1];
	p0 =	sne.s32 s2, $0x0  }
0x4a: {  	s3 =	rddreg [dreg:$0x2];
	[bflag:$0x3] =	sbarrier.arrive $0xFFFF;
	s2 =	simm.s32 @!p0 $0x1C01  }
0x4b: {  	[timem:s3], [sflag:s2] =	dma.local @!p0 [hbm:s0], s1  }
0x4c: {  	s0 =	simm.s32 @!p0 $0x1  }
0x4d: {  	_ =	swait.ge @!p0 [sflag:s0], s1  }
0x4e: {  	s1 =	ssub.s32 @!p0 $0x0, s1;
	[sflag:s0] =	ssyncset.done @!p0 $0x0  }
0x4f: {  	[sflag:s0] =	ssyncadd.s32 @!p0 s1  }
0x50: {  	[bflag:$0x3] =	sbarrier.arrive $0xFFFF  }
0x51: {  	_ =	shalt  }

</sc_bundles>
